<compile_context>
chip_gen: v7x
topology: tpu7x:2x2x1
jax: 0.10.2.dev20260603
libtpu: 0.0.44.dev20260713+nightly
codegen_flags: <defaults>
</compile_context>

<pallas_src>
import functools

import jax
import jax.numpy as jnp
from jax import lax
from jax.experimental import pallas as pl
from jax.experimental.pallas import tpu as pltpu
from jax.experimental.pallas import tpu_sc as plsc

N = 10000
E = 320000
D = 128
NC = 2
NS = 16
NW = NC * NS
NP = 10240
RPT_DEG = NP // NS
EPT2 = E // NS
K = 80
EPT = E // NW
CH = EPT // K
ACC = N

f32 = jnp.float32

_mesh = plsc.VectorSubcoreMesh(
    core_axis_name="c", subcore_axis_name="s", num_cores=NC, num_subcores=NS)
_sc_params = pltpu.CompilerParams(needs_layout_passes=False)


@functools.partial(
    pl.kernel,
    out_type=jax.ShapeDtypeStruct((2, NP), f32),
    mesh=_mesh,
    scratch_types=[
        pltpu.VMEM((EPT2,), jnp.int32),
        pltpu.VMEM((NP,), f32),
        pltpu.VMEM((RPT_DEG,), f32),
        pltpu.VMEM((RPT_DEG,), f32),
        pltpu.VMEM_SHARED((NS, NP), f32),
    ],
    compiler_params=_sc_params,
)
def _deg_kernel(idx_hbm, deg_out, idx_v, deg_v, acc_v, tmp_v, deg_sh):
    c = lax.axis_index("c")
    s = lax.axis_index("s")
    row = c * NS + s
    pltpu.sync_copy(idx_hbm.at[row], idx_v)

    zero16 = jnp.zeros((16,), f32)
    ones16 = jnp.ones((16,), f32)

    def zbody(i, carry):
        deg_v[pl.ds(i * 16, 16)] = zero16
        return carry
    lax.fori_loop(0, NP // 16, zbody, None)

    def ebody(e, carry):
        idx = idx_v[pl.ds(e * 16, 16)]
        plsc.addupdate_scatter(deg_v, [idx], ones16)
        return carry
    lax.fori_loop(0, EPT2 // 16, ebody, None)

    pltpu.sync_copy(deg_v, deg_sh.at[s])
    plsc.subcore_barrier()

    base = s * RPT_DEG
    pltpu.sync_copy(deg_sh.at[0, pl.ds(base, RPT_DEG)], acc_v)
    for p in range(1, NS):
        pltpu.sync_copy(deg_sh.at[p, pl.ds(base, RPT_DEG)], tmp_v)

        def abody(i, carry):
            sl = pl.ds(i * 16, 16)
            acc_v[sl] = acc_v[sl] + tmp_v[sl]
            return carry
        lax.fori_loop(0, RPT_DEG // 16, abody, None)
    pltpu.sync_copy(acc_v, deg_out.at[c, pl.ds(base, RPT_DEG)])


@functools.partial(
    pl.kernel,
    out_type=jax.ShapeDtypeStruct((NC, N, D), f32),
    mesh=_mesh,
    scratch_types=[
        pltpu.VMEM((EPT,), jnp.int32),
        pltpu.VMEM((EPT,), jnp.int32),
        pltpu.VMEM((K, D), f32),
        pltpu.VMEM((K, D), f32),
        pltpu.VMEM_SHARED((ACC, D), f32),
        pltpu.SemaphoreType.DMA,
        pltpu.SemaphoreType.DMA,
    ],
    compiler_params=_sc_params,
)
def _scatter_kernel(src_hbm, dst_hbm, h_hbm, out_hbm,
                    src_v, dst_v, rows_a, rows_b, acc_sh, sem_a, sem_b):
    c = lax.axis_index("c")
    s = lax.axis_index("s")
    w = c * NS + s
    pltpu.sync_copy(src_hbm.at[w], src_v)
    pltpu.sync_copy(dst_hbm.at[w], dst_v)

    zero16 = jnp.zeros((16,), f32)

    def zrow(i, carry):
        for j in range(D // 16):
            rows_a[i, pl.ds(j * 16, 16)] = zero16
        return carry
    lax.fori_loop(0, K, zrow, None)

    for i in range(-(-(ACC // K) // NS)):
        m = i * NS + s

        @pl.when(m < ACC // K)
        def _():
            pltpu.sync_copy(rows_a, acc_sh.at[pl.ds(m * K, K)])
    plsc.subcore_barrier()

    pltpu.async_copy(h_hbm.at[src_v.at[pl.ds(0, K)]], rows_a, sem_a)

    def pair(j2, carry):
        j = j2 * 2 * K
        pltpu.make_async_copy(
            h_hbm.at[src_v.at[pl.ds(j, K)]], rows_a, sem_a).wait()
        pltpu.async_copy(h_hbm.at[src_v.at[pl.ds(j + K, K)]], rows_b, sem_b)
        pltpu.sync_copy(rows_a, acc_sh.at[dst_v.at[pl.ds(j, K)]], add=True)
        pltpu.make_async_copy(
            h_hbm.at[src_v.at[pl.ds(j + K, K)]], rows_b, sem_b).wait()
        pltpu.async_copy(h_hbm.at[src_v.at[pl.ds(j + 2 * K, K)]], rows_a,
                         sem_a)
        pltpu.sync_copy(rows_b, acc_sh.at[dst_v.at[pl.ds(j + K, K)]],
                        add=True)
        return carry
    lax.fori_loop(0, CH // 2, pair, None)
    pltpu.make_async_copy(
        h_hbm.at[src_v.at[pl.ds((CH - 1) * K, K)]], rows_a, sem_a).wait()
    pltpu.sync_copy(rows_a, acc_sh.at[dst_v.at[pl.ds((CH - 1) * K, K)]],
                    add=True)

    plsc.subcore_barrier()

    for i in range(-(-(ACC // K) // NS)):
        m = i * NS + s

        @pl.when(m < ACC // K)
        def _(m=m):
            pltpu.sync_copy(acc_sh.at[pl.ds(m * K, K)], rows_a)
            pltpu.sync_copy(rows_a, out_hbm.at[c, pl.ds(m * K, K)])


_BLK = 2000
_GRID = N // _BLK


def _mm_scale_body(x_ref, w_ref, b_ref, degs_ref, o_ref):
    h = jnp.dot(x_ref[...], w_ref[...], preferred_element_type=f32) + b_ref[...]
    o_ref[...] = h * lax.rsqrt(jnp.maximum(degs_ref[...], 1.0))


def _tc_mm_scale(x, w, b2d, degs):
    return pl.pallas_call(
        _mm_scale_body,
        grid=(_GRID,),
        in_specs=[
            pl.BlockSpec((_BLK, D), lambda i: (i, 0)),
            pl.BlockSpec((D, D), lambda i: (0, 0)),
            pl.BlockSpec((1, D), lambda i: (0, 0)),
            pl.BlockSpec((_BLK, 1), lambda i: (i, 0)),
        ],
        out_specs=pl.BlockSpec((_BLK, D), lambda i: (i, 0)),
        out_shape=jax.ShapeDtypeStruct((N, D), f32),
    )(x, w, b2d, degs)


def _step_body(p_ref, degd_ref, w_ref, b_ref, degs_ref, xsum_ref,
               xsum_out_ref, h_ref):
    a = (p_ref[0] + p_ref[1]) * lax.rsqrt(jnp.maximum(degd_ref[...], 1.0))
    xn = jnp.where(a >= 0, a, 0.01 * a)
    xsum_out_ref[...] = xsum_ref[...] + xn
    h = jnp.dot(xn, w_ref[...], preferred_element_type=f32) + b_ref[...]
    h_ref[...] = h * lax.rsqrt(jnp.maximum(degs_ref[...], 1.0))


def _tc_step(p, degd, w, b2d, degs, xsum):
    return pl.pallas_call(
        _step_body,
        grid=(_GRID,),
        in_specs=[
            pl.BlockSpec((NC, _BLK, D), lambda i: (0, i, 0)),
            pl.BlockSpec((_BLK, 1), lambda i: (i, 0)),
            pl.BlockSpec((D, D), lambda i: (0, 0)),
            pl.BlockSpec((1, D), lambda i: (0, 0)),
            pl.BlockSpec((_BLK, 1), lambda i: (i, 0)),
            pl.BlockSpec((_BLK, D), lambda i: (i, 0)),
        ],
        out_specs=[
            pl.BlockSpec((_BLK, D), lambda i: (i, 0)),
            pl.BlockSpec((_BLK, D), lambda i: (i, 0)),
        ],
        out_shape=[
            jax.ShapeDtypeStruct((N, D), f32),
            jax.ShapeDtypeStruct((N, D), f32),
        ],
    )(p, degd, w, b2d, degs, xsum)


def _fin_body(x0_ref, xsum_ref, o_ref):
    o_ref[...] = (x0_ref[...] + xsum_ref[...]) * (1.0 / 3.0)


def _tc_fin(x0, xsum):
    return pl.pallas_call(
        _fin_body,
        grid=(_GRID,),
        in_specs=[
            pl.BlockSpec((_BLK, D), lambda i: (i, 0)),
            pl.BlockSpec((_BLK, D), lambda i: (i, 0)),
        ],
        out_specs=pl.BlockSpec((_BLK, D), lambda i: (i, 0)),
        out_shape=jax.ShapeDtypeStruct((N, D), f32),
    )(x0, xsum)


def kernel(edge_index, all_embed, W1, b1, W2, b2):
    ei = edge_index.astype(jnp.int32)
    deg_idx = ei.reshape(NW, EPT2)
    src_r = ei[0].reshape(NW, EPT)
    dst_r = ei[1].reshape(NW, EPT)

    degs = _deg_kernel(deg_idx)
    deg_src = degs[0, :N].reshape(N, 1)
    deg_dst = degs[1, :N].reshape(N, 1)
    Ws = jnp.stack((W1, W2))
    bs = jnp.stack((b1.reshape(1, D), b2.reshape(1, D)))

    nlayers = jnp.int32(2) + jnp.min(ei[0]) * jnp.int32(0)

    def cond(carry):
        i, _, _ = carry
        return i < nlayers

    def body(carry):
        i, h, xsum = carry
        p = _scatter_kernel(src_r, dst_r, h)
        inext = jnp.minimum(i + 1, 1)
        w = lax.dynamic_index_in_dim(Ws, inext, axis=0, keepdims=False)
        b2d = lax.dynamic_index_in_dim(bs, inext, axis=0, keepdims=False)
        xsumn, hn = _tc_step(p, deg_dst, w, b2d, deg_src, xsum)
        return (i + 1, hn, xsumn)

    h0 = _tc_mm_scale(all_embed, W1, bs[0], deg_src)
    z = jnp.zeros((N, D), f32)
    _, _, xsum = lax.while_loop(cond, body, (jnp.int32(0), h0, z))
    return _tc_fin(all_embed, xsum)

# --- scband reference (transcript-rebuilt; emitter-appended) ---
"""Pipeline reference for scband-my-rec-72095321030917 (READ-ONLY COPY).

The authoritative reference and input builder live on the scoring server;
editing this copy changes nothing except your own understanding.
"""

import jax, jax.numpy as jnp
import numpy as np

N_USER = 6000
N_ITEM = 3500
N_ATT = 500
N = N_USER + N_ITEM + N_ATT  # 10000 total graph nodes
E = 320000
D = 128
NLAYERS = 2


def setup_inputs(seed: int = 0) -> dict:
    key = jax.random.key(seed)
    ks = jax.random.split(key, 8)
    edge_index = jax.random.randint(ks[0], (2, E), 0, N, dtype=jnp.int32)
    # unified embedding table (user_embed ++ item_embed ++ attribute_embed), xavier-ish init
    all_embed = jax.random.normal(ks[1], (N, D), dtype=jnp.float32) * 0.05
    W1 = jax.random.normal(ks[2], (D, D), dtype=jnp.float32) * (1.0 / np.sqrt(D))
    b1 = jnp.zeros((D,), dtype=jnp.float32)
    W2 = jax.random.normal(ks[3], (D, D), dtype=jnp.float32) * (1.0 / np.sqrt(D))
    b2 = jnp.zeros((D,), dtype=jnp.float32)
    return {"edge_index": edge_index, "all_embed": all_embed, "W1": W1, "b1": b1, "W2": W2, "b2": b2}


def reference(edge_index, all_embed, W1, b1, W2, b2):
    # graph_prop: node_input = concat(user_embed, item_embed, attribute_embed) == all_embed
    src = edge_index[0]
    dst = edge_index[1]
    # GCN-style symmetric degree normalization for GeneralConv('gcn')
    deg_dst = jnp.zeros((N,), jnp.float32).at[dst].add(1.0)
    deg_src = jnp.zeros((N,), jnp.float32).at[src].add(1.0)
    dinv_dst = jax.lax.rsqrt(jnp.maximum(deg_dst, 1.0))
    dinv_src = jax.lax.rsqrt(jnp.maximum(deg_src, 1.0))
    norm = dinv_src[src] * dinv_dst[dst]

    layer_reps = [all_embed]
    x = all_embed
    for (W, b) in ((W1, b1), (W2, b2)):
        h = x @ W + b
        msgs = h[src] * norm[:, None]
        agg = jax.ops.segment_sum(msgs, dst, num_segments=N)
        x = jax.nn.leaky_relu(agg, negative_slope=0.01)
        # dropout p=0.0 -> identity
        layer_reps.append(x)

    # layer_aggregate == 'mean'
    graph_rep = jnp.mean(jnp.stack(layer_reps, axis=1), axis=1)
    return graph_rep

if __name__ == "__main__":
    import jax
    _d = setup_inputs()
    print(jax.jit(kernel)(*tuple(_d.values())))

</pallas_src>

<mosaic_0001>
#map = affine_map<(d0, d1) -> (0, 0)>
module attributes {stable_mosaic.version = 14 : i64} {
  func.func @_deg_kernel(%arg0: i32, %arg1: i32, %arg2: memref<32x20000xi32, #tpu.memory_space<hbm>>, %arg3: memref<2x10240xf32, #tpu.memory_space<hbm>>, %arg4: memref<20000xi32, #tpu.memory_space<vmem>>, %arg5: memref<10240xf32, #tpu.memory_space<vmem>>, %arg6: memref<640xf32, #tpu.memory_space<vmem>>, %arg7: memref<640xf32, #tpu.memory_space<vmem>>, %arg8: memref<16x10240xf32, #tpu.memory_space<vmem_shared>>) attributes {dimension_semantics = [#tpu.dimension_semantics<core_parallel>, #tpu.dimension_semantics<subcore_parallel>], iteration_bounds = array<i64: 2, 16>, scalar_prefetch = 0 : i64, scratch_operands = 5 : i64, tpu.core_type = #tpu.core_type<sc_vector_subcore>, window_params = [{transform_indices = #map}, {transform_indices = #map}]} {
    %mul3A = arith.constant 16 : i32
    %mul3A_0 = arith.muli %arg0, %mul3A : i32
    %add3A = arith.addi %mul3A_0, %arg1 : i32
    "tpu.region"() ({
      %run_scoped3A_105 = tpu.sem_alloc : memref<!tpu.dma_semaphore, #tpu.memory_space<semaphore_mem>>
      %dma_start3A = arith.constant 0 : i32
      %dma_start3A_106 = tpu.memref_slice %arg2[%add3A, %dma_start3A] : memref<32x20000xi32, #tpu.memory_space<hbm>> -> memref<1x20000xi32, #tpu.memory_space<hbm>>
      %dma_start3A_107 = tpu.memref_squeeze %dma_start3A_106 : memref<1x20000xi32, #tpu.memory_space<hbm>> -> memref<20000xi32, #tpu.memory_space<hbm>>
      %dma_start3A_108 = arith.constant 0 : i32
      %dma_start3A_109 = tpu.memref_slice %arg2[%add3A, %dma_start3A_108] : memref<32x20000xi32, #tpu.memory_space<hbm>> -> memref<1x20000xi32, #tpu.memory_space<hbm>>
      %dma_start3A_110 = tpu.memref_squeeze %dma_start3A_109 : memref<1x20000xi32, #tpu.memory_space<hbm>> -> memref<20000xi32, #tpu.memory_space<hbm>>
      tpu.enqueue_dma source(%dma_start3A_110 : memref<20000xi32, #tpu.memory_space<hbm>>) target(%arg4 : memref<20000xi32, #tpu.memory_space<vmem>>) target_semaphore(%run_scoped3A_105 : memref<!tpu.dma_semaphore, #tpu.memory_space<semaphore_mem>>)
      %dma_wait3A = arith.constant 0 : i32
      %dma_wait3A_111 = tpu.memref_slice %arg2[%add3A, %dma_wait3A] : memref<32x20000xi32, #tpu.memory_space<hbm>> -> memref<1x20000xi32, #tpu.memory_space<hbm>>
      %dma_wait3A_112 = tpu.memref_squeeze %dma_wait3A_111 : memref<1x20000xi32, #tpu.memory_space<hbm>> -> memref<20000xi32, #tpu.memory_space<hbm>>
      %dma_wait3A_113 = arith.constant 0 : i32
      %dma_wait3A_114 = tpu.memref_slice %arg2[%add3A, %dma_wait3A_113] : memref<32x20000xi32, #tpu.memory_space<hbm>> -> memref<1x20000xi32, #tpu.memory_space<hbm>>
      %dma_wait3A_115 = tpu.memref_squeeze %dma_wait3A_114 : memref<1x20000xi32, #tpu.memory_space<hbm>> -> memref<20000xi32, #tpu.memory_space<hbm>>
      tpu.wait_dma2 semaphore(%run_scoped3A_105 : memref<!tpu.dma_semaphore, #tpu.memory_space<semaphore_mem>>) src(%dma_wait3A_115 : memref<20000xi32, #tpu.memory_space<hbm>>) dst(%arg4 : memref<20000xi32, #tpu.memory_space<vmem>>)
      tpu.yield
    }) : () -> ()
    %broadcast_in_dim3A = arith.constant 0.000000e+00 : f32
    %broadcast_in_dim3A_1 = vector.broadcast %broadcast_in_dim3A : f32 to vector<16xf32>
    %broadcast_in_dim3A_2 = arith.constant 1.000000e+00 : f32
    %broadcast_in_dim3A_3 = vector.broadcast %broadcast_in_dim3A_2 : f32 to vector<16xf32>
    %scan3A = arith.constant 0 : i32
    %scan3A_4 = arith.constant 640 : i32
    %scan3A_5 = arith.addi %scan3A, %scan3A_4 : i32
    %scan3A_6 = arith.constant 1 : i32
    scf.for %scan3A_105 = %scan3A to %scan3A_5 step %scan3A_6  : i32 {
      %mul3A_106 = arith.constant 16 : i32
      %mul3A_107 = arith.muli %scan3A_105, %mul3A_106 : i32
      %swap3A = arith.index_cast %mul3A_107 : i32 to index
      %swap3A_108 = tpu.vector_load %arg5[%swap3A] {strides = array<i32>} : memref<10240xf32, #tpu.memory_space<vmem>>, vector<16xf32>,
      tpu.vector_store %arg5[%swap3A], %broadcast_in_dim3A_1 {strides = array<i32>} : memref<10240xf32, #tpu.memory_space<vmem>>, vector<16xf32>,
    }
    %scan3A_7 = arith.constant 640 : i32
    %scan3A_8 = arith.constant 0 : i32
    %scan3A_9 = arith.constant 1250 : i32
    %scan3A_10 = arith.addi %scan3A_8, %scan3A_9 : i32
    %scan3A_11 = arith.constant 1 : i32
    scf.for %scan3A_105 = %scan3A_8 to %scan3A_10 step %scan3A_11  : i32 {
      %mul3A_106 = arith.constant 16 : i32
      %mul3A_107 = arith.muli %scan3A_105, %mul3A_106 : i32
      %get3A = arith.index_cast %mul3A_107 : i32 to index
      %get3A_108 = tpu.vector_load %arg4[%get3A] {strides = array<i32>} : memref<20000xi32, #tpu.memory_space<vmem>>, vector<16xi32>,
      tpu.vector_store_idx %arg5[%get3A_108], %broadcast_in_dim3A_3 {add = true} : memref<10240xf32, #tpu.memory_space<vmem>>[vector<16xi32>], vector<16xf32>,
    }
    %scan3A_12 = arith.constant 1250 : i32
    "tpu.region"() ({
      %run_scoped3A_105 = tpu.sem_alloc : memref<!tpu.dma_semaphore, #tpu.memory_space<semaphore_mem>>
      %dma_start3A = arith.constant 0 : i32
      %dma_start3A_106 = tpu.memref_slice %arg8[%arg1, %dma_start3A] : memref<16x10240xf32, #tpu.memory_space<vmem_shared>> -> memref<1x10240xf32, #tpu.memory_space<vmem_shared>>
      %dma_start3A_107 = tpu.memref_squeeze %dma_start3A_106 : memref<1x10240xf32, #tpu.memory_space<vmem_shared>> -> memref<10240xf32, #tpu.memory_space<vmem_shared>>
      %dma_start3A_108 = arith.constant 0 : i32
      %dma_start3A_109 = tpu.memref_slice %arg8[%arg1, %dma_start3A_108] : memref<16x10240xf32, #tpu.memory_space<vmem_shared>> -> memref<1x10240xf32, #tpu.memory_space<vmem_shared>>
      %dma_start3A_110 = tpu.memref_squeeze %dma_start3A_109 : memref<1x10240xf32, #tpu.memory_space<vmem_shared>> -> memref<10240xf32, #tpu.memory_space<vmem_shared>>
      tpu.enqueue_dma source(%arg5 : memref<10240xf32, #tpu.memory_space<vmem>>) target(%dma_start3A_110 : memref<10240xf32, #tpu.memory_space<vmem_shared>>) target_semaphore(%run_scoped3A_105 : memref<!tpu.dma_semaphore, #tpu.memory_space<semaphore_mem>>)
      %dma_wait3A = arith.constant 0 : i32
      %dma_wait3A_111 = tpu.memref_slice %arg8[%arg1, %dma_wait3A] : memref<16x10240xf32, #tpu.memory_space<vmem_shared>> -> memref<1x10240xf32, #tpu.memory_space<vmem_shared>>
      %dma_wait3A_112 = tpu.memref_squeeze %dma_wait3A_111 : memref<1x10240xf32, #tpu.memory_space<vmem_shared>> -> memref<10240xf32, #tpu.memory_space<vmem_shared>>
      %dma_wait3A_113 = arith.constant 0 : i32
      %dma_wait3A_114 = tpu.memref_slice %arg8[%arg1, %dma_wait3A_113] : memref<16x10240xf32, #tpu.memory_space<vmem_shared>> -> memref<1x10240xf32, #tpu.memory_space<vmem_shared>>
      %dma_wait3A_115 = tpu.memref_squeeze %dma_wait3A_114 : memref<1x10240xf32, #tpu.memory_space<vmem_shared>> -> memref<10240xf32, #tpu.memory_space<vmem_shared>>
      tpu.wait_dma2 semaphore(%run_scoped3A_105 : memref<!tpu.dma_semaphore, #tpu.memory_space<semaphore_mem>>) src(%arg5 : memref<10240xf32, #tpu.memory_space<vmem>>) dst(%dma_wait3A_115 : memref<10240xf32, #tpu.memory_space<vmem_shared>>)
      tpu.yield
    }) : () -> ()
    %barrier3A = arith.constant 0 : index
    tpu.barrier barrier_id(%barrier3A)
    %mul3A_13 = arith.constant 640 : i32
    %mul3A_14 = arith.muli %arg1, %mul3A_13 : i32
    %run_scoped3A = arith.constant 0 : i32
    "tpu.region"() ({
      %run_scoped3A_105 = tpu.sem_alloc : memref<!tpu.dma_semaphore, #tpu.memory_space<semaphore_mem>>
      %dma_start3A = tpu.memref_slice %arg8[%run_scoped3A, %mul3A_14] : memref<16x10240xf32, #tpu.memory_space<vmem_shared>> -> memref<1x640xf32, #tpu.memory_space<vmem_shared>>
      %dma_start3A_106 = tpu.memref_squeeze %dma_start3A : memref<1x640xf32, #tpu.memory_space<vmem_shared>> -> memref<640xf32, #tpu.memory_space<vmem_shared>>
      %dma_start3A_107 = tpu.memref_slice %arg8[%run_scoped3A, %mul3A_14] : memref<16x10240xf32, #tpu.memory_space<vmem_shared>> -> memref<1x640xf32, #tpu.memory_space<vmem_shared>>
      %dma_start3A_108 = tpu.memref_squeeze %dma_start3A_107 : memref<1x640xf32, #tpu.memory_space<vmem_shared>> -> memref<640xf32, #tpu.memory_space<vmem_shared>>
      tpu.enqueue_dma source(%dma_start3A_108 : memref<640xf32, #tpu.memory_space<vmem_shared>>) target(%arg6 : memref<640xf32, #tpu.memory_space<vmem>>) target_semaphore(%run_scoped3A_105 : memref<!tpu.dma_semaphore, #tpu.memory_space<semaphore_mem>>)
      %dma_wait3A = tpu.memref_slice %arg8[%run_scoped3A, %mul3A_14] : memref<16x10240xf32, #tpu.memory_space<vmem_shared>> -> memref<1x640xf32, #tpu.memory_space<vmem_shared>>
      %dma_wait3A_109 = tpu.memref_squeeze %dma_wait3A : memref<1x640xf32, #tpu.memory_space<vmem_shared>> -> memref<640xf32, #tpu.memory_space<vmem_shared>>
      %dma_wait3A_110 = tpu.memref_slice %arg8[%run_scoped3A, %mul3A_14] : memref<16x10240xf32, #tpu.memory_space<vmem_shared>> -> memref<1x640xf32, #tpu.memory_space<vmem_shared>>
      %dma_wait3A_111 = tpu.memref_squeeze %dma_wait3A_110 : memref<1x640xf32, #tpu.memory_space<vmem_shared>> -> memref<640xf32, #tpu.memory_space<vmem_shared>>
      tpu.wait_dma2 semaphore(%run_scoped3A_105 : memref<!tpu.dma_semaphore, #tpu.memory_space<semaphore_mem>>) src(%dma_wait3A_111 : memref<640xf32, #tpu.memory_space<vmem_shared>>) dst(%arg6 : memref<640xf32, #tpu.memory_space<vmem>>)
      tpu.yield
    }) : () -> ()
    %run_scoped3A_15 = arith.constant 1 : i32
    "tpu.region"() ({
      %run_scoped3A_105 = tpu.sem_alloc : memref<!tpu.dma_semaphore, #tpu.memory_space<semaphore_mem>>
      %dma_start3A = tpu.memref_slice %arg8[%run_scoped3A_15, %mul3A_14] : memref<16x10240xf32, #tpu.memory_space<vmem_shared>> -> memref<1x640xf32, #tpu.memory_space<vmem_shared>>
      %dma_start3A_106 = tpu.memref_squeeze %dma_start3A : memref<1x640xf32, #tpu.memory_space<vmem_shared>> -> memref<640xf32, #tpu.memory_space<vmem_shared>>
      %dma_start3A_107 = tpu.memref_slice %arg8[%run_scoped3A_15, %mul3A_14] : memref<16x10240xf32, #tpu.memory_space<vmem_shared>> -> memref<1x640xf32, #tpu.memory_space<vmem_shared>>
      %dma_start3A_108 = tpu.memref_squeeze %dma_start3A_107 : memref<1x640xf32, #tpu.memory_space<vmem_shared>> -> memref<640xf32, #tpu.memory_space<vmem_shared>>
      tpu.enqueue_dma source(%dma_start3A_108 : memref<640xf32, #tpu.memory_space<vmem_shared>>) target(%arg7 : memref<640xf32, #tpu.memory_space<vmem>>) target_semaphore(%run_scoped3A_105 : memref<!tpu.dma_semaphore, #tpu.memory_space<semaphore_mem>>)
      %dma_wait3A = tpu.memref_slice %arg8[%run_scoped3A_15, %mul3A_14] : memref<16x10240xf32, #tpu.memory_space<vmem_shared>> -> memref<1x640xf32, #tpu.memory_space<vmem_shared>>
      %dma_wait3A_109 = tpu.memref_squeeze %dma_wait3A : memref<1x640xf32, #tpu.memory_space<vmem_shared>> -> memref<640xf32, #tpu.memory_space<vmem_shared>>
      %dma_wait3A_110 = tpu.memref_slice %arg8[%run_scoped3A_15, %mul3A_14] : memref<16x10240xf32, #tpu.memory_space<vmem_shared>> -> memref<1x640xf32, #tpu.memory_space<vmem_shared>>
      %dma_wait3A_111 = tpu.memref_squeeze %dma_wait3A_110 : memref<1x640xf32, #tpu.memory_space<vmem_shared>> -> memref<640xf32, #tpu.memory_space<vmem_shared>>
      tpu.wait_dma2 semaphore(%run_scoped3A_105 : memref<!tpu.dma_semaphore, #tpu.memory_space<semaphore_mem>>) src(%dma_wait3A_111 : memref<640xf32, #tpu.memory_space<vmem_shared>>) dst(%arg7 : memref<640xf32, #tpu.memory_space<vmem>>)
      tpu.yield
    }) : () -> ()
    %scan3A_16 = arith.constant 0 : i32
    %scan3A_17 = arith.constant 40 : i32
    %scan3A_18 = arith.addi %scan3A_16, %scan3A_17 : i32
    %scan3A_19 = arith.constant 1 : i32
    scf.for %scan3A_105 = %scan3A_16 to %scan3A_18 step %scan3A_19  : i32 {
      %mul3A_106 = arith.constant 16 : i32
      %mul3A_107 = arith.muli %scan3A_105, %mul3A_106 : i32
      %get3A = arith.index_cast %mul3A_107 : i32 to index
      %get3A_108 = tpu.vector_load %arg6[%get3A] {strides = array<i32>} : memref<640xf32, #tpu.memory_space<vmem>>, vector<16xf32>,
      %get3A_109 = arith.index_cast %mul3A_107 : i32 to index
      %get3A_110 = tpu.vector_load %arg7[%get3A_109] {strides = array<i32>} : memref<640xf32, #tpu.memory_space<vmem>>, vector<16xf32>,
      %add3A_111 = arith.addf %get3A_108, %get3A_110 : vector<16xf32>
      %swap3A = arith.index_cast %mul3A_107 : i32 to index
      %swap3A_112 = tpu.vector_load %arg6[%swap3A] {strides = array<i32>} : memref<640xf32, #tpu.memory_space<vmem>>, vector<16xf32>,
      tpu.vector_store %arg6[%swap3A], %add3A_111 {strides = array<i32>} : memref<640xf32, #tpu.memory_space<vmem>>, vector<16xf32>,
    }
    %scan3A_20 = arith.constant 40 : i32
    %run_scoped3A_21 = arith.constant 2 : i32
    "tpu.region"() ({
      %run_scoped3A_105 = tpu.sem_alloc : memref<!tpu.dma_semaphore, #tpu.memory_space<semaphore_mem>>
      %dma_start3A = tpu.memref_slice %arg8[%run_scoped3A_21, %mul3A_14] : memref<16x10240xf32, #tpu.memory_space<vmem_shared>> -> memref<1x640xf32, #tpu.memory_space<vmem_shared>>
      %dma_start3A_106 = tpu.memref_squeeze %dma_start3A : memref<1x640xf32, #tpu.memory_space<vmem_shared>> -> memref<640xf32, #tpu.memory_space<vmem_shared>>
      %dma_start3A_107 = tpu.memref_slice %arg8[%run_scoped3A_21, %mul3A_14] : memref<16x10240xf32, #tpu.memory_space<vmem_shared>> -> memref<1x640xf32, #tpu.memory_space<vmem_shared>>
      %dma_start3A_108 = tpu.memref_squeeze %dma_start3A_107 : memref<1x640xf32, #tpu.memory_space<vmem_shared>> -> memref<640xf32, #tpu.memory_space<vmem_shared>>
      tpu.enqueue_dma source(%dma_start3A_108 : memref<640xf32, #tpu.memory_space<vmem_shared>>) target(%arg7 : memref<640xf32, #tpu.memory_space<vmem>>) target_semaphore(%run_scoped3A_105 : memref<!tpu.dma_semaphore, #tpu.memory_space<semaphore_mem>>)
      %dma_wait3A = tpu.memref_slice %arg8[%run_scoped3A_21, %mul3A_14] : memref<16x10240xf32, #tpu.memory_space<vmem_shared>> -> memref<1x640xf32, #tpu.memory_space<vmem_shared>>
      %dma_wait3A_109 = tpu.memref_squeeze %dma_wait3A : memref<1x640xf32, #tpu.memory_space<vmem_shared>> -> memref<640xf32, #tpu.memory_space<vmem_shared>>
      %dma_wait3A_110 = tpu.memref_slice %arg8[%run_scoped3A_21, %mul3A_14] : memref<16x10240xf32, #tpu.memory_space<vmem_shared>> -> memref<1x640xf32, #tpu.memory_space<vmem_shared>>
      %dma_wait3A_111 = tpu.memref_squeeze %dma_wait3A_110 : memref<1x640xf32, #tpu.memory_space<vmem_shared>> -> memref<640xf32, #tpu.memory_space<vmem_shared>>
      tpu.wait_dma2 semaphore(%run_scoped3A_105 : memref<!tpu.dma_semaphore, #tpu.memory_space<semaphore_mem>>) src(%dma_wait3A_111 : memref<640xf32, #tpu.memory_space<vmem_shared>>) dst(%arg7 : memref<640xf32, #tpu.memory_space<vmem>>)
      tpu.yield
    }) : () -> ()
    %scan3A_22 = arith.constant 0 : i32
    %scan3A_23 = arith.constant 40 : i32
    %scan3A_24 = arith.addi %scan3A_22, %scan3A_23 : i32
    %scan3A_25 = arith.constant 1 : i32
    scf.for %scan3A_105 = %scan3A_22 to %scan3A_24 step %scan3A_25  : i32 {
      %mul3A_106 = arith.constant 16 : i32
      %mul3A_107 = arith.muli %scan3A_105, %mul3A_106 : i32
      %get3A = arith.index_cast %mul3A_107 : i32 to index
      %get3A_108 = tpu.vector_load %arg6[%get3A] {strides = array<i32>} : memref<640xf32, #tpu.memory_space<vmem>>, vector<16xf32>,
      %get3A_109 = arith.index_cast %mul3A_107 : i32 to index
      %get3A_110 = tpu.vector_load %arg7[%get3A_109] {strides = array<i32>} : memref<640xf32, #tpu.memory_space<vmem>>, vector<16xf32>,
      %add3A_111 = arith.addf %get3A_108, %get3A_110 : vector<16xf32>
      %swap3A = arith.index_cast %mul3A_107 : i32 to index
      %swap3A_112 = tpu.vector_load %arg6[%swap3A] {strides = array<i32>} : memref<640xf32, #tpu.memory_space<vmem>>, vector<16xf32>,
      tpu.vector_store %arg6[%swap3A], %add3A_111 {strides = array<i32>} : memref<640xf32, #tpu.memory_space<vmem>>, vector<16xf32>,
    }
    %scan3A_26 = arith.constant 40 : i32
    %run_scoped3A_27 = arith.constant 3 : i32
    "tpu.region"() ({
      %run_scoped3A_105 = tpu.sem_alloc : memref<!tpu.dma_semaphore, #tpu.memory_space<semaphore_mem>>
      %dma_start3A = tpu.memref_slice %arg8[%run_scoped3A_27, %mul3A_14] : memref<16x10240xf32, #tpu.memory_space<vmem_shared>> -> memref<1x640xf32, #tpu.memory_space<vmem_shared>>
      %dma_start3A_106 = tpu.memref_squeeze %dma_start3A : memref<1x640xf32, #tpu.memory_space<vmem_shared>> -> memref<640xf32, #tpu.memory_space<vmem_shared>>
      %dma_start3A_107 = tpu.memref_slice %arg8[%run_scoped3A_27, %mul3A_14] : memref<16x10240xf32, #tpu.memory_space<vmem_shared>> -> memref<1x640xf32, #tpu.memory_space<vmem_shared>>
      %dma_start3A_108 = tpu.memref_squeeze %dma_start3A_107 : memref<1x640xf32, #tpu.memory_space<vmem_shared>> -> memref<640xf32, #tpu.memory_space<vmem_shared>>
      tpu.enqueue_dma source(%dma_start3A_108 : memref<640xf32, #tpu.memory_space<vmem_shared>>) target(%arg7 : memref<640xf32, #tpu.memory_space<vmem>>) target_semaphore(%run_scoped3A_105 : memref<!tpu.dma_semaphore, #tpu.memory_space<semaphore_mem>>)
      %dma_wait3A = tpu.memref_slice %arg8[%run_scoped3A_27, %mul3A_14] : memref<16x10240xf32, #tpu.memory_space<vmem_shared>> -> memref<1x640xf32, #tpu.memory_space<vmem_shared>>
      %dma_wait3A_109 = tpu.memref_squeeze %dma_wait3A : memref<1x640xf32, #tpu.memory_space<vmem_shared>> -> memref<640xf32, #tpu.memory_space<vmem_shared>>
      %dma_wait3A_110 = tpu.memref_slice %arg8[%run_scoped3A_27, %mul3A_14] : memref<16x10240xf32, #tpu.memory_space<vmem_shared>> -> memref<1x640xf32, #tpu.memory_space<vmem_shared>>
      %dma_wait3A_111 = tpu.memref_squeeze %dma_wait3A_110 : memref<1x640xf32, #tpu.memory_space<vmem_shared>> -> memref<640xf32, #tpu.memory_space<vmem_shared>>
      tpu.wait_dma2 semaphore(%run_scoped3A_105 : memref<!tpu.dma_semaphore, #tpu.memory_space<semaphore_mem>>) src(%dma_wait3A_111 : memref<640xf32, #tpu.memory_space<vmem_shared>>) dst(%arg7 : memref<640xf32, #tpu.memory_space<vmem>>)
      tpu.yield
    }) : () -> ()
    %scan3A_28 = arith.constant 0 : i32
    %scan3A_29 = arith.constant 40 : i32
    %scan3A_30 = arith.addi %scan3A_28, %scan3A_29 : i32
    %scan3A_31 = arith.constant 1 : i32
    scf.for %scan3A_105 = %scan3A_28 to %scan3A_30 step %scan3A_31  : i32 {
      %mul3A_106 = arith.constant 16 : i32
      %mul3A_107 = arith.muli %scan3A_105, %mul3A_106 : i32
      %get3A = arith.index_cast %mul3A_107 : i32 to index
      %get3A_108 = tpu.vector_load %arg6[%get3A] {strides = array<i32>} : memref<640xf32, #tpu.memory_space<vmem>>, vector<16xf32>,
      %get3A_109 = arith.index_cast %mul3A_107 : i32 to index
      %get3A_110 = tpu.vector_load %arg7[%get3A_109] {strides = array<i32>} : memref<640xf32, #tpu.memory_space<vmem>>, vector<16xf32>,
      %add3A_111 = arith.addf %get3A_108, %get3A_110 : vector<16xf32>
      %swap3A = arith.index_cast %mul3A_107 : i32 to index
      %swap3A_112 = tpu.vector_load %arg6[%swap3A] {strides = array<i32>} : memref<640xf32, #tpu.memory_space<vmem>>, vector<16xf32>,
      tpu.vector_store %arg6[%swap3A], %add3A_111 {strides = array<i32>} : memref<640xf32, #tpu.memory_space<vmem>>, vector<16xf32>,
    }
    %scan3A_32 = arith.constant 40 : i32
    %run_scoped3A_33 = arith.constant 4 : i32
    "tpu.region"() ({
      %run_scoped3A_105 = tpu.sem_alloc : memref<!tpu.dma_semaphore, #tpu.memory_space<semaphore_mem>>
      %dma_start3A = tpu.memref_slice %arg8[%run_scoped3A_33, %mul3A_14] : memref<16x10240xf32, #tpu.memory_space<vmem_shared>> -> memref<1x640xf32, #tpu.memory_space<vmem_shared>>
      %dma_start3A_106 = tpu.memref_squeeze %dma_start3A : memref<1x640xf32, #tpu.memory_space<vmem_shared>> -> memref<640xf32, #tpu.memory_space<vmem_shared>>
      %dma_start3A_107 = tpu.memref_slice %arg8[%run_scoped3A_33, %mul3A_14] : memref<16x10240xf32, #tpu.memory_space<vmem_shared>> -> memref<1x640xf32, #tpu.memory_space<vmem_shared>>
      %dma_start3A_108 = tpu.memref_squeeze %dma_start3A_107 : memref<1x640xf32, #tpu.memory_space<vmem_shared>> -> memref<640xf32, #tpu.memory_space<vmem_shared>>
      tpu.enqueue_dma source(%dma_start3A_108 : memref<640xf32, #tpu.memory_space<vmem_shared>>) target(%arg7 : memref<640xf32, #tpu.memory_space<vmem>>) target_semaphore(%run_scoped3A_105 : memref<!tpu.dma_semaphore, #tpu.memory_space<semaphore_mem>>)
      %dma_wait3A = tpu.memref_slice %arg8[%run_scoped3A_33, %mul3A_14] : memref<16x10240xf32, #tpu.memory_space<vmem_shared>> -> memref<1x640xf32, #tpu.memory_space<vmem_shared>>
      %dma_wait3A_109 = tpu.memref_squeeze %dma_wait3A : memref<1x640xf32, #tpu.memory_space<vmem_shared>> -> memref<640xf32, #tpu.memory_space<vmem_shared>>
      %dma_wait3A_110 = tpu.memref_slice %arg8[%run_scoped3A_33, %mul3A_14] : memref<16x10240xf32, #tpu.memory_space<vmem_shared>> -> memref<1x640xf32, #tpu.memory_space<vmem_shared>>
      %dma_wait3A_111 = tpu.memref_squeeze %dma_wait3A_110 : memref<1x640xf32, #tpu.memory_space<vmem_shared>> -> memref<640xf32, #tpu.memory_space<vmem_shared>>
      tpu.wait_dma2 semaphore(%run_scoped3A_105 : memref<!tpu.dma_semaphore, #tpu.memory_space<semaphore_mem>>) src(%dma_wait3A_111 : memref<640xf32, #tpu.memory_space<vmem_shared>>) dst(%arg7 : memref<640xf32, #tpu.memory_space<vmem>>)
      tpu.yield
    }) : () -> ()
    %scan3A_34 = arith.constant 0 : i32
    %scan3A_35 = arith.constant 40 : i32
    %scan3A_36 = arith.addi %scan3A_34, %scan3A_35 : i32
    %scan3A_37 = arith.constant 1 : i32
    scf.for %scan3A_105 = %scan3A_34 to %scan3A_36 step %scan3A_37  : i32 {
      %mul3A_106 = arith.constant 16 : i32
      %mul3A_107 = arith.muli %scan3A_105, %mul3A_106 : i32
      %get3A = arith.index_cast %mul3A_107 : i32 to index
      %get3A_108 = tpu.vector_load %arg6[%get3A] {strides = array<i32>} : memref<640xf32, #tpu.memory_space<vmem>>, vector<16xf32>,
      %get3A_109 = arith.index_cast %mul3A_107 : i32 to index
      %get3A_110 = tpu.vector_load %arg7[%get3A_109] {strides = array<i32>} : memref<640xf32, #tpu.memory_space<vmem>>, vector<16xf32>,
      %add3A_111 = arith.addf %get3A_108, %get3A_110 : vector<16xf32>
      %swap3A = arith.index_cast %mul3A_107 : i32 to index
      %swap3A_112 = tpu.vector_load %arg6[%swap3A] {strides = array<i32>} : memref<640xf32, #tpu.memory_space<vmem>>, vector<16xf32>,
      tpu.vector_store %arg6[%swap3A], %add3A_111 {strides = array<i32>} : memref<640xf32, #tpu.memory_space<vmem>>, vector<16xf32>,
    }
    %scan3A_38 = arith.constant 40 : i32
    %run_scoped3A_39 = arith.constant 5 : i32
    "tpu.region"() ({
      %run_scoped3A_105 = tpu.sem_alloc : memref<!tpu.dma_semaphore, #tpu.memory_space<semaphore_mem>>
      %dma_start3A = tpu.memref_slice %arg8[%run_scoped3A_39, %mul3A_14] : memref<16x10240xf32, #tpu.memory_space<vmem_shared>> -> memref<1x640xf32, #tpu.memory_space<vmem_shared>>
      %dma_start3A_106 = tpu.memref_squeeze %dma_start3A : memref<1x640xf32, #tpu.memory_space<vmem_shared>> -> memref<640xf32, #tpu.memory_space<vmem_shared>>
      %dma_start3A_107 = tpu.memref_slice %arg8[%run_scoped3A_39, %mul3A_14] : memref<16x10240xf32, #tpu.memory_space<vmem_shared>> -> memref<1x640xf32, #tpu.memory_space<vmem_shared>>
      %dma_start3A_108 = tpu.memref_squeeze %dma_start3A_107 : memref<1x640xf32, #tpu.memory_space<vmem_shared>> -> memref<640xf32, #tpu.memory_space<vmem_shared>>
      tpu.enqueue_dma source(%dma_start3A_108 : memref<640xf32, #tpu.memory_space<vmem_shared>>) target(%arg7 : memref<640xf32, #tpu.memory_space<vmem>>) target_semaphore(%run_scoped3A_105 : memref<!tpu.dma_semaphore, #tpu.memory_space<semaphore_mem>>)
      %dma_wait3A = tpu.memref_slice %arg8[%run_scoped3A_39, %mul3A_14] : memref<16x10240xf32, #tpu.memory_space<vmem_shared>> -> memref<1x640xf32, #tpu.memory_space<vmem_shared>>
      %dma_wait3A_109 = tpu.memref_squeeze %dma_wait3A : memref<1x640xf32, #tpu.memory_space<vmem_shared>> -> memref<640xf32, #tpu.memory_space<vmem_shared>>
      %dma_wait3A_110 = tpu.memref_slice %arg8[%run_scoped3A_39, %mul3A_14] : memref<16x10240xf32, #tpu.memory_space<vmem_shared>> -> memref<1x640xf32, #tpu.memory_space<vmem_shared>>
      %dma_wait3A_111 = tpu.memref_squeeze %dma_wait3A_110 : memref<1x640xf32, #tpu.memory_space<vmem_shared>> -> memref<640xf32, #tpu.memory_space<vmem_shared>>
      tpu.wait_dma2 semaphore(%run_scoped3A_105 : memref<!tpu.dma_semaphore, #tpu.memory_space<semaphore_mem>>) src(%dma_wait3A_111 : memref<640xf32, #tpu.memory_space<vmem_shared>>) dst(%arg7 : memref<640xf32, #tpu.memory_space<vmem>>)
      tpu.yield
    }) : () -> ()
    %scan3A_40 = arith.constant 0 : i32
    %scan3A_41 = arith.constant 40 : i32
    %scan3A_42 = arith.addi %scan3A_40, %scan3A_41 : i32
    %scan3A_43 = arith.constant 1 : i32
    scf.for %scan3A_105 = %scan3A_40 to %scan3A_42 step %scan3A_43  : i32 {
      %mul3A_106 = arith.constant 16 : i32
      %mul3A_107 = arith.muli %scan3A_105, %mul3A_106 : i32
      %get3A = arith.index_cast %mul3A_107 : i32 to index
      %get3A_108 = tpu.vector_load %arg6[%get3A] {strides = array<i32>} : memref<640xf32, #tpu.memory_space<vmem>>, vector<16xf32>,
      %get3A_109 = arith.index_cast %mul3A_107 : i32 to index
      %get3A_110 = tpu.vector_load %arg7[%get3A_109] {strides = array<i32>} : memref<640xf32, #tpu.memory_space<vmem>>, vector<16xf32>,
      %add3A_111 = arith.addf %get3A_108, %get3A_110 : vector<16xf32>
      %swap3A = arith.index_cast %mul3A_107 : i32 to index
      %swap3A_112 = tpu.vector_load %arg6[%swap3A] {strides = array<i32>} : memref<640xf32, #tpu.memory_space<vmem>>, vector<16xf32>,
      tpu.vector_store %arg6[%swap3A], %add3A_111 {strides = array<i32>} : memref<640xf32, #tpu.memory_space<vmem>>, vector<16xf32>,
    }
    %scan3A_44 = arith.constant 40 : i32
    %run_scoped3A_45 = arith.constant 6 : i32
    "tpu.region"() ({
      %run_scoped3A_105 = tpu.sem_alloc : memref<!tpu.dma_semaphore, #tpu.memory_space<semaphore_mem>>
      %dma_start3A = tpu.memref_slice %arg8[%run_scoped3A_45, %mul3A_14] : memref<16x10240xf32, #tpu.memory_space<vmem_shared>> -> memref<1x640xf32, #tpu.memory_space<vmem_shared>>
      %dma_start3A_106 = tpu.memref_squeeze %dma_start3A : memref<1x640xf32, #tpu.memory_space<vmem_shared>> -> memref<640xf32, #tpu.memory_space<vmem_shared>>
      %dma_start3A_107 = tpu.memref_slice %arg8[%run_scoped3A_45, %mul3A_14] : memref<16x10240xf32, #tpu.memory_space<vmem_shared>> -> memref<1x640xf32, #tpu.memory_space<vmem_shared>>
      %dma_start3A_108 = tpu.memref_squeeze %dma_start3A_107 : memref<1x640xf32, #tpu.memory_space<vmem_shared>> -> memref<640xf32, #tpu.memory_space<vmem_shared>>
      tpu.enqueue_dma source(%dma_start3A_108 : memref<640xf32, #tpu.memory_space<vmem_shared>>) target(%arg7 : memref<640xf32, #tpu.memory_space<vmem>>) target_semaphore(%run_scoped3A_105 : memref<!tpu.dma_semaphore, #tpu.memory_space<semaphore_mem>>)
      %dma_wait3A = tpu.memref_slice %arg8[%run_scoped3A_45, %mul3A_14] : memref<16x10240xf32, #tpu.memory_space<vmem_shared>> -> memref<1x640xf32, #tpu.memory_space<vmem_shared>>
      %dma_wait3A_109 = tpu.memref_squeeze %dma_wait3A : memref<1x640xf32, #tpu.memory_space<vmem_shared>> -> memref<640xf32, #tpu.memory_space<vmem_shared>>
      %dma_wait3A_110 = tpu.memref_slice %arg8[%run_scoped3A_45, %mul3A_14] : memref<16x10240xf32, #tpu.memory_space<vmem_shared>> -> memref<1x640xf32, #tpu.memory_space<vmem_shared>>
      %dma_wait3A_111 = tpu.memref_squeeze %dma_wait3A_110 : memref<1x640xf32, #tpu.memory_space<vmem_shared>> -> memref<640xf32, #tpu.memory_space<vmem_shared>>
      tpu.wait_dma2 semaphore(%run_scoped3A_105 : memref<!tpu.dma_semaphore, #tpu.memory_space<semaphore_mem>>) src(%dma_wait3A_111 : memref<640xf32, #tpu.memory_space<vmem_shared>>) dst(%arg7 : memref<640xf32, #tpu.memory_space<vmem>>)
      tpu.yield
    }) : () -> ()
    %scan3A_46 = arith.constant 0 : i32
    %scan3A_47 = arith.constant 40 : i32
    %scan3A_48 = arith.addi %scan3A_46, %scan3A_47 : i32
    %scan3A_49 = arith.constant 1 : i32
    scf.for %scan3A_105 = %scan3A_46 to %scan3A_48 step %scan3A_49  : i32 {
      %mul3A_106 = arith.constant 16 : i32
      %mul3A_107 = arith.muli %scan3A_105, %mul3A_106 : i32
      %get3A = arith.index_cast %mul3A_107 : i32 to index
      %get3A_108 = tpu.vector_load %arg6[%get3A] {strides = array<i32>} : memref<640xf32, #tpu.memory_space<vmem>>, vector<16xf32>,
      %get3A_109 = arith.index_cast %mul3A_107 : i32 to index
      %get3A_110 = tpu.vector_load %arg7[%get3A_109] {strides = array<i32>} : memref<640xf32, #tpu.memory_space<vmem>>, vector<16xf32>,
      %add3A_111 = arith.addf %get3A_108, %get3A_110 : vector<16xf32>
      %swap3A = arith.index_cast %mul3A_107 : i32 to index
      %swap3A_112 = tpu.vector_load %arg6[%swap3A] {strides = array<i32>} : memref<640xf32, #tpu.memory_space<vmem>>, vector<16xf32>,
      tpu.vector_store %arg6[%swap3A], %add3A_111 {strides = array<i32>} : memref<640xf32, #tpu.memory_space<vmem>>, vector<16xf32>,
    }
    %scan3A_50 = arith.constant 40 : i32
    %run_scoped3A_51 = arith.constant 7 : i32
    "tpu.region"() ({
      %run_scoped3A_105 = tpu.sem_alloc : memref<!tpu.dma_semaphore, #tpu.memory_space<semaphore_mem>>
      %dma_start3A = tpu.memref_slice %arg8[%run_scoped3A_51, %mul3A_14] : memref<16x10240xf32, #tpu.memory_space<vmem_shared>> -> memref<1x640xf32, #tpu.memory_space<vmem_shared>>
      %dma_start3A_106 = tpu.memref_squeeze %dma_start3A : memref<1x640xf32, #tpu.memory_space<vmem_shared>> -> memref<640xf32, #tpu.memory_space<vmem_shared>>
      %dma_start3A_107 = tpu.memref_slice %arg8[%run_scoped3A_51, %mul3A_14] : memref<16x10240xf32, #tpu.memory_space<vmem_shared>> -> memref<1x640xf32, #tpu.memory_space<vmem_shared>>
      %dma_start3A_108 = tpu.memref_squeeze %dma_start3A_107 : memref<1x640xf32, #tpu.memory_space<vmem_shared>> -> memref<640xf32, #tpu.memory_space<vmem_shared>>
      tpu.enqueue_dma source(%dma_start3A_108 : memref<640xf32, #tpu.memory_space<vmem_shared>>) target(%arg7 : memref<640xf32, #tpu.memory_space<vmem>>) target_semaphore(%run_scoped3A_105 : memref<!tpu.dma_semaphore, #tpu.memory_space<semaphore_mem>>)
      %dma_wait3A = tpu.memref_slice %arg8[%run_scoped3A_51, %mul3A_14] : memref<16x10240xf32, #tpu.memory_space<vmem_shared>> -> memref<1x640xf32, #tpu.memory_space<vmem_shared>>
      %dma_wait3A_109 = tpu.memref_squeeze %dma_wait3A : memref<1x640xf32, #tpu.memory_space<vmem_shared>> -> memref<640xf32, #tpu.memory_space<vmem_shared>>
      %dma_wait3A_110 = tpu.memref_slice %arg8[%run_scoped3A_51, %mul3A_14] : memref<16x10240xf32, #tpu.memory_space<vmem_shared>> -> memref<1x640xf32, #tpu.memory_space<vmem_shared>>
      %dma_wait3A_111 = tpu.memref_squeeze %dma_wait3A_110 : memref<1x640xf32, #tpu.memory_space<vmem_shared>> -> memref<640xf32, #tpu.memory_space<vmem_shared>>
      tpu.wait_dma2 semaphore(%run_scoped3A_105 : memref<!tpu.dma_semaphore, #tpu.memory_space<semaphore_mem>>) src(%dma_wait3A_111 : memref<640xf32, #tpu.memory_space<vmem_shared>>) dst(%arg7 : memref<640xf32, #tpu.memory_space<vmem>>)
      tpu.yield
    }) : () -> ()
    %scan3A_52 = arith.constant 0 : i32
    %scan3A_53 = arith.constant 40 : i32
    %scan3A_54 = arith.addi %scan3A_52, %scan3A_53 : i32
    %scan3A_55 = arith.constant 1 : i32
    scf.for %scan3A_105 = %scan3A_52 to %scan3A_54 step %scan3A_55  : i32 {
      %mul3A_106 = arith.constant 16 : i32
      %mul3A_107 = arith.muli %scan3A_105, %mul3A_106 : i32
      %get3A = arith.index_cast %mul3A_107 : i32 to index
      %get3A_108 = tpu.vector_load %arg6[%get3A] {strides = array<i32>} : memref<640xf32, #tpu.memory_space<vmem>>, vector<16xf32>,
      %get3A_109 = arith.index_cast %mul3A_107 : i32 to index
      %get3A_110 = tpu.vector_load %arg7[%get3A_109] {strides = array<i32>} : memref<640xf32, #tpu.memory_space<vmem>>, vector<16xf32>,
      %add3A_111 = arith.addf %get3A_108, %get3A_110 : vector<16xf32>
      %swap3A = arith.index_cast %mul3A_107 : i32 to index
      %swap3A_112 = tpu.vector_load %arg6[%swap3A] {strides = array<i32>} : memref<640xf32, #tpu.memory_space<vmem>>, vector<16xf32>,
      tpu.vector_store %arg6[%swap3A], %add3A_111 {strides = array<i32>} : memref<640xf32, #tpu.memory_space<vmem>>, vector<16xf32>,
    }
    %scan3A_56 = arith.constant 40 : i32
    %run_scoped3A_57 = arith.constant 8 : i32
    "tpu.region"() ({
      %run_scoped3A_105 = tpu.sem_alloc : memref<!tpu.dma_semaphore, #tpu.memory_space<semaphore_mem>>
      %dma_start3A = tpu.memref_slice %arg8[%run_scoped3A_57, %mul3A_14] : memref<16x10240xf32, #tpu.memory_space<vmem_shared>> -> memref<1x640xf32, #tpu.memory_space<vmem_shared>>
      %dma_start3A_106 = tpu.memref_squeeze %dma_start3A : memref<1x640xf32, #tpu.memory_space<vmem_shared>> -> memref<640xf32, #tpu.memory_space<vmem_shared>>
      %dma_start3A_107 = tpu.memref_slice %arg8[%run_scoped3A_57, %mul3A_14] : memref<16x10240xf32, #tpu.memory_space<vmem_shared>> -> memref<1x640xf32, #tpu.memory_space<vmem_shared>>
      %dma_start3A_108 = tpu.memref_squeeze %dma_start3A_107 : memref<1x640xf32, #tpu.memory_space<vmem_shared>> -> memref<640xf32, #tpu.memory_space<vmem_shared>>
      tpu.enqueue_dma source(%dma_start3A_108 : memref<640xf32, #tpu.memory_space<vmem_shared>>) target(%arg7 : memref<640xf32, #tpu.memory_space<vmem>>) target_semaphore(%run_scoped3A_105 : memref<!tpu.dma_semaphore, #tpu.memory_space<semaphore_mem>>)
      %dma_wait3A = tpu.memref_slice %arg8[%run_scoped3A_57, %mul3A_14] : memref<16x10240xf32, #tpu.memory_space<vmem_shared>> -> memref<1x640xf32, #tpu.memory_space<vmem_shared>>
      %dma_wait3A_109 = tpu.memref_squeeze %dma_wait3A : memref<1x640xf32, #tpu.memory_space<vmem_shared>> -> memref<640xf32, #tpu.memory_space<vmem_shared>>
      %dma_wait3A_110 = tpu.memref_slice %arg8[%run_scoped3A_57, %mul3A_14] : memref<16x10240xf32, #tpu.memory_space<vmem_shared>> -> memref<1x640xf32, #tpu.memory_space<vmem_shared>>
      %dma_wait3A_111 = tpu.memref_squeeze %dma_wait3A_110 : memref<1x640xf32, #tpu.memory_space<vmem_shared>> -> memref<640xf32, #tpu.memory_space<vmem_shared>>
      tpu.wait_dma2 semaphore(%run_scoped3A_105 : memref<!tpu.dma_semaphore, #tpu.memory_space<semaphore_mem>>) src(%dma_wait3A_111 : memref<640xf32, #tpu.memory_space<vmem_shared>>) dst(%arg7 : memref<640xf32, #tpu.memory_space<vmem>>)
      tpu.yield
    }) : () -> ()
    %scan3A_58 = arith.constant 0 : i32
    %scan3A_59 = arith.constant 40 : i32
    %scan3A_60 = arith.addi %scan3A_58, %scan3A_59 : i32
    %scan3A_61 = arith.constant 1 : i32
    scf.for %scan3A_105 = %scan3A_58 to %scan3A_60 step %scan3A_61  : i32 {
      %mul3A_106 = arith.constant 16 : i32
      %mul3A_107 = arith.muli %scan3A_105, %mul3A_106 : i32
      %get3A = arith.index_cast %mul3A_107 : i32 to index
      %get3A_108 = tpu.vector_load %arg6[%get3A] {strides = array<i32>} : memref<640xf32, #tpu.memory_space<vmem>>, vector<16xf32>,
      %get3A_109 = arith.index_cast %mul3A_107 : i32 to index
      %get3A_110 = tpu.vector_load %arg7[%get3A_109] {strides = array<i32>} : memref<640xf32, #tpu.memory_space<vmem>>, vector<16xf32>,
      %add3A_111 = arith.addf %get3A_108, %get3A_110 : vector<16xf32>
      %swap3A = arith.index_cast %mul3A_107 : i32 to index
      %swap3A_112 = tpu.vector_load %arg6[%swap3A] {strides = array<i32>} : memref<640xf32, #tpu.memory_space<vmem>>, vector<16xf32>,
      tpu.vector_store %arg6[%swap3A], %add3A_111 {strides = array<i32>} : memref<640xf32, #tpu.memory_space<vmem>>, vector<16xf32>,
    }
    %scan3A_62 = arith.constant 40 : i32
    %run_scoped3A_63 = arith.constant 9 : i32
    "tpu.region"() ({
      %run_scoped3A_105 = tpu.sem_alloc : memref<!tpu.dma_semaphore, #tpu.memory_space<semaphore_mem>>
      %dma_start3A = tpu.memref_slice %arg8[%run_scoped3A_63, %mul3A_14] : memref<16x10240xf32, #tpu.memory_space<vmem_shared>> -> memref<1x640xf32, #tpu.memory_space<vmem_shared>>
      %dma_start3A_106 = tpu.memref_squeeze %dma_start3A : memref<1x640xf32, #tpu.memory_space<vmem_shared>> -> memref<640xf32, #tpu.memory_space<vmem_shared>>
      %dma_start3A_107 = tpu.memref_slice %arg8[%run_scoped3A_63, %mul3A_14] : memref<16x10240xf32, #tpu.memory_space<vmem_shared>> -> memref<1x640xf32, #tpu.memory_space<vmem_shared>>
      %dma_start3A_108 = tpu.memref_squeeze %dma_start3A_107 : memref<1x640xf32, #tpu.memory_space<vmem_shared>> -> memref<640xf32, #tpu.memory_space<vmem_shared>>
      tpu.enqueue_dma source(%dma_start3A_108 : memref<640xf32, #tpu.memory_space<vmem_shared>>) target(%arg7 : memref<640xf32, #tpu.memory_space<vmem>>) target_semaphore(%run_scoped3A_105 : memref<!tpu.dma_semaphore, #tpu.memory_space<semaphore_mem>>)
      %dma_wait3A = tpu.memref_slice %arg8[%run_scoped3A_63, %mul3A_14] : memref<16x10240xf32, #tpu.memory_space<vmem_shared>> -> memref<1x640xf32, #tpu.memory_space<vmem_shared>>
      %dma_wait3A_109 = tpu.memref_squeeze %dma_wait3A : memref<1x640xf32, #tpu.memory_space<vmem_shared>> -> memref<640xf32, #tpu.memory_space<vmem_shared>>
      %dma_wait3A_110 = tpu.memref_slice %arg8[%run_scoped3A_63, %mul3A_14] : memref<16x10240xf32, #tpu.memory_space<vmem_shared>> -> memref<1x640xf32, #tpu.memory_space<vmem_shared>>
      %dma_wait3A_111 = tpu.memref_squeeze %dma_wait3A_110 : memref<1x640xf32, #tpu.memory_space<vmem_shared>> -> memref<640xf32, #tpu.memory_space<vmem_shared>>
      tpu.wait_dma2 semaphore(%run_scoped3A_105 : memref<!tpu.dma_semaphore, #tpu.memory_space<semaphore_mem>>) src(%dma_wait3A_111 : memref<640xf32, #tpu.memory_space<vmem_shared>>) dst(%arg7 : memref<640xf32, #tpu.memory_space<vmem>>)
      tpu.yield
    }) : () -> ()
    %scan3A_64 = arith.constant 0 : i32
    %scan3A_65 = arith.constant 40 : i32
    %scan3A_66 = arith.addi %scan3A_64, %scan3A_65 : i32
    %scan3A_67 = arith.constant 1 : i32
    scf.for %scan3A_105 = %scan3A_64 to %scan3A_66 step %scan3A_67  : i32 {
      %mul3A_106 = arith.constant 16 : i32
      %mul3A_107 = arith.muli %scan3A_105, %mul3A_106 : i32
      %get3A = arith.index_cast %mul3A_107 : i32 to index
      %get3A_108 = tpu.vector_load %arg6[%get3A] {strides = array<i32>} : memref<640xf32, #tpu.memory_space<vmem>>, vector<16xf32>,
      %get3A_109 = arith.index_cast %mul3A_107 : i32 to index
      %get3A_110 = tpu.vector_load %arg7[%get3A_109] {strides = array<i32>} : memref<640xf32, #tpu.memory_space<vmem>>, vector<16xf32>,
      %add3A_111 = arith.addf %get3A_108, %get3A_110 : vector<16xf32>
      %swap3A = arith.index_cast %mul3A_107 : i32 to index
      %swap3A_112 = tpu.vector_load %arg6[%swap3A] {strides = array<i32>} : memref<640xf32, #tpu.memory_space<vmem>>, vector<16xf32>,
      tpu.vector_store %arg6[%swap3A], %add3A_111 {strides = array<i32>} : memref<640xf32, #tpu.memory_space<vmem>>, vector<16xf32>,
    }
    %scan3A_68 = arith.constant 40 : i32
    %run_scoped3A_69 = arith.constant 10 : i32
    "tpu.region"() ({
      %run_scoped3A_105 = tpu.sem_alloc : memref<!tpu.dma_semaphore, #tpu.memory_space<semaphore_mem>>
      %dma_start3A = tpu.memref_slice %arg8[%run_scoped3A_69, %mul3A_14] : memref<16x10240xf32, #tpu.memory_space<vmem_shared>> -> memref<1x640xf32, #tpu.memory_space<vmem_shared>>
      %dma_start3A_106 = tpu.memref_squeeze %dma_start3A : memref<1x640xf32, #tpu.memory_space<vmem_shared>> -> memref<640xf32, #tpu.memory_space<vmem_shared>>
      %dma_start3A_107 = tpu.memref_slice %arg8[%run_scoped3A_69, %mul3A_14] : memref<16x10240xf32, #tpu.memory_space<vmem_shared>> -> memref<1x640xf32, #tpu.memory_space<vmem_shared>>
      %dma_start3A_108 = tpu.memref_squeeze %dma_start3A_107 : memref<1x640xf32, #tpu.memory_space<vmem_shared>> -> memref<640xf32, #tpu.memory_space<vmem_shared>>
      tpu.enqueue_dma source(%dma_start3A_108 : memref<640xf32, #tpu.memory_space<vmem_shared>>) target(%arg7 : memref<640xf32, #tpu.memory_space<vmem>>) target_semaphore(%run_scoped3A_105 : memref<!tpu.dma_semaphore, #tpu.memory_space<semaphore_mem>>)
      %dma_wait3A = tpu.memref_slice %arg8[%run_scoped3A_69, %mul3A_14] : memref<16x10240xf32, #tpu.memory_space<vmem_shared>> -> memref<1x640xf32, #tpu.memory_space<vmem_shared>>
      %dma_wait3A_109 = tpu.memref_squeeze %dma_wait3A : memref<1x640xf32, #tpu.memory_space<vmem_shared>> -> memref<640xf32, #tpu.memory_space<vmem_shared>>
      %dma_wait3A_110 = tpu.memref_slice %arg8[%run_scoped3A_69, %mul3A_14] : memref<16x10240xf32, #tpu.memory_space<vmem_shared>> -> memref<1x640xf32, #tpu.memory_space<vmem_shared>>
      %dma_wait3A_111 = tpu.memref_squeeze %dma_wait3A_110 : memref<1x640xf32, #tpu.memory_space<vmem_shared>> -> memref<640xf32, #tpu.memory_space<vmem_shared>>
      tpu.wait_dma2 semaphore(%run_scoped3A_105 : memref<!tpu.dma_semaphore, #tpu.memory_space<semaphore_mem>>) src(%dma_wait3A_111 : memref<640xf32, #tpu.memory_space<vmem_shared>>) dst(%arg7 : memref<640xf32, #tpu.memory_space<vmem>>)
      tpu.yield
    }) : () -> ()
    %scan3A_70 = arith.constant 0 : i32
    %scan3A_71 = arith.constant 40 : i32
    %scan3A_72 = arith.addi %scan3A_70, %scan3A_71 : i32
    %scan3A_73 = arith.constant 1 : i32
    scf.for %scan3A_105 = %scan3A_70 to %scan3A_72 step %scan3A_73  : i32 {
      %mul3A_106 = arith.constant 16 : i32
      %mul3A_107 = arith.muli %scan3A_105, %mul3A_106 : i32
      %get3A = arith.index_cast %mul3A_107 : i32 to index
      %get3A_108 = tpu.vector_load %arg6[%get3A] {strides = array<i32>} : memref<640xf32, #tpu.memory_space<vmem>>, vector<16xf32>,
      %get3A_109 = arith.index_cast %mul3A_107 : i32 to index
      %get3A_110 = tpu.vector_load %arg7[%get3A_109] {strides = array<i32>} : memref<640xf32, #tpu.memory_space<vmem>>, vector<16xf32>,
      %add3A_111 = arith.addf %get3A_108, %get3A_110 : vector<16xf32>
      %swap3A = arith.index_cast %mul3A_107 : i32 to index
      %swap3A_112 = tpu.vector_load %arg6[%swap3A] {strides = array<i32>} : memref<640xf32, #tpu.memory_space<vmem>>, vector<16xf32>,
      tpu.vector_store %arg6[%swap3A], %add3A_111 {strides = array<i32>} : memref<640xf32, #tpu.memory_space<vmem>>, vector<16xf32>,
    }
    %scan3A_74 = arith.constant 40 : i32
    %run_scoped3A_75 = arith.constant 11 : i32
    "tpu.region"() ({
      %run_scoped3A_105 = tpu.sem_alloc : memref<!tpu.dma_semaphore, #tpu.memory_space<semaphore_mem>>
      %dma_start3A = tpu.memref_slice %arg8[%run_scoped3A_75, %mul3A_14] : memref<16x10240xf32, #tpu.memory_space<vmem_shared>> -> memref<1x640xf32, #tpu.memory_space<vmem_shared>>
      %dma_start3A_106 = tpu.memref_squeeze %dma_start3A : memref<1x640xf32, #tpu.memory_space<vmem_shared>> -> memref<640xf32, #tpu.memory_space<vmem_shared>>
      %dma_start3A_107 = tpu.memref_slice %arg8[%run_scoped3A_75, %mul3A_14] : memref<16x10240xf32, #tpu.memory_space<vmem_shared>> -> memref<1x640xf32, #tpu.memory_space<vmem_shared>>
      %dma_start3A_108 = tpu.memref_squeeze %dma_start3A_107 : memref<1x640xf32, #tpu.memory_space<vmem_shared>> -> memref<640xf32, #tpu.memory_space<vmem_shared>>
      tpu.enqueue_dma source(%dma_start3A_108 : memref<640xf32, #tpu.memory_space<vmem_shared>>) target(%arg7 : memref<640xf32, #tpu.memory_space<vmem>>) target_semaphore(%run_scoped3A_105 : memref<!tpu.dma_semaphore, #tpu.memory_space<semaphore_mem>>)
      %dma_wait3A = tpu.memref_slice %arg8[%run_scoped3A_75, %mul3A_14] : memref<16x10240xf32, #tpu.memory_space<vmem_shared>> -> memref<1x640xf32, #tpu.memory_space<vmem_shared>>
      %dma_wait3A_109 = tpu.memref_squeeze %dma_wait3A : memref<1x640xf32, #tpu.memory_space<vmem_shared>> -> memref<640xf32, #tpu.memory_space<vmem_shared>>
      %dma_wait3A_110 = tpu.memref_slice %arg8[%run_scoped3A_75, %mul3A_14] : memref<16x10240xf32, #tpu.memory_space<vmem_shared>> -> memref<1x640xf32, #tpu.memory_space<vmem_shared>>
      %dma_wait3A_111 = tpu.memref_squeeze %dma_wait3A_110 : memref<1x640xf32, #tpu.memory_space<vmem_shared>> -> memref<640xf32, #tpu.memory_space<vmem_shared>>
      tpu.wait_dma2 semaphore(%run_scoped3A_105 : memref<!tpu.dma_semaphore, #tpu.memory_space<semaphore_mem>>) src(%dma_wait3A_111 : memref<640xf32, #tpu.memory_space<vmem_shared>>) dst(%arg7 : memref<640xf32, #tpu.memory_space<vmem>>)
      tpu.yield
    }) : () -> ()
    %scan3A_76 = arith.constant 0 : i32
    %scan3A_77 = arith.constant 40 : i32
    %scan3A_78 = arith.addi %scan3A_76, %scan3A_77 : i32
    %scan3A_79 = arith.constant 1 : i32
    scf.for %scan3A_105 = %scan3A_76 to %scan3A_78 step %scan3A_79  : i32 {
      %mul3A_106 = arith.constant 16 : i32
      %mul3A_107 = arith.muli %scan3A_105, %mul3A_106 : i32
      %get3A = arith.index_cast %mul3A_107 : i32 to index
      %get3A_108 = tpu.vector_load %arg6[%get3A] {strides = array<i32>} : memref<640xf32, #tpu.memory_space<vmem>>, vector<16xf32>,
      %get3A_109 = arith.index_cast %mul3A_107 : i32 to index
      %get3A_110 = tpu.vector_load %arg7[%get3A_109] {strides = array<i32>} : memref<640xf32, #tpu.memory_space<vmem>>, vector<16xf32>,
      %add3A_111 = arith.addf %get3A_108, %get3A_110 : vector<16xf32>
      %swap3A = arith.index_cast %mul3A_107 : i32 to index
      %swap3A_112 = tpu.vector_load %arg6[%swap3A] {strides = array<i32>} : memref<640xf32, #tpu.memory_space<vmem>>, vector<16xf32>,
      tpu.vector_store %arg6[%swap3A], %add3A_111 {strides = array<i32>} : memref<640xf32, #tpu.memory_space<vmem>>, vector<16xf32>,
    }
    %scan3A_80 = arith.constant 40 : i32
    %run_scoped3A_81 = arith.constant 12 : i32
    "tpu.region"() ({
      %run_scoped3A_105 = tpu.sem_alloc : memref<!tpu.dma_semaphore, #tpu.memory_space<semaphore_mem>>
      %dma_start3A = tpu.memref_slice %arg8[%run_scoped3A_81, %mul3A_14] : memref<16x10240xf32, #tpu.memory_space<vmem_shared>> -> memref<1x640xf32, #tpu.memory_space<vmem_shared>>
      %dma_start3A_106 = tpu.memref_squeeze %dma_start3A : memref<1x640xf32, #tpu.memory_space<vmem_shared>> -> memref<640xf32, #tpu.memory_space<vmem_shared>>
      %dma_start3A_107 = tpu.memref_slice %arg8[%run_scoped3A_81, %mul3A_14] : memref<16x10240xf32, #tpu.memory_space<vmem_shared>> -> memref<1x640xf32, #tpu.memory_space<vmem_shared>>
      %dma_start3A_108 = tpu.memref_squeeze %dma_start3A_107 : memref<1x640xf32, #tpu.memory_space<vmem_shared>> -> memref<640xf32, #tpu.memory_space<vmem_shared>>
      tpu.enqueue_dma source(%dma_start3A_108 : memref<640xf32, #tpu.memory_space<vmem_shared>>) target(%arg7 : memref<640xf32, #tpu.memory_space<vmem>>) target_semaphore(%run_scoped3A_105 : memref<!tpu.dma_semaphore, #tpu.memory_space<semaphore_mem>>)
      %dma_wait3A = tpu.memref_slice %arg8[%run_scoped3A_81, %mul3A_14] : memref<16x10240xf32, #tpu.memory_space<vmem_shared>> -> memref<1x640xf32, #tpu.memory_space<vmem_shared>>
      %dma_wait3A_109 = tpu.memref_squeeze %dma_wait3A : memref<1x640xf32, #tpu.memory_space<vmem_shared>> -> memref<640xf32, #tpu.memory_space<vmem_shared>>
      %dma_wait3A_110 = tpu.memref_slice %arg8[%run_scoped3A_81, %mul3A_14] : memref<16x10240xf32, #tpu.memory_space<vmem_shared>> -> memref<1x640xf32, #tpu.memory_space<vmem_shared>>
      %dma_wait3A_111 = tpu.memref_squeeze %dma_wait3A_110 : memref<1x640xf32, #tpu.memory_space<vmem_shared>> -> memref<640xf32, #tpu.memory_space<vmem_shared>>
      tpu.wait_dma2 semaphore(%run_scoped3A_105 : memref<!tpu.dma_semaphore, #tpu.memory_space<semaphore_mem>>) src(%dma_wait3A_111 : memref<640xf32, #tpu.memory_space<vmem_shared>>) dst(%arg7 : memref<640xf32, #tpu.memory_space<vmem>>)
      tpu.yield
    }) : () -> ()
    %scan3A_82 = arith.constant 0 : i32
    %scan3A_83 = arith.constant 40 : i32
    %scan3A_84 = arith.addi %scan3A_82, %scan3A_83 : i32
    %scan3A_85 = arith.constant 1 : i32
    scf.for %scan3A_105 = %scan3A_82 to %scan3A_84 step %scan3A_85  : i32 {
      %mul3A_106 = arith.constant 16 : i32
      %mul3A_107 = arith.muli %scan3A_105, %mul3A_106 : i32
      %get3A = arith.index_cast %mul3A_107 : i32 to index
      %get3A_108 = tpu.vector_load %arg6[%get3A] {strides = array<i32>} : memref<640xf32, #tpu.memory_space<vmem>>, vector<16xf32>,
      %get3A_109 = arith.index_cast %mul3A_107 : i32 to index
      %get3A_110 = tpu.vector_load %arg7[%get3A_109] {strides = array<i32>} : memref<640xf32, #tpu.memory_space<vmem>>, vector<16xf32>,
      %add3A_111 = arith.addf %get3A_108, %get3A_110 : vector<16xf32>
      %swap3A = arith.index_cast %mul3A_107 : i32 to index
      %swap3A_112 = tpu.vector_load %arg6[%swap3A] {strides = array<i32>} : memref<640xf32, #tpu.memory_space<vmem>>, vector<16xf32>,
      tpu.vector_store %arg6[%swap3A], %add3A_111 {strides = array<i32>} : memref<640xf32, #tpu.memory_space<vmem>>, vector<16xf32>,
    }
    %scan3A_86 = arith.constant 40 : i32
    %run_scoped3A_87 = arith.constant 13 : i32
    "tpu.region"() ({
      %run_scoped3A_105 = tpu.sem_alloc : memref<!tpu.dma_semaphore, #tpu.memory_space<semaphore_mem>>
      %dma_start3A = tpu.memref_slice %arg8[%run_scoped3A_87, %mul3A_14] : memref<16x10240xf32, #tpu.memory_space<vmem_shared>> -> memref<1x640xf32, #tpu.memory_space<vmem_shared>>
      %dma_start3A_106 = tpu.memref_squeeze %dma_start3A : memref<1x640xf32, #tpu.memory_space<vmem_shared>> -> memref<640xf32, #tpu.memory_space<vmem_shared>>
      %dma_start3A_107 = tpu.memref_slice %arg8[%run_scoped3A_87, %mul3A_14] : memref<16x10240xf32, #tpu.memory_space<vmem_shared>> -> memref<1x640xf32, #tpu.memory_space<vmem_shared>>
      %dma_start3A_108 = tpu.memref_squeeze %dma_start3A_107 : memref<1x640xf32, #tpu.memory_space<vmem_shared>> -> memref<640xf32, #tpu.memory_space<vmem_shared>>
      tpu.enqueue_dma source(%dma_start3A_108 : memref<640xf32, #tpu.memory_space<vmem_shared>>) target(%arg7 : memref<640xf32, #tpu.memory_space<vmem>>) target_semaphore(%run_scoped3A_105 : memref<!tpu.dma_semaphore, #tpu.memory_space<semaphore_mem>>)
      %dma_wait3A = tpu.memref_slice %arg8[%run_scoped3A_87, %mul3A_14] : memref<16x10240xf32, #tpu.memory_space<vmem_shared>> -> memref<1x640xf32, #tpu.memory_space<vmem_shared>>
      %dma_wait3A_109 = tpu.memref_squeeze %dma_wait3A : memref<1x640xf32, #tpu.memory_space<vmem_shared>> -> memref<640xf32, #tpu.memory_space<vmem_shared>>
      %dma_wait3A_110 = tpu.memref_slice %arg8[%run_scoped3A_87, %mul3A_14] : memref<16x10240xf32, #tpu.memory_space<vmem_shared>> -> memref<1x640xf32, #tpu.memory_space<vmem_shared>>
      %dma_wait3A_111 = tpu.memref_squeeze %dma_wait3A_110 : memref<1x640xf32, #tpu.memory_space<vmem_shared>> -> memref<640xf32, #tpu.memory_space<vmem_shared>>
      tpu.wait_dma2 semaphore(%run_scoped3A_105 : memref<!tpu.dma_semaphore, #tpu.memory_space<semaphore_mem>>) src(%dma_wait3A_111 : memref<640xf32, #tpu.memory_space<vmem_shared>>) dst(%arg7 : memref<640xf32, #tpu.memory_space<vmem>>)
      tpu.yield
    }) : () -> ()
    %scan3A_88 = arith.constant 0 : i32
    %scan3A_89 = arith.constant 40 : i32
    %scan3A_90 = arith.addi %scan3A_88, %scan3A_89 : i32
    %scan3A_91 = arith.constant 1 : i32
    scf.for %scan3A_105 = %scan3A_88 to %scan3A_90 step %scan3A_91  : i32 {
      %mul3A_106 = arith.constant 16 : i32
      %mul3A_107 = arith.muli %scan3A_105, %mul3A_106 : i32
      %get3A = arith.index_cast %mul3A_107 : i32 to index
      %get3A_108 = tpu.vector_load %arg6[%get3A] {strides = array<i32>} : memref<640xf32, #tpu.memory_space<vmem>>, vector<16xf32>,
      %get3A_109 = arith.index_cast %mul3A_107 : i32 to index
      %get3A_110 = tpu.vector_load %arg7[%get3A_109] {strides = array<i32>} : memref<640xf32, #tpu.memory_space<vmem>>, vector<16xf32>,
      %add3A_111 = arith.addf %get3A_108, %get3A_110 : vector<16xf32>
      %swap3A = arith.index_cast %mul3A_107 : i32 to index
      %swap3A_112 = tpu.vector_load %arg6[%swap3A] {strides = array<i32>} : memref<640xf32, #tpu.memory_space<vmem>>, vector<16xf32>,
      tpu.vector_store %arg6[%swap3A], %add3A_111 {strides = array<i32>} : memref<640xf32, #tpu.memory_space<vmem>>, vector<16xf32>,
    }
    %scan3A_92 = arith.constant 40 : i32
    %run_scoped3A_93 = arith.constant 14 : i32
    "tpu.region"() ({
      %run_scoped3A_105 = tpu.sem_alloc : memref<!tpu.dma_semaphore, #tpu.memory_space<semaphore_mem>>
      %dma_start3A = tpu.memref_slice %arg8[%run_scoped3A_93, %mul3A_14] : memref<16x10240xf32, #tpu.memory_space<vmem_shared>> -> memref<1x640xf32, #tpu.memory_space<vmem_shared>>
      %dma_start3A_106 = tpu.memref_squeeze %dma_start3A : memref<1x640xf32, #tpu.memory_space<vmem_shared>> -> memref<640xf32, #tpu.memory_space<vmem_shared>>
      %dma_start3A_107 = tpu.memref_slice %arg8[%run_scoped3A_93, %mul3A_14] : memref<16x10240xf32, #tpu.memory_space<vmem_shared>> -> memref<1x640xf32, #tpu.memory_space<vmem_shared>>
      %dma_start3A_108 = tpu.memref_squeeze %dma_start3A_107 : memref<1x640xf32, #tpu.memory_space<vmem_shared>> -> memref<640xf32, #tpu.memory_space<vmem_shared>>
      tpu.enqueue_dma source(%dma_start3A_108 : memref<640xf32, #tpu.memory_space<vmem_shared>>) target(%arg7 : memref<640xf32, #tpu.memory_space<vmem>>) target_semaphore(%run_scoped3A_105 : memref<!tpu.dma_semaphore, #tpu.memory_space<semaphore_mem>>)
      %dma_wait3A = tpu.memref_slice %arg8[%run_scoped3A_93, %mul3A_14] : memref<16x10240xf32, #tpu.memory_space<vmem_shared>> -> memref<1x640xf32, #tpu.memory_space<vmem_shared>>
      %dma_wait3A_109 = tpu.memref_squeeze %dma_wait3A : memref<1x640xf32, #tpu.memory_space<vmem_shared>> -> memref<640xf32, #tpu.memory_space<vmem_shared>>
      %dma_wait3A_110 = tpu.memref_slice %arg8[%run_scoped3A_93, %mul3A_14] : memref<16x10240xf32, #tpu.memory_space<vmem_shared>> -> memref<1x640xf32, #tpu.memory_space<vmem_shared>>
      %dma_wait3A_111 = tpu.memref_squeeze %dma_wait3A_110 : memref<1x640xf32, #tpu.memory_space<vmem_shared>> -> memref<640xf32, #tpu.memory_space<vmem_shared>>
      tpu.wait_dma2 semaphore(%run_scoped3A_105 : memref<!tpu.dma_semaphore, #tpu.memory_space<semaphore_mem>>) src(%dma_wait3A_111 : memref<640xf32, #tpu.memory_space<vmem_shared>>) dst(%arg7 : memref<640xf32, #tpu.memory_space<vmem>>)
      tpu.yield
    }) : () -> ()
    %scan3A_94 = arith.constant 0 : i32
    %scan3A_95 = arith.constant 40 : i32
    %scan3A_96 = arith.addi %scan3A_94, %scan3A_95 : i32
    %scan3A_97 = arith.constant 1 : i32
    scf.for %scan3A_105 = %scan3A_94 to %scan3A_96 step %scan3A_97  : i32 {
      %mul3A_106 = arith.constant 16 : i32
      %mul3A_107 = arith.muli %scan3A_105, %mul3A_106 : i32
      %get3A = arith.index_cast %mul3A_107 : i32 to index
      %get3A_108 = tpu.vector_load %arg6[%get3A] {strides = array<i32>} : memref<640xf32, #tpu.memory_space<vmem>>, vector<16xf32>,
      %get3A_109 = arith.index_cast %mul3A_107 : i32 to index
      %get3A_110 = tpu.vector_load %arg7[%get3A_109] {strides = array<i32>} : memref<640xf32, #tpu.memory_space<vmem>>, vector<16xf32>,
      %add3A_111 = arith.addf %get3A_108, %get3A_110 : vector<16xf32>
      %swap3A = arith.index_cast %mul3A_107 : i32 to index
      %swap3A_112 = tpu.vector_load %arg6[%swap3A] {strides = array<i32>} : memref<640xf32, #tpu.memory_space<vmem>>, vector<16xf32>,
      tpu.vector_store %arg6[%swap3A], %add3A_111 {strides = array<i32>} : memref<640xf32, #tpu.memory_space<vmem>>, vector<16xf32>,
    }
    %scan3A_98 = arith.constant 40 : i32
    %run_scoped3A_99 = arith.constant 15 : i32
    "tpu.region"() ({
      %run_scoped3A_105 = tpu.sem_alloc : memref<!tpu.dma_semaphore, #tpu.memory_space<semaphore_mem>>
      %dma_start3A = tpu.memref_slice %arg8[%run_scoped3A_99, %mul3A_14] : memref<16x10240xf32, #tpu.memory_space<vmem_shared>> -> memref<1x640xf32, #tpu.memory_space<vmem_shared>>
      %dma_start3A_106 = tpu.memref_squeeze %dma_start3A : memref<1x640xf32, #tpu.memory_space<vmem_shared>> -> memref<640xf32, #tpu.memory_space<vmem_shared>>
      %dma_start3A_107 = tpu.memref_slice %arg8[%run_scoped3A_99, %mul3A_14] : memref<16x10240xf32, #tpu.memory_space<vmem_shared>> -> memref<1x640xf32, #tpu.memory_space<vmem_shared>>
      %dma_start3A_108 = tpu.memref_squeeze %dma_start3A_107 : memref<1x640xf32, #tpu.memory_space<vmem_shared>> -> memref<640xf32, #tpu.memory_space<vmem_shared>>
      tpu.enqueue_dma source(%dma_start3A_108 : memref<640xf32, #tpu.memory_space<vmem_shared>>) target(%arg7 : memref<640xf32, #tpu.memory_space<vmem>>) target_semaphore(%run_scoped3A_105 : memref<!tpu.dma_semaphore, #tpu.memory_space<semaphore_mem>>)
      %dma_wait3A = tpu.memref_slice %arg8[%run_scoped3A_99, %mul3A_14] : memref<16x10240xf32, #tpu.memory_space<vmem_shared>> -> memref<1x640xf32, #tpu.memory_space<vmem_shared>>
      %dma_wait3A_109 = tpu.memref_squeeze %dma_wait3A : memref<1x640xf32, #tpu.memory_space<vmem_shared>> -> memref<640xf32, #tpu.memory_space<vmem_shared>>
      %dma_wait3A_110 = tpu.memref_slice %arg8[%run_scoped3A_99, %mul3A_14] : memref<16x10240xf32, #tpu.memory_space<vmem_shared>> -> memref<1x640xf32, #tpu.memory_space<vmem_shared>>
      %dma_wait3A_111 = tpu.memref_squeeze %dma_wait3A_110 : memref<1x640xf32, #tpu.memory_space<vmem_shared>> -> memref<640xf32, #tpu.memory_space<vmem_shared>>
      tpu.wait_dma2 semaphore(%run_scoped3A_105 : memref<!tpu.dma_semaphore, #tpu.memory_space<semaphore_mem>>) src(%dma_wait3A_111 : memref<640xf32, #tpu.memory_space<vmem_shared>>) dst(%arg7 : memref<640xf32, #tpu.memory_space<vmem>>)
      tpu.yield
    }) : () -> ()
    %scan3A_100 = arith.constant 0 : i32
    %scan3A_101 = arith.constant 40 : i32
    %scan3A_102 = arith.addi %scan3A_100, %scan3A_101 : i32
    %scan3A_103 = arith.constant 1 : i32
    scf.for %scan3A_105 = %scan3A_100 to %scan3A_102 step %scan3A_103  : i32 {
      %mul3A_106 = arith.constant 16 : i32
      %mul3A_107 = arith.muli %scan3A_105, %mul3A_106 : i32
      %get3A = arith.index_cast %mul3A_107 : i32 to index
      %get3A_108 = tpu.vector_load %arg6[%get3A] {strides = array<i32>} : memref<640xf32, #tpu.memory_space<vmem>>, vector<16xf32>,
      %get3A_109 = arith.index_cast %mul3A_107 : i32 to index
      %get3A_110 = tpu.vector_load %arg7[%get3A_109] {strides = array<i32>} : memref<640xf32, #tpu.memory_space<vmem>>, vector<16xf32>,
      %add3A_111 = arith.addf %get3A_108, %get3A_110 : vector<16xf32>
      %swap3A = arith.index_cast %mul3A_107 : i32 to index
      %swap3A_112 = tpu.vector_load %arg6[%swap3A] {strides = array<i32>} : memref<640xf32, #tpu.memory_space<vmem>>, vector<16xf32>,
      tpu.vector_store %arg6[%swap3A], %add3A_111 {strides = array<i32>} : memref<640xf32, #tpu.memory_space<vmem>>, vector<16xf32>,
    }
    %scan3A_104 = arith.constant 40 : i32
    "tpu.region"() ({
      %run_scoped3A_105 = tpu.sem_alloc : memref<!tpu.dma_semaphore, #tpu.memory_space<semaphore_mem>>
      %dma_start3A = tpu.memref_slice %arg3[%arg0, %mul3A_14] : memref<2x10240xf32, #tpu.memory_space<hbm>> -> memref<1x640xf32, #tpu.memory_space<hbm>>
      %dma_start3A_106 = tpu.memref_squeeze %dma_start3A : memref<1x640xf32, #tpu.memory_space<hbm>> -> memref<640xf32, #tpu.memory_space<hbm>>
      %dma_start3A_107 = tpu.memref_slice %arg3[%arg0, %mul3A_14] : memref<2x10240xf32, #tpu.memory_space<hbm>> -> memref<1x640xf32, #tpu.memory_space<hbm>>
      %dma_start3A_108 = tpu.memref_squeeze %dma_start3A_107 : memref<1x640xf32, #tpu.memory_space<hbm>> -> memref<640xf32, #tpu.memory_space<hbm>>
      tpu.enqueue_dma source(%arg6 : memref<640xf32, #tpu.memory_space<vmem>>) target(%dma_start3A_108 : memref<640xf32, #tpu.memory_space<hbm>>) target_semaphore(%run_scoped3A_105 : memref<!tpu.dma_semaphore, #tpu.memory_space<semaphore_mem>>)
      %dma_wait3A = tpu.memref_slice %arg3[%arg0, %mul3A_14] : memref<2x10240xf32, #tpu.memory_space<hbm>> -> memref<1x640xf32, #tpu.memory_space<hbm>>
      %dma_wait3A_109 = tpu.memref_squeeze %dma_wait3A : memref<1x640xf32, #tpu.memory_space<hbm>> -> memref<640xf32, #tpu.memory_space<hbm>>
      %dma_wait3A_110 = tpu.memref_slice %arg3[%arg0, %mul3A_14] : memref<2x10240xf32, #tpu.memory_space<hbm>> -> memref<1x640xf32, #tpu.memory_space<hbm>>
      %dma_wait3A_111 = tpu.memref_squeeze %dma_wait3A_110 : memref<1x640xf32, #tpu.memory_space<hbm>> -> memref<640xf32, #tpu.memory_space<hbm>>
      tpu.wait_dma2 semaphore(%run_scoped3A_105 : memref<!tpu.dma_semaphore, #tpu.memory_space<semaphore_mem>>) src(%arg6 : memref<640xf32, #tpu.memory_space<vmem>>) dst(%dma_wait3A_111 : memref<640xf32, #tpu.memory_space<hbm>>)
      tpu.yield
    }) : () -> ()
    return
  }
}

#map = affine_map<(d0, d1) -> (0, 0)>
#map1 = affine_map<(d0, d1) -> (0, 0, 0)>
module attributes {stable_mosaic.version = 14 : i64} {
  func.func @_scatter_kernel(%arg0: i32, %arg1: i32, %arg2: memref<32x10000xi32, #tpu.memory_space<hbm>>, %arg3: memref<32x10000xi32, #tpu.memory_space<hbm>>, %arg4: memref<10000x128xf32, #tpu.memory_space<hbm>>, %arg5: memref<2x10000x128xf32, #tpu.memory_space<hbm>>, %arg6: memref<10000xi32, #tpu.memory_space<vmem>>, %arg7: memref<10000xi32, #tpu.memory_space<vmem>>, %arg8: memref<80x128xf32, #tpu.memory_space<vmem>>, %arg9: memref<80x128xf32, #tpu.memory_space<vmem>>, %arg10: memref<10000x128xf32, #tpu.memory_space<vmem_shared>>, %arg11: memref<!tpu.dma_semaphore, #tpu.memory_space<semaphore_mem>>, %arg12: memref<!tpu.dma_semaphore, #tpu.memory_space<semaphore_mem>>) attributes {dimension_semantics = [#tpu.dimension_semantics<core_parallel>, #tpu.dimension_semantics<subcore_parallel>], iteration_bounds = array<i64: 2, 16>, scalar_prefetch = 0 : i64, scratch_operands = 7 : i64, tpu.core_type = #tpu.core_type<sc_vector_subcore>, window_params = [{transform_indices = #map}, {transform_indices = #map}, {transform_indices = #map}, {transform_indices = #map1}]} {
    %mul3A = arith.constant 16 : i32
    %mul3A_0 = arith.muli %arg0, %mul3A : i32
    %add3A = arith.addi %mul3A_0, %arg1 : i32
    "tpu.region"() ({
      %run_scoped3A = tpu.sem_alloc : memref<!tpu.dma_semaphore, #tpu.memory_space<semaphore_mem>>
      %dma_start3A_129 = arith.constant 0 : i32
      %dma_start3A_130 = tpu.memref_slice %arg2[%add3A, %dma_start3A_129] : memref<32x10000xi32, #tpu.memory_space<hbm>> -> memref<1x10000xi32, #tpu.memory_space<hbm>>
      %dma_start3A_131 = tpu.memref_squeeze %dma_start3A_130 : memref<1x10000xi32, #tpu.memory_space<hbm>> -> memref<10000xi32, #tpu.memory_space<hbm>>
      %dma_start3A_132 = arith.constant 0 : i32
      %dma_start3A_133 = tpu.memref_slice %arg2[%add3A, %dma_start3A_132] : memref<32x10000xi32, #tpu.memory_space<hbm>> -> memref<1x10000xi32, #tpu.memory_space<hbm>>
      %dma_start3A_134 = tpu.memref_squeeze %dma_start3A_133 : memref<1x10000xi32, #tpu.memory_space<hbm>> -> memref<10000xi32, #tpu.memory_space<hbm>>
      tpu.enqueue_dma source(%dma_start3A_134 : memref<10000xi32, #tpu.memory_space<hbm>>) target(%arg6 : memref<10000xi32, #tpu.memory_space<vmem>>) target_semaphore(%run_scoped3A : memref<!tpu.dma_semaphore, #tpu.memory_space<semaphore_mem>>)
      %dma_wait3A_135 = arith.constant 0 : i32
      %dma_wait3A_136 = tpu.memref_slice %arg2[%add3A, %dma_wait3A_135] : memref<32x10000xi32, #tpu.memory_space<hbm>> -> memref<1x10000xi32, #tpu.memory_space<hbm>>
      %dma_wait3A_137 = tpu.memref_squeeze %dma_wait3A_136 : memref<1x10000xi32, #tpu.memory_space<hbm>> -> memref<10000xi32, #tpu.memory_space<hbm>>
      %dma_wait3A_138 = arith.constant 0 : i32
      %dma_wait3A_139 = tpu.memref_slice %arg2[%add3A, %dma_wait3A_138] : memref<32x10000xi32, #tpu.memory_space<hbm>> -> memref<1x10000xi32, #tpu.memory_space<hbm>>
      %dma_wait3A_140 = tpu.memref_squeeze %dma_wait3A_139 : memref<1x10000xi32, #tpu.memory_space<hbm>> -> memref<10000xi32, #tpu.memory_space<hbm>>
      tpu.wait_dma2 semaphore(%run_scoped3A : memref<!tpu.dma_semaphore, #tpu.memory_space<semaphore_mem>>) src(%dma_wait3A_140 : memref<10000xi32, #tpu.memory_space<hbm>>) dst(%arg6 : memref<10000xi32, #tpu.memory_space<vmem>>)
      tpu.yield
    }) : () -> ()
    "tpu.region"() ({
      %run_scoped3A = tpu.sem_alloc : memref<!tpu.dma_semaphore, #tpu.memory_space<semaphore_mem>>
      %dma_start3A_129 = arith.constant 0 : i32
      %dma_start3A_130 = tpu.memref_slice %arg3[%add3A, %dma_start3A_129] : memref<32x10000xi32, #tpu.memory_space<hbm>> -> memref<1x10000xi32, #tpu.memory_space<hbm>>
      %dma_start3A_131 = tpu.memref_squeeze %dma_start3A_130 : memref<1x10000xi32, #tpu.memory_space<hbm>> -> memref<10000xi32, #tpu.memory_space<hbm>>
      %dma_start3A_132 = arith.constant 0 : i32
      %dma_start3A_133 = tpu.memref_slice %arg3[%add3A, %dma_start3A_132] : memref<32x10000xi32, #tpu.memory_space<hbm>> -> memref<1x10000xi32, #tpu.memory_space<hbm>>
      %dma_start3A_134 = tpu.memref_squeeze %dma_start3A_133 : memref<1x10000xi32, #tpu.memory_space<hbm>> -> memref<10000xi32, #tpu.memory_space<hbm>>
      tpu.enqueue_dma source(%dma_start3A_134 : memref<10000xi32, #tpu.memory_space<hbm>>) target(%arg7 : memref<10000xi32, #tpu.memory_space<vmem>>) target_semaphore(%run_scoped3A : memref<!tpu.dma_semaphore, #tpu.memory_space<semaphore_mem>>)
      %dma_wait3A_135 = arith.constant 0 : i32
      %dma_wait3A_136 = tpu.memref_slice %arg3[%add3A, %dma_wait3A_135] : memref<32x10000xi32, #tpu.memory_space<hbm>> -> memref<1x10000xi32, #tpu.memory_space<hbm>>
      %dma_wait3A_137 = tpu.memref_squeeze %dma_wait3A_136 : memref<1x10000xi32, #tpu.memory_space<hbm>> -> memref<10000xi32, #tpu.memory_space<hbm>>
      %dma_wait3A_138 = arith.constant 0 : i32
      %dma_wait3A_139 = tpu.memref_slice %arg3[%add3A, %dma_wait3A_138] : memref<32x10000xi32, #tpu.memory_space<hbm>> -> memref<1x10000xi32, #tpu.memory_space<hbm>>
      %dma_wait3A_140 = tpu.memref_squeeze %dma_wait3A_139 : memref<1x10000xi32, #tpu.memory_space<hbm>> -> memref<10000xi32, #tpu.memory_space<hbm>>
      tpu.wait_dma2 semaphore(%run_scoped3A : memref<!tpu.dma_semaphore, #tpu.memory_space<semaphore_mem>>) src(%dma_wait3A_140 : memref<10000xi32, #tpu.memory_space<hbm>>) dst(%arg7 : memref<10000xi32, #tpu.memory_space<vmem>>)
      tpu.yield
    }) : () -> ()
    %broadcast_in_dim3A = arith.constant 0.000000e+00 : f32
    %broadcast_in_dim3A_1 = vector.broadcast %broadcast_in_dim3A : f32 to vector<16xf32>
    %scan3A = arith.constant 0 : i32
    %scan3A_2 = arith.constant 80 : i32
    %scan3A_3 = arith.addi %scan3A, %scan3A_2 : i32
    %scan3A_4 = arith.constant 1 : i32
    scf.for %scan3A_129 = %scan3A to %scan3A_3 step %scan3A_4  : i32 {
      %swap3A = arith.index_cast %scan3A_129 : i32 to index
      %swap3A_130 = arith.constant 0 : index
      %swap3A_131 = tpu.vector_load %arg8[%swap3A, %swap3A_130] {strides = array<i32>} : memref<80x128xf32, #tpu.memory_space<vmem>>, vector<16xf32>,
      tpu.vector_store %arg8[%swap3A, %swap3A_130], %broadcast_in_dim3A_1 {strides = array<i32>} : memref<80x128xf32, #tpu.memory_space<vmem>>, vector<16xf32>,
      %swap3A_132 = arith.index_cast %scan3A_129 : i32 to index
      %swap3A_133 = arith.constant 16 : index
      %swap3A_134 = tpu.vector_load %arg8[%swap3A_132, %swap3A_133] {strides = array<i32>} : memref<80x128xf32, #tpu.memory_space<vmem>>, vector<16xf32>,
      tpu.vector_store %arg8[%swap3A_132, %swap3A_133], %broadcast_in_dim3A_1 {strides = array<i32>} : memref<80x128xf32, #tpu.memory_space<vmem>>, vector<16xf32>,
      %swap3A_135 = arith.index_cast %scan3A_129 : i32 to index
      %swap3A_136 = arith.constant 32 : index
      %swap3A_137 = tpu.vector_load %arg8[%swap3A_135, %swap3A_136] {strides = array<i32>} : memref<80x128xf32, #tpu.memory_space<vmem>>, vector<16xf32>,
      tpu.vector_store %arg8[%swap3A_135, %swap3A_136], %broadcast_in_dim3A_1 {strides = array<i32>} : memref<80x128xf32, #tpu.memory_space<vmem>>, vector<16xf32>,
      %swap3A_138 = arith.index_cast %scan3A_129 : i32 to index
      %swap3A_139 = arith.constant 48 : index
      %swap3A_140 = tpu.vector_load %arg8[%swap3A_138, %swap3A_139] {strides = array<i32>} : memref<80x128xf32, #tpu.memory_space<vmem>>, vector<16xf32>,
      tpu.vector_store %arg8[%swap3A_138, %swap3A_139], %broadcast_in_dim3A_1 {strides = array<i32>} : memref<80x128xf32, #tpu.memory_space<vmem>>, vector<16xf32>,
      %swap3A_141 = arith.index_cast %scan3A_129 : i32 to index
      %swap3A_142 = arith.constant 64 : index
      %swap3A_143 = tpu.vector_load %arg8[%swap3A_141, %swap3A_142] {strides = array<i32>} : memref<80x128xf32, #tpu.memory_space<vmem>>, vector<16xf32>,
      tpu.vector_store %arg8[%swap3A_141, %swap3A_142], %broadcast_in_dim3A_1 {strides = array<i32>} : memref<80x128xf32, #tpu.memory_space<vmem>>, vector<16xf32>,
      %swap3A_144 = arith.index_cast %scan3A_129 : i32 to index
      %swap3A_145 = arith.constant 80 : index
      %swap3A_146 = tpu.vector_load %arg8[%swap3A_144, %swap3A_145] {strides = array<i32>} : memref<80x128xf32, #tpu.memory_space<vmem>>, vector<16xf32>,
      tpu.vector_store %arg8[%swap3A_144, %swap3A_145], %broadcast_in_dim3A_1 {strides = array<i32>} : memref<80x128xf32, #tpu.memory_space<vmem>>, vector<16xf32>,
      %swap3A_147 = arith.index_cast %scan3A_129 : i32 to index
      %swap3A_148 = arith.constant 96 : index
      %swap3A_149 = tpu.vector_load %arg8[%swap3A_147, %swap3A_148] {strides = array<i32>} : memref<80x128xf32, #tpu.memory_space<vmem>>, vector<16xf32>,
      tpu.vector_store %arg8[%swap3A_147, %swap3A_148], %broadcast_in_dim3A_1 {strides = array<i32>} : memref<80x128xf32, #tpu.memory_space<vmem>>, vector<16xf32>,
      %swap3A_150 = arith.index_cast %scan3A_129 : i32 to index
      %swap3A_151 = arith.constant 112 : index
      %swap3A_152 = tpu.vector_load %arg8[%swap3A_150, %swap3A_151] {strides = array<i32>} : memref<80x128xf32, #tpu.memory_space<vmem>>, vector<16xf32>,
      tpu.vector_store %arg8[%swap3A_150, %swap3A_151], %broadcast_in_dim3A_1 {strides = array<i32>} : memref<80x128xf32, #tpu.memory_space<vmem>>, vector<16xf32>,
    }
    %scan3A_5 = arith.constant 80 : i32
    %add3A_6 = arith.constant 0 : i32
    %add3A_7 = arith.addi %add3A_6, %arg1 : i32
    %lt3A = arith.constant 125 : i32
    %lt3A_8 = arith.cmpi slt, %add3A_7, %lt3A : i32
    %convert_element_type3A = arith.extui %lt3A_8 : i1 to i32
    %cond3A = arith.constant 0 : i32
    %cond3A_9 = arith.cmpi ne, %convert_element_type3A, %cond3A : i32
    scf.if %cond3A_9 {
      %mul3A_129 = arith.constant 80 : i32
      %mul3A_130 = arith.muli %add3A_7, %mul3A_129 : i32
      "tpu.region"() ({
        %run_scoped3A = tpu.sem_alloc : memref<!tpu.dma_semaphore, #tpu.memory_space<semaphore_mem>>
        %dma_start3A_131 = arith.constant 0 : i32
        %dma_start3A_132 = tpu.memref_slice %arg10[%mul3A_130, %dma_start3A_131] : memref<10000x128xf32, #tpu.memory_space<vmem_shared>> -> memref<80x128xf32, #tpu.memory_space<vmem_shared>>
        %dma_start3A_133 = arith.constant 0 : i32
        %dma_start3A_134 = tpu.memref_slice %arg10[%mul3A_130, %dma_start3A_133] : memref<10000x128xf32, #tpu.memory_space<vmem_shared>> -> memref<80x128xf32, #tpu.memory_space<vmem_shared>>
        tpu.enqueue_dma source(%arg8 : memref<80x128xf32, #tpu.memory_space<vmem>>) target(%dma_start3A_134 : memref<80x128xf32, #tpu.memory_space<vmem_shared>>) target_semaphore(%run_scoped3A : memref<!tpu.dma_semaphore, #tpu.memory_space<semaphore_mem>>)
        %dma_wait3A_135 = arith.constant 0 : i32
        %dma_wait3A_136 = tpu.memref_slice %arg10[%mul3A_130, %dma_wait3A_135] : memref<10000x128xf32, #tpu.memory_space<vmem_shared>> -> memref<80x128xf32, #tpu.memory_space<vmem_shared>>
        %dma_wait3A_137 = arith.constant 0 : i32
        %dma_wait3A_138 = tpu.memref_slice %arg10[%mul3A_130, %dma_wait3A_137] : memref<10000x128xf32, #tpu.memory_space<vmem_shared>> -> memref<80x128xf32, #tpu.memory_space<vmem_shared>>
        tpu.wait_dma2 semaphore(%run_scoped3A : memref<!tpu.dma_semaphore, #tpu.memory_space<semaphore_mem>>) src(%arg8 : memref<80x128xf32, #tpu.memory_space<vmem>>) dst(%dma_wait3A_138 : memref<80x128xf32, #tpu.memory_space<vmem_shared>>)
        tpu.yield
      }) : () -> ()
    } else {
    }
    %add3A_10 = arith.constant 16 : i32
    %add3A_11 = arith.addi %add3A_10, %arg1 : i32
    %lt3A_12 = arith.constant 125 : i32
    %lt3A_13 = arith.cmpi slt, %add3A_11, %lt3A_12 : i32
    %convert_element_type3A_14 = arith.extui %lt3A_13 : i1 to i32
    %cond3A_15 = arith.constant 0 : i32
    %cond3A_16 = arith.cmpi ne, %convert_element_type3A_14, %cond3A_15 : i32
    scf.if %cond3A_16 {
      %mul3A_129 = arith.constant 80 : i32
      %mul3A_130 = arith.muli %add3A_11, %mul3A_129 : i32
      "tpu.region"() ({
        %run_scoped3A = tpu.sem_alloc : memref<!tpu.dma_semaphore, #tpu.memory_space<semaphore_mem>>
        %dma_start3A_131 = arith.constant 0 : i32
        %dma_start3A_132 = tpu.memref_slice %arg10[%mul3A_130, %dma_start3A_131] : memref<10000x128xf32, #tpu.memory_space<vmem_shared>> -> memref<80x128xf32, #tpu.memory_space<vmem_shared>>
        %dma_start3A_133 = arith.constant 0 : i32
        %dma_start3A_134 = tpu.memref_slice %arg10[%mul3A_130, %dma_start3A_133] : memref<10000x128xf32, #tpu.memory_space<vmem_shared>> -> memref<80x128xf32, #tpu.memory_space<vmem_shared>>
        tpu.enqueue_dma source(%arg8 : memref<80x128xf32, #tpu.memory_space<vmem>>) target(%dma_start3A_134 : memref<80x128xf32, #tpu.memory_space<vmem_shared>>) target_semaphore(%run_scoped3A : memref<!tpu.dma_semaphore, #tpu.memory_space<semaphore_mem>>)
        %dma_wait3A_135 = arith.constant 0 : i32
        %dma_wait3A_136 = tpu.memref_slice %arg10[%mul3A_130, %dma_wait3A_135] : memref<10000x128xf32, #tpu.memory_space<vmem_shared>> -> memref<80x128xf32, #tpu.memory_space<vmem_shared>>
        %dma_wait3A_137 = arith.constant 0 : i32
        %dma_wait3A_138 = tpu.memref_slice %arg10[%mul3A_130, %dma_wait3A_137] : memref<10000x128xf32, #tpu.memory_space<vmem_shared>> -> memref<80x128xf32, #tpu.memory_space<vmem_shared>>
        tpu.wait_dma2 semaphore(%run_scoped3A : memref<!tpu.dma_semaphore, #tpu.memory_space<semaphore_mem>>) src(%arg8 : memref<80x128xf32, #tpu.memory_space<vmem>>) dst(%dma_wait3A_138 : memref<80x128xf32, #tpu.memory_space<vmem_shared>>)
        tpu.yield
      }) : () -> ()
    } else {
    }
    %add3A_17 = arith.constant 32 : i32
    %add3A_18 = arith.addi %add3A_17, %arg1 : i32
    %lt3A_19 = arith.constant 125 : i32
    %lt3A_20 = arith.cmpi slt, %add3A_18, %lt3A_19 : i32
    %convert_element_type3A_21 = arith.extui %lt3A_20 : i1 to i32
    %cond3A_22 = arith.constant 0 : i32
    %cond3A_23 = arith.cmpi ne, %convert_element_type3A_21, %cond3A_22 : i32
    scf.if %cond3A_23 {
      %mul3A_129 = arith.constant 80 : i32
      %mul3A_130 = arith.muli %add3A_18, %mul3A_129 : i32
      "tpu.region"() ({
        %run_scoped3A = tpu.sem_alloc : memref<!tpu.dma_semaphore, #tpu.memory_space<semaphore_mem>>
        %dma_start3A_131 = arith.constant 0 : i32
        %dma_start3A_132 = tpu.memref_slice %arg10[%mul3A_130, %dma_start3A_131] : memref<10000x128xf32, #tpu.memory_space<vmem_shared>> -> memref<80x128xf32, #tpu.memory_space<vmem_shared>>
        %dma_start3A_133 = arith.constant 0 : i32
        %dma_start3A_134 = tpu.memref_slice %arg10[%mul3A_130, %dma_start3A_133] : memref<10000x128xf32, #tpu.memory_space<vmem_shared>> -> memref<80x128xf32, #tpu.memory_space<vmem_shared>>
        tpu.enqueue_dma source(%arg8 : memref<80x128xf32, #tpu.memory_space<vmem>>) target(%dma_start3A_134 : memref<80x128xf32, #tpu.memory_space<vmem_shared>>) target_semaphore(%run_scoped3A : memref<!tpu.dma_semaphore, #tpu.memory_space<semaphore_mem>>)
        %dma_wait3A_135 = arith.constant 0 : i32
        %dma_wait3A_136 = tpu.memref_slice %arg10[%mul3A_130, %dma_wait3A_135] : memref<10000x128xf32, #tpu.memory_space<vmem_shared>> -> memref<80x128xf32, #tpu.memory_space<vmem_shared>>
        %dma_wait3A_137 = arith.constant 0 : i32
        %dma_wait3A_138 = tpu.memref_slice %arg10[%mul3A_130, %dma_wait3A_137] : memref<10000x128xf32, #tpu.memory_space<vmem_shared>> -> memref<80x128xf32, #tpu.memory_space<vmem_shared>>
        tpu.wait_dma2 semaphore(%run_scoped3A : memref<!tpu.dma_semaphore, #tpu.memory_space<semaphore_mem>>) src(%arg8 : memref<80x128xf32, #tpu.memory_space<vmem>>) dst(%dma_wait3A_138 : memref<80x128xf32, #tpu.memory_space<vmem_shared>>)
        tpu.yield
      }) : () -> ()
    } else {
    }
    %add3A_24 = arith.constant 48 : i32
    %add3A_25 = arith.addi %add3A_24, %arg1 : i32
    %lt3A_26 = arith.constant 125 : i32
    %lt3A_27 = arith.cmpi slt, %add3A_25, %lt3A_26 : i32
    %convert_element_type3A_28 = arith.extui %lt3A_27 : i1 to i32
    %cond3A_29 = arith.constant 0 : i32
    %cond3A_30 = arith.cmpi ne, %convert_element_type3A_28, %cond3A_29 : i32
    scf.if %cond3A_30 {
      %mul3A_129 = arith.constant 80 : i32
      %mul3A_130 = arith.muli %add3A_25, %mul3A_129 : i32
      "tpu.region"() ({
        %run_scoped3A = tpu.sem_alloc : memref<!tpu.dma_semaphore, #tpu.memory_space<semaphore_mem>>
        %dma_start3A_131 = arith.constant 0 : i32
        %dma_start3A_132 = tpu.memref_slice %arg10[%mul3A_130, %dma_start3A_131] : memref<10000x128xf32, #tpu.memory_space<vmem_shared>> -> memref<80x128xf32, #tpu.memory_space<vmem_shared>>
        %dma_start3A_133 = arith.constant 0 : i32
        %dma_start3A_134 = tpu.memref_slice %arg10[%mul3A_130, %dma_start3A_133] : memref<10000x128xf32, #tpu.memory_space<vmem_shared>> -> memref<80x128xf32, #tpu.memory_space<vmem_shared>>
        tpu.enqueue_dma source(%arg8 : memref<80x128xf32, #tpu.memory_space<vmem>>) target(%dma_start3A_134 : memref<80x128xf32, #tpu.memory_space<vmem_shared>>) target_semaphore(%run_scoped3A : memref<!tpu.dma_semaphore, #tpu.memory_space<semaphore_mem>>)
        %dma_wait3A_135 = arith.constant 0 : i32
        %dma_wait3A_136 = tpu.memref_slice %arg10[%mul3A_130, %dma_wait3A_135] : memref<10000x128xf32, #tpu.memory_space<vmem_shared>> -> memref<80x128xf32, #tpu.memory_space<vmem_shared>>
        %dma_wait3A_137 = arith.constant 0 : i32
        %dma_wait3A_138 = tpu.memref_slice %arg10[%mul3A_130, %dma_wait3A_137] : memref<10000x128xf32, #tpu.memory_space<vmem_shared>> -> memref<80x128xf32, #tpu.memory_space<vmem_shared>>
        tpu.wait_dma2 semaphore(%run_scoped3A : memref<!tpu.dma_semaphore, #tpu.memory_space<semaphore_mem>>) src(%arg8 : memref<80x128xf32, #tpu.memory_space<vmem>>) dst(%dma_wait3A_138 : memref<80x128xf32, #tpu.memory_space<vmem_shared>>)
        tpu.yield
      }) : () -> ()
    } else {
    }
    %add3A_31 = arith.constant 64 : i32
    %add3A_32 = arith.addi %add3A_31, %arg1 : i32
    %lt3A_33 = arith.constant 125 : i32
    %lt3A_34 = arith.cmpi slt, %add3A_32, %lt3A_33 : i32
    %convert_element_type3A_35 = arith.extui %lt3A_34 : i1 to i32
    %cond3A_36 = arith.constant 0 : i32
    %cond3A_37 = arith.cmpi ne, %convert_element_type3A_35, %cond3A_36 : i32
    scf.if %cond3A_37 {
      %mul3A_129 = arith.constant 80 : i32
      %mul3A_130 = arith.muli %add3A_32, %mul3A_129 : i32
      "tpu.region"() ({
        %run_scoped3A = tpu.sem_alloc : memref<!tpu.dma_semaphore, #tpu.memory_space<semaphore_mem>>
        %dma_start3A_131 = arith.constant 0 : i32
        %dma_start3A_132 = tpu.memref_slice %arg10[%mul3A_130, %dma_start3A_131] : memref<10000x128xf32, #tpu.memory_space<vmem_shared>> -> memref<80x128xf32, #tpu.memory_space<vmem_shared>>
        %dma_start3A_133 = arith.constant 0 : i32
        %dma_start3A_134 = tpu.memref_slice %arg10[%mul3A_130, %dma_start3A_133] : memref<10000x128xf32, #tpu.memory_space<vmem_shared>> -> memref<80x128xf32, #tpu.memory_space<vmem_shared>>
        tpu.enqueue_dma source(%arg8 : memref<80x128xf32, #tpu.memory_space<vmem>>) target(%dma_start3A_134 : memref<80x128xf32, #tpu.memory_space<vmem_shared>>) target_semaphore(%run_scoped3A : memref<!tpu.dma_semaphore, #tpu.memory_space<semaphore_mem>>)
        %dma_wait3A_135 = arith.constant 0 : i32
        %dma_wait3A_136 = tpu.memref_slice %arg10[%mul3A_130, %dma_wait3A_135] : memref<10000x128xf32, #tpu.memory_space<vmem_shared>> -> memref<80x128xf32, #tpu.memory_space<vmem_shared>>
        %dma_wait3A_137 = arith.constant 0 : i32
        %dma_wait3A_138 = tpu.memref_slice %arg10[%mul3A_130, %dma_wait3A_137] : memref<10000x128xf32, #tpu.memory_space<vmem_shared>> -> memref<80x128xf32, #tpu.memory_space<vmem_shared>>
        tpu.wait_dma2 semaphore(%run_scoped3A : memref<!tpu.dma_semaphore, #tpu.memory_space<semaphore_mem>>) src(%arg8 : memref<80x128xf32, #tpu.memory_space<vmem>>) dst(%dma_wait3A_138 : memref<80x128xf32, #tpu.memory_space<vmem_shared>>)
        tpu.yield
      }) : () -> ()
    } else {
    }
    %add3A_38 = arith.constant 80 : i32
    %add3A_39 = arith.addi %add3A_38, %arg1 : i32
    %lt3A_40 = arith.constant 125 : i32
    %lt3A_41 = arith.cmpi slt, %add3A_39, %lt3A_40 : i32
    %convert_element_type3A_42 = arith.extui %lt3A_41 : i1 to i32
    %cond3A_43 = arith.constant 0 : i32
    %cond3A_44 = arith.cmpi ne, %convert_element_type3A_42, %cond3A_43 : i32
    scf.if %cond3A_44 {
      %mul3A_129 = arith.constant 80 : i32
      %mul3A_130 = arith.muli %add3A_39, %mul3A_129 : i32
      "tpu.region"() ({
        %run_scoped3A = tpu.sem_alloc : memref<!tpu.dma_semaphore, #tpu.memory_space<semaphore_mem>>
        %dma_start3A_131 = arith.constant 0 : i32
        %dma_start3A_132 = tpu.memref_slice %arg10[%mul3A_130, %dma_start3A_131] : memref<10000x128xf32, #tpu.memory_space<vmem_shared>> -> memref<80x128xf32, #tpu.memory_space<vmem_shared>>
        %dma_start3A_133 = arith.constant 0 : i32
        %dma_start3A_134 = tpu.memref_slice %arg10[%mul3A_130, %dma_start3A_133] : memref<10000x128xf32, #tpu.memory_space<vmem_shared>> -> memref<80x128xf32, #tpu.memory_space<vmem_shared>>
        tpu.enqueue_dma source(%arg8 : memref<80x128xf32, #tpu.memory_space<vmem>>) target(%dma_start3A_134 : memref<80x128xf32, #tpu.memory_space<vmem_shared>>) target_semaphore(%run_scoped3A : memref<!tpu.dma_semaphore, #tpu.memory_space<semaphore_mem>>)
        %dma_wait3A_135 = arith.constant 0 : i32
        %dma_wait3A_136 = tpu.memref_slice %arg10[%mul3A_130, %dma_wait3A_135] : memref<10000x128xf32, #tpu.memory_space<vmem_shared>> -> memref<80x128xf32, #tpu.memory_space<vmem_shared>>
        %dma_wait3A_137 = arith.constant 0 : i32
        %dma_wait3A_138 = tpu.memref_slice %arg10[%mul3A_130, %dma_wait3A_137] : memref<10000x128xf32, #tpu.memory_space<vmem_shared>> -> memref<80x128xf32, #tpu.memory_space<vmem_shared>>
        tpu.wait_dma2 semaphore(%run_scoped3A : memref<!tpu.dma_semaphore, #tpu.memory_space<semaphore_mem>>) src(%arg8 : memref<80x128xf32, #tpu.memory_space<vmem>>) dst(%dma_wait3A_138 : memref<80x128xf32, #tpu.memory_space<vmem_shared>>)
        tpu.yield
      }) : () -> ()
    } else {
    }
    %add3A_45 = arith.constant 96 : i32
    %add3A_46 = arith.addi %add3A_45, %arg1 : i32
    %lt3A_47 = arith.constant 125 : i32
    %lt3A_48 = arith.cmpi slt, %add3A_46, %lt3A_47 : i32
    %convert_element_type3A_49 = arith.extui %lt3A_48 : i1 to i32
    %cond3A_50 = arith.constant 0 : i32
    %cond3A_51 = arith.cmpi ne, %convert_element_type3A_49, %cond3A_50 : i32
    scf.if %cond3A_51 {
      %mul3A_129 = arith.constant 80 : i32
      %mul3A_130 = arith.muli %add3A_46, %mul3A_129 : i32
      "tpu.region"() ({
        %run_scoped3A = tpu.sem_alloc : memref<!tpu.dma_semaphore, #tpu.memory_space<semaphore_mem>>
        %dma_start3A_131 = arith.constant 0 : i32
        %dma_start3A_132 = tpu.memref_slice %arg10[%mul3A_130, %dma_start3A_131] : memref<10000x128xf32, #tpu.memory_space<vmem_shared>> -> memref<80x128xf32, #tpu.memory_space<vmem_shared>>
        %dma_start3A_133 = arith.constant 0 : i32
        %dma_start3A_134 = tpu.memref_slice %arg10[%mul3A_130, %dma_start3A_133] : memref<10000x128xf32, #tpu.memory_space<vmem_shared>> -> memref<80x128xf32, #tpu.memory_space<vmem_shared>>
        tpu.enqueue_dma source(%arg8 : memref<80x128xf32, #tpu.memory_space<vmem>>) target(%dma_start3A_134 : memref<80x128xf32, #tpu.memory_space<vmem_shared>>) target_semaphore(%run_scoped3A : memref<!tpu.dma_semaphore, #tpu.memory_space<semaphore_mem>>)
        %dma_wait3A_135 = arith.constant 0 : i32
        %dma_wait3A_136 = tpu.memref_slice %arg10[%mul3A_130, %dma_wait3A_135] : memref<10000x128xf32, #tpu.memory_space<vmem_shared>> -> memref<80x128xf32, #tpu.memory_space<vmem_shared>>
        %dma_wait3A_137 = arith.constant 0 : i32
        %dma_wait3A_138 = tpu.memref_slice %arg10[%mul3A_130, %dma_wait3A_137] : memref<10000x128xf32, #tpu.memory_space<vmem_shared>> -> memref<80x128xf32, #tpu.memory_space<vmem_shared>>
        tpu.wait_dma2 semaphore(%run_scoped3A : memref<!tpu.dma_semaphore, #tpu.memory_space<semaphore_mem>>) src(%arg8 : memref<80x128xf32, #tpu.memory_space<vmem>>) dst(%dma_wait3A_138 : memref<80x128xf32, #tpu.memory_space<vmem_shared>>)
        tpu.yield
      }) : () -> ()
    } else {
    }
    %add3A_52 = arith.constant 112 : i32
    %add3A_53 = arith.addi %add3A_52, %arg1 : i32
    %lt3A_54 = arith.constant 125 : i32
    %lt3A_55 = arith.cmpi slt, %add3A_53, %lt3A_54 : i32
    %convert_element_type3A_56 = arith.extui %lt3A_55 : i1 to i32
    %cond3A_57 = arith.constant 0 : i32
    %cond3A_58 = arith.cmpi ne, %convert_element_type3A_56, %cond3A_57 : i32
    scf.if %cond3A_58 {
      %mul3A_129 = arith.constant 80 : i32
      %mul3A_130 = arith.muli %add3A_53, %mul3A_129 : i32
      "tpu.region"() ({
        %run_scoped3A = tpu.sem_alloc : memref<!tpu.dma_semaphore, #tpu.memory_space<semaphore_mem>>
        %dma_start3A_131 = arith.constant 0 : i32
        %dma_start3A_132 = tpu.memref_slice %arg10[%mul3A_130, %dma_start3A_131] : memref<10000x128xf32, #tpu.memory_space<vmem_shared>> -> memref<80x128xf32, #tpu.memory_space<vmem_shared>>
        %dma_start3A_133 = arith.constant 0 : i32
        %dma_start3A_134 = tpu.memref_slice %arg10[%mul3A_130, %dma_start3A_133] : memref<10000x128xf32, #tpu.memory_space<vmem_shared>> -> memref<80x128xf32, #tpu.memory_space<vmem_shared>>
        tpu.enqueue_dma source(%arg8 : memref<80x128xf32, #tpu.memory_space<vmem>>) target(%dma_start3A_134 : memref<80x128xf32, #tpu.memory_space<vmem_shared>>) target_semaphore(%run_scoped3A : memref<!tpu.dma_semaphore, #tpu.memory_space<semaphore_mem>>)
        %dma_wait3A_135 = arith.constant 0 : i32
        %dma_wait3A_136 = tpu.memref_slice %arg10[%mul3A_130, %dma_wait3A_135] : memref<10000x128xf32, #tpu.memory_space<vmem_shared>> -> memref<80x128xf32, #tpu.memory_space<vmem_shared>>
        %dma_wait3A_137 = arith.constant 0 : i32
        %dma_wait3A_138 = tpu.memref_slice %arg10[%mul3A_130, %dma_wait3A_137] : memref<10000x128xf32, #tpu.memory_space<vmem_shared>> -> memref<80x128xf32, #tpu.memory_space<vmem_shared>>
        tpu.wait_dma2 semaphore(%run_scoped3A : memref<!tpu.dma_semaphore, #tpu.memory_space<semaphore_mem>>) src(%arg8 : memref<80x128xf32, #tpu.memory_space<vmem>>) dst(%dma_wait3A_138 : memref<80x128xf32, #tpu.memory_space<vmem_shared>>)
        tpu.yield
      }) : () -> ()
    } else {
    }
    %barrier3A = arith.constant 0 : index
    tpu.barrier barrier_id(%barrier3A)
    %dma_start3A = arith.constant 0 : i32
    %dma_start3A_59 = tpu.memref_slice %arg6[%dma_start3A] : memref<10000xi32, #tpu.memory_space<vmem>> -> memref<80xi32, #tpu.memory_space<vmem>>
    %dma_start3A_60 = arith.constant 0 : i32
    %dma_start3A_61 = arith.constant 0 : i32
    %dma_start3A_62 = tpu.memref_slice %arg4[%dma_start3A_60, %dma_start3A_61] : memref<10000x128xf32, #tpu.memory_space<hbm>> -> memref<10000x128xf32, #tpu.memory_space<hbm>>
    tpu.enqueue_indirect_dma source(%dma_start3A_62 : memref<10000x128xf32, #tpu.memory_space<hbm>>) target(%arg8 : memref<80x128xf32, #tpu.memory_space<vmem>>) offsets(%dma_start3A_59 : memref<80xi32, #tpu.memory_space<vmem>>) semaphore(%arg11 : memref<!tpu.dma_semaphore, #tpu.memory_space<semaphore_mem>>)
    %scan3A_63 = arith.constant 0 : i32
    %scan3A_64 = arith.constant 62 : i32
    %scan3A_65 = arith.addi %scan3A_63, %scan3A_64 : i32
    %scan3A_66 = arith.constant 1 : i32
    scf.for %scan3A_129 = %scan3A_63 to %scan3A_65 step %scan3A_66  : i32 {
      %mul3A_130 = arith.constant 2 : i32
      %mul3A_131 = arith.muli %scan3A_129, %mul3A_130 : i32
      %mul3A_132 = arith.constant 80 : i32
      %mul3A_133 = arith.muli %mul3A_131, %mul3A_132 : i32
      %dma_wait3A_134 = tpu.memref_slice %arg6[%mul3A_133] : memref<10000xi32, #tpu.memory_space<vmem>> -> memref<80xi32, #tpu.memory_space<vmem>>
      %dma_wait3A_135 = arith.constant 0 : i32
      %dma_wait3A_136 = arith.constant 0 : i32
      %dma_wait3A_137 = tpu.memref_slice %arg4[%dma_wait3A_135, %dma_wait3A_136] : memref<10000x128xf32, #tpu.memory_space<hbm>> -> memref<10000x128xf32, #tpu.memory_space<hbm>>
      tpu.wait_indirect_dma semaphore(%arg11 : memref<!tpu.dma_semaphore, #tpu.memory_space<semaphore_mem>>) src(%dma_wait3A_137 : memref<10000x128xf32, #tpu.memory_space<hbm>>) dst(%arg8 : memref<80x128xf32, #tpu.memory_space<vmem>>)
      %add3A_138 = arith.constant 80 : i32
      %add3A_139 = arith.addi %mul3A_133, %add3A_138 : i32
      %dma_start3A_140 = tpu.memref_slice %arg6[%add3A_139] : memref<10000xi32, #tpu.memory_space<vmem>> -> memref<80xi32, #tpu.memory_space<vmem>>
      %dma_start3A_141 = arith.constant 0 : i32
      %dma_start3A_142 = arith.constant 0 : i32
      %dma_start3A_143 = tpu.memref_slice %arg4[%dma_start3A_141, %dma_start3A_142] : memref<10000x128xf32, #tpu.memory_space<hbm>> -> memref<10000x128xf32, #tpu.memory_space<hbm>>
      tpu.enqueue_indirect_dma source(%dma_start3A_143 : memref<10000x128xf32, #tpu.memory_space<hbm>>) target(%arg9 : memref<80x128xf32, #tpu.memory_space<vmem>>) offsets(%dma_start3A_140 : memref<80xi32, #tpu.memory_space<vmem>>) semaphore(%arg12 : memref<!tpu.dma_semaphore, #tpu.memory_space<semaphore_mem>>)
      "tpu.region"() ({
        %run_scoped3A = tpu.sem_alloc : memref<!tpu.dma_semaphore, #tpu.memory_space<semaphore_mem>>
        %dma_start3A_158 = tpu.memref_slice %arg7[%mul3A_133] : memref<10000xi32, #tpu.memory_space<vmem>> -> memref<80xi32, #tpu.memory_space<vmem>>
        %dma_start3A_159 = arith.constant 0 : i32
        %dma_start3A_160 = arith.constant 0 : i32
        %dma_start3A_161 = tpu.memref_slice %arg10[%dma_start3A_159, %dma_start3A_160] : memref<10000x128xf32, #tpu.memory_space<vmem_shared>> -> memref<10000x128xf32, #tpu.memory_space<vmem_shared>>
        tpu.enqueue_indirect_dma source(%arg8 : memref<80x128xf32, #tpu.memory_space<vmem>>) target(%dma_start3A_161 : memref<10000x128xf32, #tpu.memory_space<vmem_shared>>) offsets(%dma_start3A_158 : memref<80xi32, #tpu.memory_space<vmem>>) semaphore(%run_scoped3A : memref<!tpu.dma_semaphore, #tpu.memory_space<semaphore_mem>>) {add = true}
        %dma_wait3A_162 = tpu.memref_slice %arg7[%mul3A_133] : memref<10000xi32, #tpu.memory_space<vmem>> -> memref<80xi32, #tpu.memory_space<vmem>>
        %dma_wait3A_163 = arith.constant 0 : i32
        %dma_wait3A_164 = arith.constant 0 : i32
        %dma_wait3A_165 = tpu.memref_slice %arg10[%dma_wait3A_163, %dma_wait3A_164] : memref<10000x128xf32, #tpu.memory_space<vmem_shared>> -> memref<10000x128xf32, #tpu.memory_space<vmem_shared>>
        tpu.wait_indirect_dma semaphore(%run_scoped3A : memref<!tpu.dma_semaphore, #tpu.memory_space<semaphore_mem>>) src(%arg8 : memref<80x128xf32, #tpu.memory_space<vmem>>) dst(%dma_wait3A_165 : memref<10000x128xf32, #tpu.memory_space<vmem_shared>>)
        tpu.yield
      }) : () -> ()
      %add3A_144 = arith.constant 80 : i32
      %add3A_145 = arith.addi %mul3A_133, %add3A_144 : i32
      %dma_wait3A_146 = tpu.memref_slice %arg6[%add3A_145] : memref<10000xi32, #tpu.memory_space<vmem>> -> memref<80xi32, #tpu.memory_space<vmem>>
      %dma_wait3A_147 = arith.constant 0 : i32
      %dma_wait3A_148 = arith.constant 0 : i32
      %dma_wait3A_149 = tpu.memref_slice %arg4[%dma_wait3A_147, %dma_wait3A_148] : memref<10000x128xf32, #tpu.memory_space<hbm>> -> memref<10000x128xf32, #tpu.memory_space<hbm>>
      tpu.wait_indirect_dma semaphore(%arg12 : memref<!tpu.dma_semaphore, #tpu.memory_space<semaphore_mem>>) src(%dma_wait3A_149 : memref<10000x128xf32, #tpu.memory_space<hbm>>) dst(%arg9 : memref<80x128xf32, #tpu.memory_space<vmem>>)
      %add3A_150 = arith.constant 160 : i32
      %add3A_151 = arith.addi %mul3A_133, %add3A_150 : i32
      %dma_start3A_152 = tpu.memref_slice %arg6[%add3A_151] : memref<10000xi32, #tpu.memory_space<vmem>> -> memref<80xi32, #tpu.memory_space<vmem>>
      %dma_start3A_153 = arith.constant 0 : i32
      %dma_start3A_154 = arith.constant 0 : i32
      %dma_start3A_155 = tpu.memref_slice %arg4[%dma_start3A_153, %dma_start3A_154] : memref<10000x128xf32, #tpu.memory_space<hbm>> -> memref<10000x128xf32, #tpu.memory_space<hbm>>
      tpu.enqueue_indirect_dma source(%dma_start3A_155 : memref<10000x128xf32, #tpu.memory_space<hbm>>) target(%arg8 : memref<80x128xf32, #tpu.memory_space<vmem>>) offsets(%dma_start3A_152 : memref<80xi32, #tpu.memory_space<vmem>>) semaphore(%arg11 : memref<!tpu.dma_semaphore, #tpu.memory_space<semaphore_mem>>)
      %add3A_156 = arith.constant 80 : i32
      %add3A_157 = arith.addi %mul3A_133, %add3A_156 : i32
      "tpu.region"() ({
        %run_scoped3A = tpu.sem_alloc : memref<!tpu.dma_semaphore, #tpu.memory_space<semaphore_mem>>
        %dma_start3A_158 = tpu.memref_slice %arg7[%add3A_157] : memref<10000xi32, #tpu.memory_space<vmem>> -> memref<80xi32, #tpu.memory_space<vmem>>
        %dma_start3A_159 = arith.constant 0 : i32
        %dma_start3A_160 = arith.constant 0 : i32
        %dma_start3A_161 = tpu.memref_slice %arg10[%dma_start3A_159, %dma_start3A_160] : memref<10000x128xf32, #tpu.memory_space<vmem_shared>> -> memref<10000x128xf32, #tpu.memory_space<vmem_shared>>
        tpu.enqueue_indirect_dma source(%arg9 : memref<80x128xf32, #tpu.memory_space<vmem>>) target(%dma_start3A_161 : memref<10000x128xf32, #tpu.memory_space<vmem_shared>>) offsets(%dma_start3A_158 : memref<80xi32, #tpu.memory_space<vmem>>) semaphore(%run_scoped3A : memref<!tpu.dma_semaphore, #tpu.memory_space<semaphore_mem>>) {add = true}
        %dma_wait3A_162 = tpu.memref_slice %arg7[%add3A_157] : memref<10000xi32, #tpu.memory_space<vmem>> -> memref<80xi32, #tpu.memory_space<vmem>>
        %dma_wait3A_163 = arith.constant 0 : i32
        %dma_wait3A_164 = arith.constant 0 : i32
        %dma_wait3A_165 = tpu.memref_slice %arg10[%dma_wait3A_163, %dma_wait3A_164] : memref<10000x128xf32, #tpu.memory_space<vmem_shared>> -> memref<10000x128xf32, #tpu.memory_space<vmem_shared>>
        tpu.wait_indirect_dma semaphore(%run_scoped3A : memref<!tpu.dma_semaphore, #tpu.memory_space<semaphore_mem>>) src(%arg9 : memref<80x128xf32, #tpu.memory_space<vmem>>) dst(%dma_wait3A_165 : memref<10000x128xf32, #tpu.memory_space<vmem_shared>>)
        tpu.yield
      }) : () -> ()
    }
    %scan3A_67 = arith.constant 62 : i32
    %dma_wait3A = arith.constant 9920 : i32
    %dma_wait3A_68 = tpu.memref_slice %arg6[%dma_wait3A] : memref<10000xi32, #tpu.memory_space<vmem>> -> memref<80xi32, #tpu.memory_space<vmem>>
    %dma_wait3A_69 = arith.constant 0 : i32
    %dma_wait3A_70 = arith.constant 0 : i32
    %dma_wait3A_71 = tpu.memref_slice %arg4[%dma_wait3A_69, %dma_wait3A_70] : memref<10000x128xf32, #tpu.memory_space<hbm>> -> memref<10000x128xf32, #tpu.memory_space<hbm>>
    tpu.wait_indirect_dma semaphore(%arg11 : memref<!tpu.dma_semaphore, #tpu.memory_space<semaphore_mem>>) src(%dma_wait3A_71 : memref<10000x128xf32, #tpu.memory_space<hbm>>) dst(%arg8 : memref<80x128xf32, #tpu.memory_space<vmem>>)
    "tpu.region"() ({
      %run_scoped3A = tpu.sem_alloc : memref<!tpu.dma_semaphore, #tpu.memory_space<semaphore_mem>>
      %dma_start3A_129 = arith.constant 9920 : i32
      %dma_start3A_130 = tpu.memref_slice %arg7[%dma_start3A_129] : memref<10000xi32, #tpu.memory_space<vmem>> -> memref<80xi32, #tpu.memory_space<vmem>>
      %dma_start3A_131 = arith.constant 0 : i32
      %dma_start3A_132 = arith.constant 0 : i32
      %dma_start3A_133 = tpu.memref_slice %arg10[%dma_start3A_131, %dma_start3A_132] : memref<10000x128xf32, #tpu.memory_space<vmem_shared>> -> memref<10000x128xf32, #tpu.memory_space<vmem_shared>>
      tpu.enqueue_indirect_dma source(%arg8 : memref<80x128xf32, #tpu.memory_space<vmem>>) target(%dma_start3A_133 : memref<10000x128xf32, #tpu.memory_space<vmem_shared>>) offsets(%dma_start3A_130 : memref<80xi32, #tpu.memory_space<vmem>>) semaphore(%run_scoped3A : memref<!tpu.dma_semaphore, #tpu.memory_space<semaphore_mem>>) {add = true}
      %dma_wait3A_134 = arith.constant 9920 : i32
      %dma_wait3A_135 = tpu.memref_slice %arg7[%dma_wait3A_134] : memref<10000xi32, #tpu.memory_space<vmem>> -> memref<80xi32, #tpu.memory_space<vmem>>
      %dma_wait3A_136 = arith.constant 0 : i32
      %dma_wait3A_137 = arith.constant 0 : i32
      %dma_wait3A_138 = tpu.memref_slice %arg10[%dma_wait3A_136, %dma_wait3A_137] : memref<10000x128xf32, #tpu.memory_space<vmem_shared>> -> memref<10000x128xf32, #tpu.memory_space<vmem_shared>>
      tpu.wait_indirect_dma semaphore(%run_scoped3A : memref<!tpu.dma_semaphore, #tpu.memory_space<semaphore_mem>>) src(%arg8 : memref<80x128xf32, #tpu.memory_space<vmem>>) dst(%dma_wait3A_138 : memref<10000x128xf32, #tpu.memory_space<vmem_shared>>)
      tpu.yield
    }) : () -> ()
    %barrier3A_72 = arith.constant 0 : index
    tpu.barrier barrier_id(%barrier3A_72)
    %add3A_73 = arith.constant 0 : i32
    %add3A_74 = arith.addi %add3A_73, %arg1 : i32
    %lt3A_75 = arith.constant 125 : i32
    %lt3A_76 = arith.cmpi slt, %add3A_74, %lt3A_75 : i32
    %convert_element_type3A_77 = arith.extui %lt3A_76 : i1 to i32
    %cond3A_78 = arith.constant 0 : i32
    %cond3A_79 = arith.cmpi ne, %convert_element_type3A_77, %cond3A_78 : i32
    scf.if %cond3A_79 {
      %mul3A_129 = arith.constant 80 : i32
      %mul3A_130 = arith.muli %add3A_74, %mul3A_129 : i32
      "tpu.region"() ({
        %run_scoped3A = tpu.sem_alloc : memref<!tpu.dma_semaphore, #tpu.memory_space<semaphore_mem>>
        %dma_start3A_133 = arith.constant 0 : i32
        %dma_start3A_134 = tpu.memref_slice %arg10[%mul3A_130, %dma_start3A_133] : memref<10000x128xf32, #tpu.memory_space<vmem_shared>> -> memref<80x128xf32, #tpu.memory_space<vmem_shared>>
        %dma_start3A_135 = arith.constant 0 : i32
        %dma_start3A_136 = tpu.memref_slice %arg10[%mul3A_130, %dma_start3A_135] : memref<10000x128xf32, #tpu.memory_space<vmem_shared>> -> memref<80x128xf32, #tpu.memory_space<vmem_shared>>
        tpu.enqueue_dma source(%dma_start3A_136 : memref<80x128xf32, #tpu.memory_space<vmem_shared>>) target(%arg8 : memref<80x128xf32, #tpu.memory_space<vmem>>) target_semaphore(%run_scoped3A : memref<!tpu.dma_semaphore, #tpu.memory_space<semaphore_mem>>)
        %dma_wait3A_137 = arith.constant 0 : i32
        %dma_wait3A_138 = tpu.memref_slice %arg10[%mul3A_130, %dma_wait3A_137] : memref<10000x128xf32, #tpu.memory_space<vmem_shared>> -> memref<80x128xf32, #tpu.memory_space<vmem_shared>>
        %dma_wait3A_139 = arith.constant 0 : i32
        %dma_wait3A_140 = tpu.memref_slice %arg10[%mul3A_130, %dma_wait3A_139] : memref<10000x128xf32, #tpu.memory_space<vmem_shared>> -> memref<80x128xf32, #tpu.memory_space<vmem_shared>>
        tpu.wait_dma2 semaphore(%run_scoped3A : memref<!tpu.dma_semaphore, #tpu.memory_space<semaphore_mem>>) src(%dma_wait3A_140 : memref<80x128xf32, #tpu.memory_space<vmem_shared>>) dst(%arg8 : memref<80x128xf32, #tpu.memory_space<vmem>>)
        tpu.yield
      }) : () -> ()
      %mul3A_131 = arith.constant 80 : i32
      %mul3A_132 = arith.muli %add3A_74, %mul3A_131 : i32
      "tpu.region"() ({
        %run_scoped3A = tpu.sem_alloc : memref<!tpu.dma_semaphore, #tpu.memory_space<semaphore_mem>>
        %dma_start3A_133 = arith.constant 0 : i32
        %dma_start3A_134 = tpu.memref_slice %arg5[%arg0, %mul3A_132, %dma_start3A_133] : memref<2x10000x128xf32, #tpu.memory_space<hbm>> -> memref<1x80x128xf32, #tpu.memory_space<hbm>>
        %dma_start3A_135 = tpu.memref_squeeze %dma_start3A_134 : memref<1x80x128xf32, #tpu.memory_space<hbm>> -> memref<80x128xf32, #tpu.memory_space<hbm>>
        %dma_start3A_136 = arith.constant 0 : i32
        %dma_start3A_137 = tpu.memref_slice %arg5[%arg0, %mul3A_132, %dma_start3A_136] : memref<2x10000x128xf32, #tpu.memory_space<hbm>> -> memref<1x80x128xf32, #tpu.memory_space<hbm>>
        %dma_start3A_138 = tpu.memref_squeeze %dma_start3A_137 : memref<1x80x128xf32, #tpu.memory_space<hbm>> -> memref<80x128xf32, #tpu.memory_space<hbm>>
        tpu.enqueue_dma source(%arg8 : memref<80x128xf32, #tpu.memory_space<vmem>>) target(%dma_start3A_138 : memref<80x128xf32, #tpu.memory_space<hbm>>) target_semaphore(%run_scoped3A : memref<!tpu.dma_semaphore, #tpu.memory_space<semaphore_mem>>)
        %dma_wait3A_139 = arith.constant 0 : i32
        %dma_wait3A_140 = tpu.memref_slice %arg5[%arg0, %mul3A_132, %dma_wait3A_139] : memref<2x10000x128xf32, #tpu.memory_space<hbm>> -> memref<1x80x128xf32, #tpu.memory_space<hbm>>
        %dma_wait3A_141 = tpu.memref_squeeze %dma_wait3A_140 : memref<1x80x128xf32, #tpu.memory_space<hbm>> -> memref<80x128xf32, #tpu.memory_space<hbm>>
        %dma_wait3A_142 = arith.constant 0 : i32
        %dma_wait3A_143 = tpu.memref_slice %arg5[%arg0, %mul3A_132, %dma_wait3A_142] : memref<2x10000x128xf32, #tpu.memory_space<hbm>> -> memref<1x80x128xf32, #tpu.memory_space<hbm>>
        %dma_wait3A_144 = tpu.memref_squeeze %dma_wait3A_143 : memref<1x80x128xf32, #tpu.memory_space<hbm>> -> memref<80x128xf32, #tpu.memory_space<hbm>>
        tpu.wait_dma2 semaphore(%run_scoped3A : memref<!tpu.dma_semaphore, #tpu.memory_space<semaphore_mem>>) src(%arg8 : memref<80x128xf32, #tpu.memory_space<vmem>>) dst(%dma_wait3A_144 : memref<80x128xf32, #tpu.memory_space<hbm>>)
        tpu.yield
      }) : () -> ()
    } else {
    }
    %add3A_80 = arith.constant 16 : i32
    %add3A_81 = arith.addi %add3A_80, %arg1 : i32
    %lt3A_82 = arith.constant 125 : i32
    %lt3A_83 = arith.cmpi slt, %add3A_81, %lt3A_82 : i32
    %convert_element_type3A_84 = arith.extui %lt3A_83 : i1 to i32
    %cond3A_85 = arith.constant 0 : i32
    %cond3A_86 = arith.cmpi ne, %convert_element_type3A_84, %cond3A_85 : i32
    scf.if %cond3A_86 {
      %mul3A_129 = arith.constant 80 : i32
      %mul3A_130 = arith.muli %add3A_81, %mul3A_129 : i32
      "tpu.region"() ({
        %run_scoped3A = tpu.sem_alloc : memref<!tpu.dma_semaphore, #tpu.memory_space<semaphore_mem>>
        %dma_start3A_133 = arith.constant 0 : i32
        %dma_start3A_134 = tpu.memref_slice %arg10[%mul3A_130, %dma_start3A_133] : memref<10000x128xf32, #tpu.memory_space<vmem_shared>> -> memref<80x128xf32, #tpu.memory_space<vmem_shared>>
        %dma_start3A_135 = arith.constant 0 : i32
        %dma_start3A_136 = tpu.memref_slice %arg10[%mul3A_130, %dma_start3A_135] : memref<10000x128xf32, #tpu.memory_space<vmem_shared>> -> memref<80x128xf32, #tpu.memory_space<vmem_shared>>
        tpu.enqueue_dma source(%dma_start3A_136 : memref<80x128xf32, #tpu.memory_space<vmem_shared>>) target(%arg8 : memref<80x128xf32, #tpu.memory_space<vmem>>) target_semaphore(%run_scoped3A : memref<!tpu.dma_semaphore, #tpu.memory_space<semaphore_mem>>)
        %dma_wait3A_137 = arith.constant 0 : i32
        %dma_wait3A_138 = tpu.memref_slice %arg10[%mul3A_130, %dma_wait3A_137] : memref<10000x128xf32, #tpu.memory_space<vmem_shared>> -> memref<80x128xf32, #tpu.memory_space<vmem_shared>>
        %dma_wait3A_139 = arith.constant 0 : i32
        %dma_wait3A_140 = tpu.memref_slice %arg10[%mul3A_130, %dma_wait3A_139] : memref<10000x128xf32, #tpu.memory_space<vmem_shared>> -> memref<80x128xf32, #tpu.memory_space<vmem_shared>>
        tpu.wait_dma2 semaphore(%run_scoped3A : memref<!tpu.dma_semaphore, #tpu.memory_space<semaphore_mem>>) src(%dma_wait3A_140 : memref<80x128xf32, #tpu.memory_space<vmem_shared>>) dst(%arg8 : memref<80x128xf32, #tpu.memory_space<vmem>>)
        tpu.yield
      }) : () -> ()
      %mul3A_131 = arith.constant 80 : i32
      %mul3A_132 = arith.muli %add3A_81, %mul3A_131 : i32
      "tpu.region"() ({
        %run_scoped3A = tpu.sem_alloc : memref<!tpu.dma_semaphore, #tpu.memory_space<semaphore_mem>>
        %dma_start3A_133 = arith.constant 0 : i32
        %dma_start3A_134 = tpu.memref_slice %arg5[%arg0, %mul3A_132, %dma_start3A_133] : memref<2x10000x128xf32, #tpu.memory_space<hbm>> -> memref<1x80x128xf32, #tpu.memory_space<hbm>>
        %dma_start3A_135 = tpu.memref_squeeze %dma_start3A_134 : memref<1x80x128xf32, #tpu.memory_space<hbm>> -> memref<80x128xf32, #tpu.memory_space<hbm>>
        %dma_start3A_136 = arith.constant 0 : i32
        %dma_start3A_137 = tpu.memref_slice %arg5[%arg0, %mul3A_132, %dma_start3A_136] : memref<2x10000x128xf32, #tpu.memory_space<hbm>> -> memref<1x80x128xf32, #tpu.memory_space<hbm>>
        %dma_start3A_138 = tpu.memref_squeeze %dma_start3A_137 : memref<1x80x128xf32, #tpu.memory_space<hbm>> -> memref<80x128xf32, #tpu.memory_space<hbm>>
        tpu.enqueue_dma source(%arg8 : memref<80x128xf32, #tpu.memory_space<vmem>>) target(%dma_start3A_138 : memref<80x128xf32, #tpu.memory_space<hbm>>) target_semaphore(%run_scoped3A : memref<!tpu.dma_semaphore, #tpu.memory_space<semaphore_mem>>)
        %dma_wait3A_139 = arith.constant 0 : i32
        %dma_wait3A_140 = tpu.memref_slice %arg5[%arg0, %mul3A_132, %dma_wait3A_139] : memref<2x10000x128xf32, #tpu.memory_space<hbm>> -> memref<1x80x128xf32, #tpu.memory_space<hbm>>
        %dma_wait3A_141 = tpu.memref_squeeze %dma_wait3A_140 : memref<1x80x128xf32, #tpu.memory_space<hbm>> -> memref<80x128xf32, #tpu.memory_space<hbm>>
        %dma_wait3A_142 = arith.constant 0 : i32
        %dma_wait3A_143 = tpu.memref_slice %arg5[%arg0, %mul3A_132, %dma_wait3A_142] : memref<2x10000x128xf32, #tpu.memory_space<hbm>> -> memref<1x80x128xf32, #tpu.memory_space<hbm>>
        %dma_wait3A_144 = tpu.memref_squeeze %dma_wait3A_143 : memref<1x80x128xf32, #tpu.memory_space<hbm>> -> memref<80x128xf32, #tpu.memory_space<hbm>>
        tpu.wait_dma2 semaphore(%run_scoped3A : memref<!tpu.dma_semaphore, #tpu.memory_space<semaphore_mem>>) src(%arg8 : memref<80x128xf32, #tpu.memory_space<vmem>>) dst(%dma_wait3A_144 : memref<80x128xf32, #tpu.memory_space<hbm>>)
        tpu.yield
      }) : () -> ()
    } else {
    }
    %add3A_87 = arith.constant 32 : i32
    %add3A_88 = arith.addi %add3A_87, %arg1 : i32
    %lt3A_89 = arith.constant 125 : i32
    %lt3A_90 = arith.cmpi slt, %add3A_88, %lt3A_89 : i32
    %convert_element_type3A_91 = arith.extui %lt3A_90 : i1 to i32
    %cond3A_92 = arith.constant 0 : i32
    %cond3A_93 = arith.cmpi ne, %convert_element_type3A_91, %cond3A_92 : i32
    scf.if %cond3A_93 {
      %mul3A_129 = arith.constant 80 : i32
      %mul3A_130 = arith.muli %add3A_88, %mul3A_129 : i32
      "tpu.region"() ({
        %run_scoped3A = tpu.sem_alloc : memref<!tpu.dma_semaphore, #tpu.memory_space<semaphore_mem>>
        %dma_start3A_133 = arith.constant 0 : i32
        %dma_start3A_134 = tpu.memref_slice %arg10[%mul3A_130, %dma_start3A_133] : memref<10000x128xf32, #tpu.memory_space<vmem_shared>> -> memref<80x128xf32, #tpu.memory_space<vmem_shared>>
        %dma_start3A_135 = arith.constant 0 : i32
        %dma_start3A_136 = tpu.memref_slice %arg10[%mul3A_130, %dma_start3A_135] : memref<10000x128xf32, #tpu.memory_space<vmem_shared>> -> memref<80x128xf32, #tpu.memory_space<vmem_shared>>
        tpu.enqueue_dma source(%dma_start3A_136 : memref<80x128xf32, #tpu.memory_space<vmem_shared>>) target(%arg8 : memref<80x128xf32, #tpu.memory_space<vmem>>) target_semaphore(%run_scoped3A : memref<!tpu.dma_semaphore, #tpu.memory_space<semaphore_mem>>)
        %dma_wait3A_137 = arith.constant 0 : i32
        %dma_wait3A_138 = tpu.memref_slice %arg10[%mul3A_130, %dma_wait3A_137] : memref<10000x128xf32, #tpu.memory_space<vmem_shared>> -> memref<80x128xf32, #tpu.memory_space<vmem_shared>>
        %dma_wait3A_139 = arith.constant 0 : i32
        %dma_wait3A_140 = tpu.memref_slice %arg10[%mul3A_130, %dma_wait3A_139] : memref<10000x128xf32, #tpu.memory_space<vmem_shared>> -> memref<80x128xf32, #tpu.memory_space<vmem_shared>>
        tpu.wait_dma2 semaphore(%run_scoped3A : memref<!tpu.dma_semaphore, #tpu.memory_space<semaphore_mem>>) src(%dma_wait3A_140 : memref<80x128xf32, #tpu.memory_space<vmem_shared>>) dst(%arg8 : memref<80x128xf32, #tpu.memory_space<vmem>>)
        tpu.yield
      }) : () -> ()
      %mul3A_131 = arith.constant 80 : i32
      %mul3A_132 = arith.muli %add3A_88, %mul3A_131 : i32
      "tpu.region"() ({
        %run_scoped3A = tpu.sem_alloc : memref<!tpu.dma_semaphore, #tpu.memory_space<semaphore_mem>>
        %dma_start3A_133 = arith.constant 0 : i32
        %dma_start3A_134 = tpu.memref_slice %arg5[%arg0, %mul3A_132, %dma_start3A_133] : memref<2x10000x128xf32, #tpu.memory_space<hbm>> -> memref<1x80x128xf32, #tpu.memory_space<hbm>>
        %dma_start3A_135 = tpu.memref_squeeze %dma_start3A_134 : memref<1x80x128xf32, #tpu.memory_space<hbm>> -> memref<80x128xf32, #tpu.memory_space<hbm>>
        %dma_start3A_136 = arith.constant 0 : i32
        %dma_start3A_137 = tpu.memref_slice %arg5[%arg0, %mul3A_132, %dma_start3A_136] : memref<2x10000x128xf32, #tpu.memory_space<hbm>> -> memref<1x80x128xf32, #tpu.memory_space<hbm>>
        %dma_start3A_138 = tpu.memref_squeeze %dma_start3A_137 : memref<1x80x128xf32, #tpu.memory_space<hbm>> -> memref<80x128xf32, #tpu.memory_space<hbm>>
        tpu.enqueue_dma source(%arg8 : memref<80x128xf32, #tpu.memory_space<vmem>>) target(%dma_start3A_138 : memref<80x128xf32, #tpu.memory_space<hbm>>) target_semaphore(%run_scoped3A : memref<!tpu.dma_semaphore, #tpu.memory_space<semaphore_mem>>)
        %dma_wait3A_139 = arith.constant 0 : i32
        %dma_wait3A_140 = tpu.memref_slice %arg5[%arg0, %mul3A_132, %dma_wait3A_139] : memref<2x10000x128xf32, #tpu.memory_space<hbm>> -> memref<1x80x128xf32, #tpu.memory_space<hbm>>
        %dma_wait3A_141 = tpu.memref_squeeze %dma_wait3A_140 : memref<1x80x128xf32, #tpu.memory_space<hbm>> -> memref<80x128xf32, #tpu.memory_space<hbm>>
        %dma_wait3A_142 = arith.constant 0 : i32
        %dma_wait3A_143 = tpu.memref_slice %arg5[%arg0, %mul3A_132, %dma_wait3A_142] : memref<2x10000x128xf32, #tpu.memory_space<hbm>> -> memref<1x80x128xf32, #tpu.memory_space<hbm>>
        %dma_wait3A_144 = tpu.memref_squeeze %dma_wait3A_143 : memref<1x80x128xf32, #tpu.memory_space<hbm>> -> memref<80x128xf32, #tpu.memory_space<hbm>>
        tpu.wait_dma2 semaphore(%run_scoped3A : memref<!tpu.dma_semaphore, #tpu.memory_space<semaphore_mem>>) src(%arg8 : memref<80x128xf32, #tpu.memory_space<vmem>>) dst(%dma_wait3A_144 : memref<80x128xf32, #tpu.memory_space<hbm>>)
        tpu.yield
      }) : () -> ()
    } else {
    }
    %add3A_94 = arith.constant 48 : i32
    %add3A_95 = arith.addi %add3A_94, %arg1 : i32
    %lt3A_96 = arith.constant 125 : i32
    %lt3A_97 = arith.cmpi slt, %add3A_95, %lt3A_96 : i32
    %convert_element_type3A_98 = arith.extui %lt3A_97 : i1 to i32
    %cond3A_99 = arith.constant 0 : i32
    %cond3A_100 = arith.cmpi ne, %convert_element_type3A_98, %cond3A_99 : i32
    scf.if %cond3A_100 {
      %mul3A_129 = arith.constant 80 : i32
      %mul3A_130 = arith.muli %add3A_95, %mul3A_129 : i32
      "tpu.region"() ({
        %run_scoped3A = tpu.sem_alloc : memref<!tpu.dma_semaphore, #tpu.memory_space<semaphore_mem>>
        %dma_start3A_133 = arith.constant 0 : i32
        %dma_start3A_134 = tpu.memref_slice %arg10[%mul3A_130, %dma_start3A_133] : memref<10000x128xf32, #tpu.memory_space<vmem_shared>> -> memref<80x128xf32, #tpu.memory_space<vmem_shared>>
        %dma_start3A_135 = arith.constant 0 : i32
        %dma_start3A_136 = tpu.memref_slice %arg10[%mul3A_130, %dma_start3A_135] : memref<10000x128xf32, #tpu.memory_space<vmem_shared>> -> memref<80x128xf32, #tpu.memory_space<vmem_shared>>
        tpu.enqueue_dma source(%dma_start3A_136 : memref<80x128xf32, #tpu.memory_space<vmem_shared>>) target(%arg8 : memref<80x128xf32, #tpu.memory_space<vmem>>) target_semaphore(%run_scoped3A : memref<!tpu.dma_semaphore, #tpu.memory_space<semaphore_mem>>)
        %dma_wait3A_137 = arith.constant 0 : i32
        %dma_wait3A_138 = tpu.memref_slice %arg10[%mul3A_130, %dma_wait3A_137] : memref<10000x128xf32, #tpu.memory_space<vmem_shared>> -> memref<80x128xf32, #tpu.memory_space<vmem_shared>>
        %dma_wait3A_139 = arith.constant 0 : i32
        %dma_wait3A_140 = tpu.memref_slice %arg10[%mul3A_130, %dma_wait3A_139] : memref<10000x128xf32, #tpu.memory_space<vmem_shared>> -> memref<80x128xf32, #tpu.memory_space<vmem_shared>>
        tpu.wait_dma2 semaphore(%run_scoped3A : memref<!tpu.dma_semaphore, #tpu.memory_space<semaphore_mem>>) src(%dma_wait3A_140 : memref<80x128xf32, #tpu.memory_space<vmem_shared>>) dst(%arg8 : memref<80x128xf32, #tpu.memory_space<vmem>>)
        tpu.yield
      }) : () -> ()
      %mul3A_131 = arith.constant 80 : i32
      %mul3A_132 = arith.muli %add3A_95, %mul3A_131 : i32
      "tpu.region"() ({
        %run_scoped3A = tpu.sem_alloc : memref<!tpu.dma_semaphore, #tpu.memory_space<semaphore_mem>>
        %dma_start3A_133 = arith.constant 0 : i32
        %dma_start3A_134 = tpu.memref_slice %arg5[%arg0, %mul3A_132, %dma_start3A_133] : memref<2x10000x128xf32, #tpu.memory_space<hbm>> -> memref<1x80x128xf32, #tpu.memory_space<hbm>>
        %dma_start3A_135 = tpu.memref_squeeze %dma_start3A_134 : memref<1x80x128xf32, #tpu.memory_space<hbm>> -> memref<80x128xf32, #tpu.memory_space<hbm>>
        %dma_start3A_136 = arith.constant 0 : i32
        %dma_start3A_137 = tpu.memref_slice %arg5[%arg0, %mul3A_132, %dma_start3A_136] : memref<2x10000x128xf32, #tpu.memory_space<hbm>> -> memref<1x80x128xf32, #tpu.memory_space<hbm>>
        %dma_start3A_138 = tpu.memref_squeeze %dma_start3A_137 : memref<1x80x128xf32, #tpu.memory_space<hbm>> -> memref<80x128xf32, #tpu.memory_space<hbm>>
        tpu.enqueue_dma source(%arg8 : memref<80x128xf32, #tpu.memory_space<vmem>>) target(%dma_start3A_138 : memref<80x128xf32, #tpu.memory_space<hbm>>) target_semaphore(%run_scoped3A : memref<!tpu.dma_semaphore, #tpu.memory_space<semaphore_mem>>)
        %dma_wait3A_139 = arith.constant 0 : i32
        %dma_wait3A_140 = tpu.memref_slice %arg5[%arg0, %mul3A_132, %dma_wait3A_139] : memref<2x10000x128xf32, #tpu.memory_space<hbm>> -> memref<1x80x128xf32, #tpu.memory_space<hbm>>
        %dma_wait3A_141 = tpu.memref_squeeze %dma_wait3A_140 : memref<1x80x128xf32, #tpu.memory_space<hbm>> -> memref<80x128xf32, #tpu.memory_space<hbm>>
        %dma_wait3A_142 = arith.constant 0 : i32
        %dma_wait3A_143 = tpu.memref_slice %arg5[%arg0, %mul3A_132, %dma_wait3A_142] : memref<2x10000x128xf32, #tpu.memory_space<hbm>> -> memref<1x80x128xf32, #tpu.memory_space<hbm>>
        %dma_wait3A_144 = tpu.memref_squeeze %dma_wait3A_143 : memref<1x80x128xf32, #tpu.memory_space<hbm>> -> memref<80x128xf32, #tpu.memory_space<hbm>>
        tpu.wait_dma2 semaphore(%run_scoped3A : memref<!tpu.dma_semaphore, #tpu.memory_space<semaphore_mem>>) src(%arg8 : memref<80x128xf32, #tpu.memory_space<vmem>>) dst(%dma_wait3A_144 : memref<80x128xf32, #tpu.memory_space<hbm>>)
        tpu.yield
      }) : () -> ()
    } else {
    }
    %add3A_101 = arith.constant 64 : i32
    %add3A_102 = arith.addi %add3A_101, %arg1 : i32
    %lt3A_103 = arith.constant 125 : i32
    %lt3A_104 = arith.cmpi slt, %add3A_102, %lt3A_103 : i32
    %convert_element_type3A_105 = arith.extui %lt3A_104 : i1 to i32
    %cond3A_106 = arith.constant 0 : i32
    %cond3A_107 = arith.cmpi ne, %convert_element_type3A_105, %cond3A_106 : i32
    scf.if %cond3A_107 {
      %mul3A_129 = arith.constant 80 : i32
      %mul3A_130 = arith.muli %add3A_102, %mul3A_129 : i32
      "tpu.region"() ({
        %run_scoped3A = tpu.sem_alloc : memref<!tpu.dma_semaphore, #tpu.memory_space<semaphore_mem>>
        %dma_start3A_133 = arith.constant 0 : i32
        %dma_start3A_134 = tpu.memref_slice %arg10[%mul3A_130, %dma_start3A_133] : memref<10000x128xf32, #tpu.memory_space<vmem_shared>> -> memref<80x128xf32, #tpu.memory_space<vmem_shared>>
        %dma_start3A_135 = arith.constant 0 : i32
        %dma_start3A_136 = tpu.memref_slice %arg10[%mul3A_130, %dma_start3A_135] : memref<10000x128xf32, #tpu.memory_space<vmem_shared>> -> memref<80x128xf32, #tpu.memory_space<vmem_shared>>
        tpu.enqueue_dma source(%dma_start3A_136 : memref<80x128xf32, #tpu.memory_space<vmem_shared>>) target(%arg8 : memref<80x128xf32, #tpu.memory_space<vmem>>) target_semaphore(%run_scoped3A : memref<!tpu.dma_semaphore, #tpu.memory_space<semaphore_mem>>)
        %dma_wait3A_137 = arith.constant 0 : i32
        %dma_wait3A_138 = tpu.memref_slice %arg10[%mul3A_130, %dma_wait3A_137] : memref<10000x128xf32, #tpu.memory_space<vmem_shared>> -> memref<80x128xf32, #tpu.memory_space<vmem_shared>>
        %dma_wait3A_139 = arith.constant 0 : i32
        %dma_wait3A_140 = tpu.memref_slice %arg10[%mul3A_130, %dma_wait3A_139] : memref<10000x128xf32, #tpu.memory_space<vmem_shared>> -> memref<80x128xf32, #tpu.memory_space<vmem_shared>>
        tpu.wait_dma2 semaphore(%run_scoped3A : memref<!tpu.dma_semaphore, #tpu.memory_space<semaphore_mem>>) src(%dma_wait3A_140 : memref<80x128xf32, #tpu.memory_space<vmem_shared>>) dst(%arg8 : memref<80x128xf32, #tpu.memory_space<vmem>>)
        tpu.yield
      }) : () -> ()
      %mul3A_131 = arith.constant 80 : i32
      %mul3A_132 = arith.muli %add3A_102, %mul3A_131 : i32
      "tpu.region"() ({
        %run_scoped3A = tpu.sem_alloc : memref<!tpu.dma_semaphore, #tpu.memory_space<semaphore_mem>>
        %dma_start3A_133 = arith.constant 0 : i32
        %dma_start3A_134 = tpu.memref_slice %arg5[%arg0, %mul3A_132, %dma_start3A_133] : memref<2x10000x128xf32, #tpu.memory_space<hbm>> -> memref<1x80x128xf32, #tpu.memory_space<hbm>>
        %dma_start3A_135 = tpu.memref_squeeze %dma_start3A_134 : memref<1x80x128xf32, #tpu.memory_space<hbm>> -> memref<80x128xf32, #tpu.memory_space<hbm>>
        %dma_start3A_136 = arith.constant 0 : i32
        %dma_start3A_137 = tpu.memref_slice %arg5[%arg0, %mul3A_132, %dma_start3A_136] : memref<2x10000x128xf32, #tpu.memory_space<hbm>> -> memref<1x80x128xf32, #tpu.memory_space<hbm>>
        %dma_start3A_138 = tpu.memref_squeeze %dma_start3A_137 : memref<1x80x128xf32, #tpu.memory_space<hbm>> -> memref<80x128xf32, #tpu.memory_space<hbm>>
        tpu.enqueue_dma source(%arg8 : memref<80x128xf32, #tpu.memory_space<vmem>>) target(%dma_start3A_138 : memref<80x128xf32, #tpu.memory_space<hbm>>) target_semaphore(%run_scoped3A : memref<!tpu.dma_semaphore, #tpu.memory_space<semaphore_mem>>)
        %dma_wait3A_139 = arith.constant 0 : i32
        %dma_wait3A_140 = tpu.memref_slice %arg5[%arg0, %mul3A_132, %dma_wait3A_139] : memref<2x10000x128xf32, #tpu.memory_space<hbm>> -> memref<1x80x128xf32, #tpu.memory_space<hbm>>
        %dma_wait3A_141 = tpu.memref_squeeze %dma_wait3A_140 : memref<1x80x128xf32, #tpu.memory_space<hbm>> -> memref<80x128xf32, #tpu.memory_space<hbm>>
        %dma_wait3A_142 = arith.constant 0 : i32
        %dma_wait3A_143 = tpu.memref_slice %arg5[%arg0, %mul3A_132, %dma_wait3A_142] : memref<2x10000x128xf32, #tpu.memory_space<hbm>> -> memref<1x80x128xf32, #tpu.memory_space<hbm>>
        %dma_wait3A_144 = tpu.memref_squeeze %dma_wait3A_143 : memref<1x80x128xf32, #tpu.memory_space<hbm>> -> memref<80x128xf32, #tpu.memory_space<hbm>>
        tpu.wait_dma2 semaphore(%run_scoped3A : memref<!tpu.dma_semaphore, #tpu.memory_space<semaphore_mem>>) src(%arg8 : memref<80x128xf32, #tpu.memory_space<vmem>>) dst(%dma_wait3A_144 : memref<80x128xf32, #tpu.memory_space<hbm>>)
        tpu.yield
      }) : () -> ()
    } else {
    }
    %add3A_108 = arith.constant 80 : i32
    %add3A_109 = arith.addi %add3A_108, %arg1 : i32
    %lt3A_110 = arith.constant 125 : i32
    %lt3A_111 = arith.cmpi slt, %add3A_109, %lt3A_110 : i32
    %convert_element_type3A_112 = arith.extui %lt3A_111 : i1 to i32
    %cond3A_113 = arith.constant 0 : i32
    %cond3A_114 = arith.cmpi ne, %convert_element_type3A_112, %cond3A_113 : i32
    scf.if %cond3A_114 {
      %mul3A_129 = arith.constant 80 : i32
      %mul3A_130 = arith.muli %add3A_109, %mul3A_129 : i32
      "tpu.region"() ({
        %run_scoped3A = tpu.sem_alloc : memref<!tpu.dma_semaphore, #tpu.memory_space<semaphore_mem>>
        %dma_start3A_133 = arith.constant 0 : i32
        %dma_start3A_134 = tpu.memref_slice %arg10[%mul3A_130, %dma_start3A_133] : memref<10000x128xf32, #tpu.memory_space<vmem_shared>> -> memref<80x128xf32, #tpu.memory_space<vmem_shared>>
        %dma_start3A_135 = arith.constant 0 : i32
        %dma_start3A_136 = tpu.memref_slice %arg10[%mul3A_130, %dma_start3A_135] : memref<10000x128xf32, #tpu.memory_space<vmem_shared>> -> memref<80x128xf32, #tpu.memory_space<vmem_shared>>
        tpu.enqueue_dma source(%dma_start3A_136 : memref<80x128xf32, #tpu.memory_space<vmem_shared>>) target(%arg8 : memref<80x128xf32, #tpu.memory_space<vmem>>) target_semaphore(%run_scoped3A : memref<!tpu.dma_semaphore, #tpu.memory_space<semaphore_mem>>)
        %dma_wait3A_137 = arith.constant 0 : i32
        %dma_wait3A_138 = tpu.memref_slice %arg10[%mul3A_130, %dma_wait3A_137] : memref<10000x128xf32, #tpu.memory_space<vmem_shared>> -> memref<80x128xf32, #tpu.memory_space<vmem_shared>>
        %dma_wait3A_139 = arith.constant 0 : i32
        %dma_wait3A_140 = tpu.memref_slice %arg10[%mul3A_130, %dma_wait3A_139] : memref<10000x128xf32, #tpu.memory_space<vmem_shared>> -> memref<80x128xf32, #tpu.memory_space<vmem_shared>>
        tpu.wait_dma2 semaphore(%run_scoped3A : memref<!tpu.dma_semaphore, #tpu.memory_space<semaphore_mem>>) src(%dma_wait3A_140 : memref<80x128xf32, #tpu.memory_space<vmem_shared>>) dst(%arg8 : memref<80x128xf32, #tpu.memory_space<vmem>>)
        tpu.yield
      }) : () -> ()
      %mul3A_131 = arith.constant 80 : i32
      %mul3A_132 = arith.muli %add3A_109, %mul3A_131 : i32
      "tpu.region"() ({
        %run_scoped3A = tpu.sem_alloc : memref<!tpu.dma_semaphore, #tpu.memory_space<semaphore_mem>>
        %dma_start3A_133 = arith.constant 0 : i32
        %dma_start3A_134 = tpu.memref_slice %arg5[%arg0, %mul3A_132, %dma_start3A_133] : memref<2x10000x128xf32, #tpu.memory_space<hbm>> -> memref<1x80x128xf32, #tpu.memory_space<hbm>>
        %dma_start3A_135 = tpu.memref_squeeze %dma_start3A_134 : memref<1x80x128xf32, #tpu.memory_space<hbm>> -> memref<80x128xf32, #tpu.memory_space<hbm>>
        %dma_start3A_136 = arith.constant 0 : i32
        %dma_start3A_137 = tpu.memref_slice %arg5[%arg0, %mul3A_132, %dma_start3A_136] : memref<2x10000x128xf32, #tpu.memory_space<hbm>> -> memref<1x80x128xf32, #tpu.memory_space<hbm>>
        %dma_start3A_138 = tpu.memref_squeeze %dma_start3A_137 : memref<1x80x128xf32, #tpu.memory_space<hbm>> -> memref<80x128xf32, #tpu.memory_space<hbm>>
        tpu.enqueue_dma source(%arg8 : memref<80x128xf32, #tpu.memory_space<vmem>>) target(%dma_start3A_138 : memref<80x128xf32, #tpu.memory_space<hbm>>) target_semaphore(%run_scoped3A : memref<!tpu.dma_semaphore, #tpu.memory_space<semaphore_mem>>)
        %dma_wait3A_139 = arith.constant 0 : i32
        %dma_wait3A_140 = tpu.memref_slice %arg5[%arg0, %mul3A_132, %dma_wait3A_139] : memref<2x10000x128xf32, #tpu.memory_space<hbm>> -> memref<1x80x128xf32, #tpu.memory_space<hbm>>
        %dma_wait3A_141 = tpu.memref_squeeze %dma_wait3A_140 : memref<1x80x128xf32, #tpu.memory_space<hbm>> -> memref<80x128xf32, #tpu.memory_space<hbm>>
        %dma_wait3A_142 = arith.constant 0 : i32
        %dma_wait3A_143 = tpu.memref_slice %arg5[%arg0, %mul3A_132, %dma_wait3A_142] : memref<2x10000x128xf32, #tpu.memory_space<hbm>> -> memref<1x80x128xf32, #tpu.memory_space<hbm>>
        %dma_wait3A_144 = tpu.memref_squeeze %dma_wait3A_143 : memref<1x80x128xf32, #tpu.memory_space<hbm>> -> memref<80x128xf32, #tpu.memory_space<hbm>>
        tpu.wait_dma2 semaphore(%run_scoped3A : memref<!tpu.dma_semaphore, #tpu.memory_space<semaphore_mem>>) src(%arg8 : memref<80x128xf32, #tpu.memory_space<vmem>>) dst(%dma_wait3A_144 : memref<80x128xf32, #tpu.memory_space<hbm>>)
        tpu.yield
      }) : () -> ()
    } else {
    }
    %add3A_115 = arith.constant 96 : i32
    %add3A_116 = arith.addi %add3A_115, %arg1 : i32
    %lt3A_117 = arith.constant 125 : i32
    %lt3A_118 = arith.cmpi slt, %add3A_116, %lt3A_117 : i32
    %convert_element_type3A_119 = arith.extui %lt3A_118 : i1 to i32
    %cond3A_120 = arith.constant 0 : i32
    %cond3A_121 = arith.cmpi ne, %convert_element_type3A_119, %cond3A_120 : i32
    scf.if %cond3A_121 {
      %mul3A_129 = arith.constant 80 : i32
      %mul3A_130 = arith.muli %add3A_116, %mul3A_129 : i32
      "tpu.region"() ({
        %run_scoped3A = tpu.sem_alloc : memref<!tpu.dma_semaphore, #tpu.memory_space<semaphore_mem>>
        %dma_start3A_133 = arith.constant 0 : i32
        %dma_start3A_134 = tpu.memref_slice %arg10[%mul3A_130, %dma_start3A_133] : memref<10000x128xf32, #tpu.memory_space<vmem_shared>> -> memref<80x128xf32, #tpu.memory_space<vmem_shared>>
        %dma_start3A_135 = arith.constant 0 : i32
        %dma_start3A_136 = tpu.memref_slice %arg10[%mul3A_130, %dma_start3A_135] : memref<10000x128xf32, #tpu.memory_space<vmem_shared>> -> memref<80x128xf32, #tpu.memory_space<vmem_shared>>
        tpu.enqueue_dma source(%dma_start3A_136 : memref<80x128xf32, #tpu.memory_space<vmem_shared>>) target(%arg8 : memref<80x128xf32, #tpu.memory_space<vmem>>) target_semaphore(%run_scoped3A : memref<!tpu.dma_semaphore, #tpu.memory_space<semaphore_mem>>)
        %dma_wait3A_137 = arith.constant 0 : i32
        %dma_wait3A_138 = tpu.memref_slice %arg10[%mul3A_130, %dma_wait3A_137] : memref<10000x128xf32, #tpu.memory_space<vmem_shared>> -> memref<80x128xf32, #tpu.memory_space<vmem_shared>>
        %dma_wait3A_139 = arith.constant 0 : i32
        %dma_wait3A_140 = tpu.memref_slice %arg10[%mul3A_130, %dma_wait3A_139] : memref<10000x128xf32, #tpu.memory_space<vmem_shared>> -> memref<80x128xf32, #tpu.memory_space<vmem_shared>>
        tpu.wait_dma2 semaphore(%run_scoped3A : memref<!tpu.dma_semaphore, #tpu.memory_space<semaphore_mem>>) src(%dma_wait3A_140 : memref<80x128xf32, #tpu.memory_space<vmem_shared>>) dst(%arg8 : memref<80x128xf32, #tpu.memory_space<vmem>>)
        tpu.yield
      }) : () -> ()
      %mul3A_131 = arith.constant 80 : i32
      %mul3A_132 = arith.muli %add3A_116, %mul3A_131 : i32
      "tpu.region"() ({
        %run_scoped3A = tpu.sem_alloc : memref<!tpu.dma_semaphore, #tpu.memory_space<semaphore_mem>>
        %dma_start3A_133 = arith.constant 0 : i32
        %dma_start3A_134 = tpu.memref_slice %arg5[%arg0, %mul3A_132, %dma_start3A_133] : memref<2x10000x128xf32, #tpu.memory_space<hbm>> -> memref<1x80x128xf32, #tpu.memory_space<hbm>>
        %dma_start3A_135 = tpu.memref_squeeze %dma_start3A_134 : memref<1x80x128xf32, #tpu.memory_space<hbm>> -> memref<80x128xf32, #tpu.memory_space<hbm>>
        %dma_start3A_136 = arith.constant 0 : i32
        %dma_start3A_137 = tpu.memref_slice %arg5[%arg0, %mul3A_132, %dma_start3A_136] : memref<2x10000x128xf32, #tpu.memory_space<hbm>> -> memref<1x80x128xf32, #tpu.memory_space<hbm>>
        %dma_start3A_138 = tpu.memref_squeeze %dma_start3A_137 : memref<1x80x128xf32, #tpu.memory_space<hbm>> -> memref<80x128xf32, #tpu.memory_space<hbm>>
        tpu.enqueue_dma source(%arg8 : memref<80x128xf32, #tpu.memory_space<vmem>>) target(%dma_start3A_138 : memref<80x128xf32, #tpu.memory_space<hbm>>) target_semaphore(%run_scoped3A : memref<!tpu.dma_semaphore, #tpu.memory_space<semaphore_mem>>)
        %dma_wait3A_139 = arith.constant 0 : i32
        %dma_wait3A_140 = tpu.memref_slice %arg5[%arg0, %mul3A_132, %dma_wait3A_139] : memref<2x10000x128xf32, #tpu.memory_space<hbm>> -> memref<1x80x128xf32, #tpu.memory_space<hbm>>
        %dma_wait3A_141 = tpu.memref_squeeze %dma_wait3A_140 : memref<1x80x128xf32, #tpu.memory_space<hbm>> -> memref<80x128xf32, #tpu.memory_space<hbm>>
        %dma_wait3A_142 = arith.constant 0 : i32
        %dma_wait3A_143 = tpu.memref_slice %arg5[%arg0, %mul3A_132, %dma_wait3A_142] : memref<2x10000x128xf32, #tpu.memory_space<hbm>> -> memref<1x80x128xf32, #tpu.memory_space<hbm>>
        %dma_wait3A_144 = tpu.memref_squeeze %dma_wait3A_143 : memref<1x80x128xf32, #tpu.memory_space<hbm>> -> memref<80x128xf32, #tpu.memory_space<hbm>>
        tpu.wait_dma2 semaphore(%run_scoped3A : memref<!tpu.dma_semaphore, #tpu.memory_space<semaphore_mem>>) src(%arg8 : memref<80x128xf32, #tpu.memory_space<vmem>>) dst(%dma_wait3A_144 : memref<80x128xf32, #tpu.memory_space<hbm>>)
        tpu.yield
      }) : () -> ()
    } else {
    }
    %add3A_122 = arith.constant 112 : i32
    %add3A_123 = arith.addi %add3A_122, %arg1 : i32
    %lt3A_124 = arith.constant 125 : i32
    %lt3A_125 = arith.cmpi slt, %add3A_123, %lt3A_124 : i32
    %convert_element_type3A_126 = arith.extui %lt3A_125 : i1 to i32
    %cond3A_127 = arith.constant 0 : i32
    %cond3A_128 = arith.cmpi ne, %convert_element_type3A_126, %cond3A_127 : i32
    scf.if %cond3A_128 {
      %mul3A_129 = arith.constant 80 : i32
      %mul3A_130 = arith.muli %add3A_123, %mul3A_129 : i32
      "tpu.region"() ({
        %run_scoped3A = tpu.sem_alloc : memref<!tpu.dma_semaphore, #tpu.memory_space<semaphore_mem>>
        %dma_start3A_133 = arith.constant 0 : i32
        %dma_start3A_134 = tpu.memref_slice %arg10[%mul3A_130, %dma_start3A_133] : memref<10000x128xf32, #tpu.memory_space<vmem_shared>> -> memref<80x128xf32, #tpu.memory_space<vmem_shared>>
        %dma_start3A_135 = arith.constant 0 : i32
        %dma_start3A_136 = tpu.memref_slice %arg10[%mul3A_130, %dma_start3A_135] : memref<10000x128xf32, #tpu.memory_space<vmem_shared>> -> memref<80x128xf32, #tpu.memory_space<vmem_shared>>
        tpu.enqueue_dma source(%dma_start3A_136 : memref<80x128xf32, #tpu.memory_space<vmem_shared>>) target(%arg8 : memref<80x128xf32, #tpu.memory_space<vmem>>) target_semaphore(%run_scoped3A : memref<!tpu.dma_semaphore, #tpu.memory_space<semaphore_mem>>)
        %dma_wait3A_137 = arith.constant 0 : i32
        %dma_wait3A_138 = tpu.memref_slice %arg10[%mul3A_130, %dma_wait3A_137] : memref<10000x128xf32, #tpu.memory_space<vmem_shared>> -> memref<80x128xf32, #tpu.memory_space<vmem_shared>>
        %dma_wait3A_139 = arith.constant 0 : i32
        %dma_wait3A_140 = tpu.memref_slice %arg10[%mul3A_130, %dma_wait3A_139] : memref<10000x128xf32, #tpu.memory_space<vmem_shared>> -> memref<80x128xf32, #tpu.memory_space<vmem_shared>>
        tpu.wait_dma2 semaphore(%run_scoped3A : memref<!tpu.dma_semaphore, #tpu.memory_space<semaphore_mem>>) src(%dma_wait3A_140 : memref<80x128xf32, #tpu.memory_space<vmem_shared>>) dst(%arg8 : memref<80x128xf32, #tpu.memory_space<vmem>>)
        tpu.yield
      }) : () -> ()
      %mul3A_131 = arith.constant 80 : i32
      %mul3A_132 = arith.muli %add3A_123, %mul3A_131 : i32
      "tpu.region"() ({
        %run_scoped3A = tpu.sem_alloc : memref<!tpu.dma_semaphore, #tpu.memory_space<semaphore_mem>>
        %dma_start3A_133 = arith.constant 0 : i32
        %dma_start3A_134 = tpu.memref_slice %arg5[%arg0, %mul3A_132, %dma_start3A_133] : memref<2x10000x128xf32, #tpu.memory_space<hbm>> -> memref<1x80x128xf32, #tpu.memory_space<hbm>>
        %dma_start3A_135 = tpu.memref_squeeze %dma_start3A_134 : memref<1x80x128xf32, #tpu.memory_space<hbm>> -> memref<80x128xf32, #tpu.memory_space<hbm>>
        %dma_start3A_136 = arith.constant 0 : i32
        %dma_start3A_137 = tpu.memref_slice %arg5[%arg0, %mul3A_132, %dma_start3A_136] : memref<2x10000x128xf32, #tpu.memory_space<hbm>> -> memref<1x80x128xf32, #tpu.memory_space<hbm>>
        %dma_start3A_138 = tpu.memref_squeeze %dma_start3A_137 : memref<1x80x128xf32, #tpu.memory_space<hbm>> -> memref<80x128xf32, #tpu.memory_space<hbm>>
        tpu.enqueue_dma source(%arg8 : memref<80x128xf32, #tpu.memory_space<vmem>>) target(%dma_start3A_138 : memref<80x128xf32, #tpu.memory_space<hbm>>) target_semaphore(%run_scoped3A : memref<!tpu.dma_semaphore, #tpu.memory_space<semaphore_mem>>)
        %dma_wait3A_139 = arith.constant 0 : i32
        %dma_wait3A_140 = tpu.memref_slice %arg5[%arg0, %mul3A_132, %dma_wait3A_139] : memref<2x10000x128xf32, #tpu.memory_space<hbm>> -> memref<1x80x128xf32, #tpu.memory_space<hbm>>
        %dma_wait3A_141 = tpu.memref_squeeze %dma_wait3A_140 : memref<1x80x128xf32, #tpu.memory_space<hbm>> -> memref<80x128xf32, #tpu.memory_space<hbm>>
        %dma_wait3A_142 = arith.constant 0 : i32
        %dma_wait3A_143 = tpu.memref_slice %arg5[%arg0, %mul3A_132, %dma_wait3A_142] : memref<2x10000x128xf32, #tpu.memory_space<hbm>> -> memref<1x80x128xf32, #tpu.memory_space<hbm>>
        %dma_wait3A_144 = tpu.memref_squeeze %dma_wait3A_143 : memref<1x80x128xf32, #tpu.memory_space<hbm>> -> memref<80x128xf32, #tpu.memory_space<hbm>>
        tpu.wait_dma2 semaphore(%run_scoped3A : memref<!tpu.dma_semaphore, #tpu.memory_space<semaphore_mem>>) src(%arg8 : memref<80x128xf32, #tpu.memory_space<vmem>>) dst(%dma_wait3A_144 : memref<80x128xf32, #tpu.memory_space<hbm>>)
        tpu.yield
      }) : () -> ()
    } else {
    }
    return
  }
}

module attributes {stable_mosaic.version = 14 : i64} {
  func.func @_mm_scale_body(%arg0: i32, %arg1: memref<2000x128xf32, #tpu.memory_space<vmem>>, %arg2: memref<128x128xf32, #tpu.memory_space<vmem>>, %arg3: memref<1x128xf32, #tpu.memory_space<vmem>>, %arg4: memref<2000x1xf32, #tpu.memory_space<vmem>>, %arg5: memref<2000x128xf32, #tpu.memory_space<vmem>>) attributes {dimension_semantics = [#tpu.dimension_semantics<arbitrary>], iteration_bounds = array<i64: 5>, scalar_prefetch = 0 : i64, scratch_operands = 0 : i64, tpu.core_type = #tpu.core_type<tc>, window_params = [{transform_indices = @transform_0, window_bounds = array<i64: 2000, 128>}, {pipeline_mode = #tpu.pipeline_mode<synchronous>, transform_indices = @transform_1, window_bounds = array<i64: 128, 128>}, {pipeline_mode = #tpu.pipeline_mode<synchronous>, transform_indices = @transform_2, window_bounds = array<i64: 1, 128>}, {transform_indices = @transform_3, window_bounds = array<i64: 2000, 1>}, {transform_indices = @transform_4, window_bounds = array<i64: 2000, 128>}]} {
    %get3A = arith.constant 0 : index
    %get3A_0 = arith.constant 0 : index
    %get3A_1 = vector.load %arg1[%get3A, %get3A_0] : memref<2000x128xf32, #tpu.memory_space<vmem>>, vector<2000x128xf32>
    %get3A_2 = arith.constant 0 : index
    %get3A_3 = arith.constant 0 : index
    %get3A_4 = vector.load %arg2[%get3A_2, %get3A_3] : memref<128x128xf32, #tpu.memory_space<vmem>>, vector<128x128xf32>
    %dot_general3A = arith.constant dense<0.000000e+00> : vector<2000x128xf32>
    %dot_general3A_5 = tpu.matmul %get3A_1, %get3A_4, %dot_general3A {dimension_numbers = #tpu.dot_dimension_numbers<[1], [0], [0], [1], [0, 0, 1, 1], [], []>, transpose_lhs_hint = false} : vector<2000x128xf32>, vector<128x128xf32>, vector<2000x128xf32> -> vector<2000x128xf32>
    %get3A_6 = arith.constant 0 : index
    %get3A_7 = arith.constant 0 : index
    %get3A_8 = vector.load %arg3[%get3A_6, %get3A_7] : memref<1x128xf32, #tpu.memory_space<vmem>>, vector<1x128xf32>
    %add3A = vector.broadcast %get3A_8 : vector<1x128xf32> to vector<2000x128xf32>
    %add3A_9 = arith.addf %dot_general3A_5, %add3A : vector<2000x128xf32>
    %get3A_10 = arith.constant 0 : index
    %get3A_11 = arith.constant 0 : index
    %get3A_12 = vector.load %arg4[%get3A_10, %get3A_11] : memref<2000x1xf32, #tpu.memory_space<vmem>>, vector<2000x1xf32>
    %max3A = arith.constant 1.000000e+00 : f32
    %max3A_13 = vector.broadcast %max3A : f32 to vector<2000x1xf32>
    %max3A_14 = arith.maximumf %get3A_12, %max3A_13 : vector<2000x1xf32>
    %rsqrt3A = math.rsqrt %max3A_14 : vector<2000x1xf32>
    %mul3A = vector.broadcast %rsqrt3A : vector<2000x1xf32> to vector<2000x128xf32>
    %mul3A_15 = arith.mulf %add3A_9, %mul3A : vector<2000x128xf32>
    %swap3A = arith.constant 0 : index
    %swap3A_16 = arith.constant 0 : index
    %swap3A_17 = vector.load %arg5[%swap3A, %swap3A_16] : memref<2000x128xf32, #tpu.memory_space<vmem>>, vector<2000x128xf32>
    tpu.vector_store %arg5[%swap3A, %swap3A_16], %mul3A_15 {strides = array<i32>} : memref<2000x128xf32, #tpu.memory_space<vmem>>, vector<2000x128xf32>,
    return
  }
  func.func @transform_0(%arg0: i32) -> (i32, i32) {
    %c0_i32 = arith.constant 0 : i32
    %c0_i32_0 = arith.constant 0 : i32
    return %arg0, %c0_i32 : i32, i32
  }
  func.func @transform_1(%arg0: i32) -> (i32, i32) {
    %c0_i32 = arith.constant 0 : i32
    %c0_i32_0 = arith.constant 0 : i32
    %c0_i32_1 = arith.constant 0 : i32
    return %c0_i32, %c0_i32_0 : i32, i32
  }
  func.func @transform_2(%arg0: i32) -> (i32, i32) {
    %c0_i32 = arith.constant 0 : i32
    %c0_i32_0 = arith.constant 0 : i32
    %c0_i32_1 = arith.constant 0 : i32
    return %c0_i32, %c0_i32_0 : i32, i32
  }
  func.func @transform_3(%arg0: i32) -> (i32, i32) {
    %c0_i32 = arith.constant 0 : i32
    %c0_i32_0 = arith.constant 0 : i32
    return %arg0, %c0_i32 : i32, i32
  }
  func.func @transform_4(%arg0: i32) -> (i32, i32) {
    %c0_i32 = arith.constant 0 : i32
    %c0_i32_0 = arith.constant 0 : i32
    return %arg0, %c0_i32 : i32, i32
  }
}

module attributes {stable_mosaic.version = 14 : i64} {
  func.func @_step_body(%arg0: i32, %arg1: memref<2x2000x128xf32, #tpu.memory_space<vmem>>, %arg2: memref<2000x1xf32, #tpu.memory_space<vmem>>, %arg3: memref<128x128xf32, #tpu.memory_space<vmem>>, %arg4: memref<1x128xf32, #tpu.memory_space<vmem>>, %arg5: memref<2000x1xf32, #tpu.memory_space<vmem>>, %arg6: memref<2000x128xf32, #tpu.memory_space<vmem>>, %arg7: memref<2000x128xf32, #tpu.memory_space<vmem>>, %arg8: memref<2000x128xf32, #tpu.memory_space<vmem>>) attributes {dimension_semantics = [#tpu.dimension_semantics<arbitrary>], iteration_bounds = array<i64: 5>, scalar_prefetch = 0 : i64, scratch_operands = 0 : i64, tpu.core_type = #tpu.core_type<tc>, window_params = [{transform_indices = @transform_0, window_bounds = array<i64: 2, 2000, 128>}, {transform_indices = @transform_1, window_bounds = array<i64: 2000, 1>}, {pipeline_mode = #tpu.pipeline_mode<synchronous>, transform_indices = @transform_2, window_bounds = array<i64: 128, 128>}, {pipeline_mode = #tpu.pipeline_mode<synchronous>, transform_indices = @transform_3, window_bounds = array<i64: 1, 128>}, {transform_indices = @transform_4, window_bounds = array<i64: 2000, 1>}, {transform_indices = @transform_5, window_bounds = array<i64: 2000, 128>}, {transform_indices = @transform_6, window_bounds = array<i64: 2000, 128>}, {transform_indices = @transform_7, window_bounds = array<i64: 2000, 128>}]} {
    %get3A = arith.constant 0 : index
    %get3A_0 = arith.constant 0 : index
    %get3A_1 = arith.constant 0 : index
    %get3A_2 = vector.load %arg1[%get3A, %get3A_0, %get3A_1] : memref<2x2000x128xf32, #tpu.memory_space<vmem>>, vector<1x2000x128xf32>
    %get3A_3 = vector.shape_cast %get3A_2 : vector<1x2000x128xf32> to vector<2000x128xf32>
    %get3A_4 = arith.constant 1 : index
    %get3A_5 = arith.constant 0 : index
    %get3A_6 = arith.constant 0 : index
    %get3A_7 = vector.load %arg1[%get3A_4, %get3A_5, %get3A_6] : memref<2x2000x128xf32, #tpu.memory_space<vmem>>, vector<1x2000x128xf32>
    %get3A_8 = vector.shape_cast %get3A_7 : vector<1x2000x128xf32> to vector<2000x128xf32>
    %add3A = arith.addf %get3A_3, %get3A_8 : vector<2000x128xf32>
    %get3A_9 = arith.constant 0 : index
    %get3A_10 = arith.constant 0 : index
    %get3A_11 = vector.load %arg2[%get3A_9, %get3A_10] : memref<2000x1xf32, #tpu.memory_space<vmem>>, vector<2000x1xf32>
    %max3A = arith.constant 1.000000e+00 : f32
    %max3A_12 = vector.broadcast %max3A : f32 to vector<2000x1xf32>
    %max3A_13 = arith.maximumf %get3A_11, %max3A_12 : vector<2000x1xf32>
    %rsqrt3A = math.rsqrt %max3A_13 : vector<2000x1xf32>
    %mul3A = vector.broadcast %rsqrt3A : vector<2000x1xf32> to vector<2000x128xf32>
    %mul3A_14 = arith.mulf %add3A, %mul3A : vector<2000x128xf32>
    %ge3A = arith.constant 0.000000e+00 : f32
    %ge3A_15 = vector.broadcast %ge3A : f32 to vector<2000x128xf32>
    %ge3A_16 = arith.cmpf oge, %mul3A_14, %ge3A_15 : vector<2000x128xf32>
    %mul3A_17 = arith.constant 0.00999999977 : f32
    %mul3A_18 = vector.broadcast %mul3A_17 : f32 to vector<2000x128xf32>
    %mul3A_19 = arith.mulf %mul3A_18, %mul3A_14 : vector<2000x128xf32>
    %select_n3A = arith.select %ge3A_16, %mul3A_14, %mul3A_19 : vector<2000x128xi1>, vector<2000x128xf32>
    %get3A_20 = arith.constant 0 : index
    %get3A_21 = arith.constant 0 : index
    %get3A_22 = vector.load %arg6[%get3A_20, %get3A_21] : memref<2000x128xf32, #tpu.memory_space<vmem>>, vector<2000x128xf32>
    %add3A_23 = arith.addf %get3A_22, %select_n3A : vector<2000x128xf32>
    %swap3A = arith.constant 0 : index
    %swap3A_24 = arith.constant 0 : index
    %swap3A_25 = vector.load %arg7[%swap3A, %swap3A_24] : memref<2000x128xf32, #tpu.memory_space<vmem>>, vector<2000x128xf32>
    tpu.vector_store %arg7[%swap3A, %swap3A_24], %add3A_23 {strides = array<i32>} : memref<2000x128xf32, #tpu.memory_space<vmem>>, vector<2000x128xf32>,
    %get3A_26 = arith.constant 0 : index
    %get3A_27 = arith.constant 0 : index
    %get3A_28 = vector.load %arg3[%get3A_26, %get3A_27] : memref<128x128xf32, #tpu.memory_space<vmem>>, vector<128x128xf32>
    %dot_general3A = arith.constant dense<0.000000e+00> : vector<2000x128xf32>
    %dot_general3A_29 = tpu.matmul %select_n3A, %get3A_28, %dot_general3A {dimension_numbers = #tpu.dot_dimension_numbers<[1], [0], [0], [1], [0, 0, 1, 1], [], []>, transpose_lhs_hint = false} : vector<2000x128xf32>, vector<128x128xf32>, vector<2000x128xf32> -> vector<2000x128xf32>
    %get3A_30 = arith.constant 0 : index
    %get3A_31 = arith.constant 0 : index
    %get3A_32 = vector.load %arg4[%get3A_30, %get3A_31] : memref<1x128xf32, #tpu.memory_space<vmem>>, vector<1x128xf32>
    %add3A_33 = vector.broadcast %get3A_32 : vector<1x128xf32> to vector<2000x128xf32>
    %add3A_34 = arith.addf %dot_general3A_29, %add3A_33 : vector<2000x128xf32>
    %get3A_35 = arith.constant 0 : index
    %get3A_36 = arith.constant 0 : index
    %get3A_37 = vector.load %arg5[%get3A_35, %get3A_36] : memref<2000x1xf32, #tpu.memory_space<vmem>>, vector<2000x1xf32>
    %max3A_38 = arith.constant 1.000000e+00 : f32
    %max3A_39 = vector.broadcast %max3A_38 : f32 to vector<2000x1xf32>
    %max3A_40 = arith.maximumf %get3A_37, %max3A_39 : vector<2000x1xf32>
    %rsqrt3A_41 = math.rsqrt %max3A_40 : vector<2000x1xf32>
    %mul3A_42 = vector.broadcast %rsqrt3A_41 : vector<2000x1xf32> to vector<2000x128xf32>
    %mul3A_43 = arith.mulf %add3A_34, %mul3A_42 : vector<2000x128xf32>
    %swap3A_44 = arith.constant 0 : index
    %swap3A_45 = arith.constant 0 : index
    %swap3A_46 = vector.load %arg8[%swap3A_44, %swap3A_45] : memref<2000x128xf32, #tpu.memory_space<vmem>>, vector<2000x128xf32>
    tpu.vector_store %arg8[%swap3A_44, %swap3A_45], %mul3A_43 {strides = array<i32>} : memref<2000x128xf32, #tpu.memory_space<vmem>>, vector<2000x128xf32>,
    return
  }
  func.func @transform_0(%arg0: i32) -> (i32, i32, i32) {
    %c0_i32 = arith.constant 0 : i32
    %c0_i32_0 = arith.constant 0 : i32
    %c0_i32_1 = arith.constant 0 : i32
    return %c0_i32, %arg0, %c0_i32_0 : i32, i32, i32
  }
  func.func @transform_1(%arg0: i32) -> (i32, i32) {
    %c0_i32 = arith.constant 0 : i32
    %c0_i32_0 = arith.constant 0 : i32
    return %arg0, %c0_i32 : i32, i32
  }
  func.func @transform_2(%arg0: i32) -> (i32, i32) {
    %c0_i32 = arith.constant 0 : i32
    %c0_i32_0 = arith.constant 0 : i32
    %c0_i32_1 = arith.constant 0 : i32
    return %c0_i32, %c0_i32_0 : i32, i32
  }
  func.func @transform_3(%arg0: i32) -> (i32, i32) {
    %c0_i32 = arith.constant 0 : i32
    %c0_i32_0 = arith.constant 0 : i32
    %c0_i32_1 = arith.constant 0 : i32
    return %c0_i32, %c0_i32_0 : i32, i32
  }
  func.func @transform_4(%arg0: i32) -> (i32, i32) {
    %c0_i32 = arith.constant 0 : i32
    %c0_i32_0 = arith.constant 0 : i32
    return %arg0, %c0_i32 : i32, i32
  }
  func.func @transform_5(%arg0: i32) -> (i32, i32) {
    %c0_i32 = arith.constant 0 : i32
    %c0_i32_0 = arith.constant 0 : i32
    return %arg0, %c0_i32 : i32, i32
  }
  func.func @transform_6(%arg0: i32) -> (i32, i32) {
    %c0_i32 = arith.constant 0 : i32
    %c0_i32_0 = arith.constant 0 : i32
    return %arg0, %c0_i32 : i32, i32
  }
  func.func @transform_7(%arg0: i32) -> (i32, i32) {
    %c0_i32 = arith.constant 0 : i32
    %c0_i32_0 = arith.constant 0 : i32
    return %arg0, %c0_i32 : i32, i32
  }
}

module attributes {stable_mosaic.version = 14 : i64} {
  func.func @_fin_body(%arg0: i32, %arg1: memref<2000x128xf32, #tpu.memory_space<vmem>>, %arg2: memref<2000x128xf32, #tpu.memory_space<vmem>>, %arg3: memref<2000x128xf32, #tpu.memory_space<vmem>>) attributes {dimension_semantics = [#tpu.dimension_semantics<arbitrary>], iteration_bounds = array<i64: 5>, scalar_prefetch = 0 : i64, scratch_operands = 0 : i64, tpu.core_type = #tpu.core_type<tc>, window_params = [{transform_indices = @transform_0, window_bounds = array<i64: 2000, 128>}, {transform_indices = @transform_1, window_bounds = array<i64: 2000, 128>}, {transform_indices = @transform_2, window_bounds = array<i64: 2000, 128>}]} {
    %get3A = arith.constant 0 : index
    %get3A_0 = arith.constant 0 : index
    %get3A_1 = vector.load %arg1[%get3A, %get3A_0] : memref<2000x128xf32, #tpu.memory_space<vmem>>, vector<2000x128xf32>
    %get3A_2 = arith.constant 0 : index
    %get3A_3 = arith.constant 0 : index
    %get3A_4 = vector.load %arg2[%get3A_2, %get3A_3] : memref<2000x128xf32, #tpu.memory_space<vmem>>, vector<2000x128xf32>
    %add3A = arith.addf %get3A_1, %get3A_4 : vector<2000x128xf32>
    %mul3A = arith.constant 0.333333343 : f32
    %mul3A_5 = vector.broadcast %mul3A : f32 to vector<2000x128xf32>
    %mul3A_6 = arith.mulf %add3A, %mul3A_5 : vector<2000x128xf32>
    %swap3A = arith.constant 0 : index
    %swap3A_7 = arith.constant 0 : index
    %swap3A_8 = vector.load %arg3[%swap3A, %swap3A_7] : memref<2000x128xf32, #tpu.memory_space<vmem>>, vector<2000x128xf32>
    tpu.vector_store %arg3[%swap3A, %swap3A_7], %mul3A_6 {strides = array<i32>} : memref<2000x128xf32, #tpu.memory_space<vmem>>, vector<2000x128xf32>,
    return
  }
  func.func @transform_0(%arg0: i32) -> (i32, i32) {
    %c0_i32 = arith.constant 0 : i32
    %c0_i32_0 = arith.constant 0 : i32
    return %arg0, %c0_i32 : i32, i32
  }
  func.func @transform_1(%arg0: i32) -> (i32, i32) {
    %c0_i32 = arith.constant 0 : i32
    %c0_i32_0 = arith.constant 0 : i32
    return %arg0, %c0_i32 : i32, i32
  }
  func.func @transform_2(%arg0: i32) -> (i32, i32) {
    %c0_i32 = arith.constant 0 : i32
    %c0_i32_0 = arith.constant 0 : i32
    return %arg0, %c0_i32 : i32, i32
  }
}

</mosaic_0001>

<sc_bundles>
// kernel: body.8.cloned.1.call-start
scs
__scs_entry_jumppad:
0x0: {  	(pc) =	sbr.rel $0x88, $3  }
0x1: {  	(tag) =	ssettag $0x0;
	lr =	simm.s32 $0x1  }
0x2: {  	[smem:$0x3F9B] =	sst lr;
	_ =	strace $0xD0000000  }
0x3: {  	_ = 	snop  }
0x4: {  	_ = 	snop  }
0x5: {  	_ = 	snop  }
0x6: {  	_ = 	snop  }
0x7: {  	_ = 	snop  }
__scs_overlays_trampoline_lowered:
0x8: {  	[smem:$0x3FAA] =	sst s0  }
0x9: {  	[smem:$0x3FAB] =	sst s1  }
0xa: {  	[smem:$0x3FAC] =	sst s2  }
0xb: {  	[smem:$0x3FAD] =	sst s3  }
0xc: {  	[smem:$0x3FAE] =	sst s4  }
0xd: {  	[smem:$0x3FAF] =	sst s5  }
0xe: {  	[smem:$0x3FB0] =	sst s6  }
0xf: {  	[smem:$0x3FB1] =	sst s7  }
0x10: {  	[smem:$0x3FB2] =	sst s8  }
0x11: {  	[smem:$0x3FB3] =	sst s9;
	s0 =	simm.s32 @!p0 $0x0  }
0x12: {  	s1 =	sld [smem:$0x3F99];
	s0 =	simm.s32 @p0 $0x1  }
0x13: {  	[smem:$0x3FB4] =	sst s0;
	s0 =	simm.s32 @!p1 $0x0  }
0x14: {  	s2 =	sld [smem:$0x3F98];
	s0 =	simm.s32 @p1 $0x1  }
0x15: {  	[smem:$0x3FB5] =	sst s0;
	s0 =	simm.s32 @!p2 $0x0  }
0x16: {  	s3 =	sld [smem:$0x3FDB];
	s0 =	simm.s32 @p2 $0x1  }
0x17: {  	s4 =	simm.s32 $0x1BF5;
	[smem:$0x3FB7] =	sst s0  }
0x18: {  	s0 =	sld [smem:$0x3F9A];
	_ =	swait.ge [sflag:s4], $0x0  }
0x19: {  	s7 =	sld [smem:$0x3F9B]  }
0x1a: {  	s8 =	sadd.s32 $0xFFFFE003, lr  }
0x1b: {  	s9 =	sadd.s32 $0xFFFFFEF7, lr;
	s5 =	simm.s32 $0xFFFFFFFF;
	p2 =	slt.u32 s8, $0xFFFFF086  }
0x1c: {  	p1 =	slt.u32 s9, $0xF7A;
	s5 =	simm.s32 @!p2 $0x0  }
0x1d: {  	s5 =	simm.s32 @p1 $0x1;
	p0 =	seq.s32 s7, s2  }
0x1e: {  	s7 =	smul.u32 @!p0 $0xF7A, s2;
	p2 =	seq.s32 @!p0 s5, $0x0  }
0x1f: {  	s9 =	smul.u32 $0xF7A, s1;
	s8 =	simm.s32 @!p0 $0x1BF5;
	p2 =	por !p2, p0  }
0x20: {  	[sflag:s8] =	ssyncset.s32 @!p0 $0xFFFFF086;
	s6 =	sadd.s32 @!p0 s3, s7;
	s7 =	simm.s32 @!p0 $0x108  }
0x21: {  	s3 =	sadd.s32 s3, s9;
	s6 =	sadd.s32 @!p0 $0x88, s6;
	s7 =	simm.s32 @p2 $0x1082  }
0x22: {  	[simem:s7], [sflag:s8] =	dma.local @!p0 [hbm:s6], $0xF7A  }
0x23: {  	s9 =	sor.u32 $0xD0000000, s2;
	s6 =	simm.s32 $0x108;
	_ =	swait.ge @!p0 [sflag:s8], $0x0  }
0x24: {  	s3 =	sadd.s32 $0x88, s3;
	s6 =	simm.s32 @!p1 $0x1082;
	[sflag:s4] =	ssyncset.s32 $0xFFFFF086  }
0x25: {  	[simem:s6], [sflag:s4] =	dma.local [hbm:s3], $0xF7A  }
0x26: {  	[smem:$0x3F9B] =	sst s1;
	(tag) =	ssettag s2;
	_ =	strace s9  }
0x27: {  	s1 =	sld [smem:$0x3FAB]  }
0x28: {  	s2 =	sld [smem:$0x3FAC]  }
0x29: {  	s4 =	sld [smem:$0x3FAE]  }
0x2a: {  	p0 =	seq.s32 s5, $0x0;
	s5 =	sld [smem:$0x3FAF]  }
0x2b: {  	s6 =	sld [smem:$0x3FB0]  }
0x2c: {  	s7 =	sld [smem:$0x3FB1]  }
0x2d: {  	s3 =	simm.s32 $0x108;
	s8 =	sld [smem:$0x3FB2]  }
0x2e: {  	s3 =	simm.s32 @!p0 $0x1082;
	s9 =	sld [smem:$0x3FB3]  }
0x2f: {  	lr =	sadd.s32 s0, s3;
	s0 =	sld [smem:$0x3FAA]  }
0x30: {  	s3 =	sld [smem:$0x3FAD]  }
0x31: {  	[smem:$0x3FB6] =	sst s10  }
0x32: {  	s10 =	sld [smem:$0x3FB4];
	_ =	sdelay $0x3  }
0x33: {  	p0 =	seq.s32 s10, $0x1;
	s10 =	sld [smem:$0x3FB6];
	_ =	sdelay $0x3  }
0x34: {  	[smem:$0x3FB6] =	sst s10  }
0x35: {  	s10 =	sld [smem:$0x3FB5];
	_ =	sdelay $0x3  }
0x36: {  	p1 =	seq.s32 s10, $0x1;
	s10 =	sld [smem:$0x3FB6];
	_ =	sdelay $0x3  }
0x37: {  	[smem:$0x3FB6] =	sst s10  }
0x38: {  	s10 =	sld [smem:$0x3FB7]  }
0x39: {  	_ = 	snop;
	(pc) =	sbr.ind lr, $3  }
0x3a: {  	_ = 	snop  }
0x3b: {  	_ = 	snop  }
0x3c: {  	p2 =	seq.s32 s10, $0x1;
	s10 =	sld [smem:$0x3FB6]  }
0x3d: {  	_ =	shalt  }
0x3e: {  	_ =	shalt  }
0x3f: {  	_ =	shalt  }
0x40: {  	_ =	shalt  }
0x41: {  	_ =	shalt  }
0x42: {  	_ =	shalt  }
0x43: {  	_ =	shalt  }
0x44: {  	_ =	shalt  }
0x45: {  	_ =	shalt  }
0x46: {  	_ =	shalt  }
0x47: {  	_ =	shalt  }
0x48: {  	_ =	shalt  }
0x49: {  	_ =	shalt  }
0x4a: {  	_ =	shalt  }
0x4b: {  	_ =	shalt  }
0x4c: {  	_ =	shalt  }
0x4d: {  	_ =	shalt  }
0x4e: {  	_ =	shalt  }
0x4f: {  	_ =	shalt  }
0x50: {  	_ =	shalt  }
0x51: {  	_ =	shalt  }
0x52: {  	_ =	shalt  }
0x53: {  	_ =	shalt  }
0x54: {  	_ =	shalt  }
0x55: {  	_ =	shalt  }
0x56: {  	_ =	shalt  }
0x57: {  	_ =	shalt  }
0x58: {  	_ =	shalt  }
0x59: {  	_ =	shalt  }
0x5a: {  	_ =	shalt  }
0x5b: {  	_ =	shalt  }
0x5c: {  	_ =	shalt  }
0x5d: {  	_ =	shalt  }
0x5e: {  	_ =	shalt  }
0x5f: {  	_ =	shalt  }
0x60: {  	_ =	shalt  }
0x61: {  	_ =	shalt  }
0x62: {  	_ =	shalt  }
0x63: {  	_ =	shalt  }
0x64: {  	_ =	shalt  }
0x65: {  	_ =	shalt  }
0x66: {  	_ =	shalt  }
0x67: {  	_ =	shalt  }
0x68: {  	_ =	shalt  }
0x69: {  	_ =	shalt  }
0x6a: {  	_ =	shalt  }
0x6b: {  	_ =	shalt  }
0x6c: {  	_ =	shalt  }
0x6d: {  	_ =	shalt  }
0x6e: {  	_ =	shalt  }
0x6f: {  	_ =	shalt  }
0x70: {  	_ =	shalt  }
0x71: {  	_ =	shalt  }
0x72: {  	_ =	shalt  }
0x73: {  	_ =	shalt  }
0x74: {  	_ =	shalt  }
0x75: {  	_ =	shalt  }
0x76: {  	_ =	shalt  }
0x77: {  	_ =	shalt  }
0x78: {  	_ =	shalt  }
0x79: {  	_ =	shalt  }
0x7a: {  	_ =	shalt  }
0x7b: {  	_ =	shalt  }
0x7c: {  	_ =	shalt  }
0x7d: {  	_ =	shalt  }
0x7e: {  	_ =	shalt  }
0x7f: {  	_ =	shalt  }
0x80: {  	_ =	shalt  }
0x81: {  	_ =	shalt  }
0x82: {  	_ =	shalt  }
0x83: {  	_ =	shalt  }
0x84: {  	_ =	shalt  }
0x85: {  	_ =	shalt  }
0x86: {  	_ =	shalt  }
0x87: {  	_ =	shalt  }
.Lfunc_end0:
.L_simem_size_0:
called_computation_lowered:
.L_overlay_start_0:
0x88: {  	s2 =	sld [smem:$0x3FD9]  }
0x89: {  	s3 =	sld [smem:$0x3FFE];
	_ =	sdelay $0x1  }
0x8a: {  	s1 =	srdreg.scid  }
0x8b: {  	s0 =	sand.u32 $0x1, s1  }
0x8c: {  	s16 =	sshll.u32 s0, $0xA;
	s2 =	sadd.s32 s3, s2  }
0x8d: {  	s2 =	sadd.s32 s2, s16  }
0x8e: {  	[smem:$0x3FC2] =	sst s2  }
0x8f: {  	_ = 	snop  }
0x90: {  	(tm) =	ssettm $0x1  }
0x91: {  	s17 =	sld [smem:$0x3FFB];
	_ =	sdelay $0x3  }
0x92: {  	_ =	strace s17  }
0x93: {  	s2 =	sld [smem:$0x3FFC];
	_ =	sdelay $0x3  }
0x94: {  	_ =	strace s2  }
0x95: {  	s2 =	sld [smem:$0x3FFD];
	_ =	sdelay $0x3  }
0x96: {  	_ =	strace s2  }
0x97: {  	_ =	strace $0x8FFFFFFF  }
0x98: {  	s18 =	sld [smem:$0x3FDB];
	_ =	sdelay $0x1  }
0x99: {  	s19 =	simm.s32 $_scs_section_size  }
0x9a: {  	s4 =	simm.s32 $_size__tile_overlayer_lowered;
	s5 =	simm.s32 $_tile_overlayer_lowered  }
0x9b: {  	s22 =	simm.s32 $0x1BFF;
	s21 =	sshll.u32 s5, $0x1;
	s2 =	sadd.s32 s19, s18  }
0x9c: {  	s6 =	simm.s32 $0x0;
	s20 =	sshll.u32 s4, $0x1;
	s4 =	sadd.s32 s21, s2  }
0x9d: {  	[timem:s6], [sflag:s22] =	dma.local [hbm:s4], s20  }
0x9e: {  	_ =	swait.ge [sflag:s22], s20  }
0x9f: {  	s3 =	ssub.s32 $0x0, s20;
	[sflag:s22] =	ssyncset.done $0x0  }
0xa0: {  	[sflag:s22] =	ssyncadd.s32 s3;
	_ =	sdelay $0x1  }
0xa1: {  	s23 =	simm.s32 $0x1B8B  }
0xa2: {  	_ =	swait.ge [sflag:s23], $0x1  }
0xa3: {  	[sflag:s23] =	ssyncset.done $0x0  }
0xa4: {  	s25 =	simm.s32 $0x1B8E;
	s24 =	sld [smem:$0x3FFE];
	[sflag:s23] =	ssyncadd.s32 $0xFFFFFFFF  }
0xa5: {  	s26 =	simm.s32 $execute0_lowered;
	[smem:$0x3FD2] =	sst s25  }
0xa6: {  	s4 =	sshll.u32 s26, $0x1;
	_ =	strace $0x80000049;
	[dreg:$0x1] =	wrdreg $0xFFFFFFFF  }
0xa7: {  	s28 =	simm.s32 $_size_execute0_lowered;
	s2 =	sadd.s32 s2, s4;
	[dreg:$0x0] =	wrdreg $0x0  }
0xa8: {  	s4 =	sshll.u32 s28, $0x1;
	[dreg:$0x2] =	wrdreg s2  }
0xa9: {  	[dreg:$0x3] =	wrdreg s4  }
0xaa: {  	[dreg:$0x4] =	wrdreg $0xC0  }
0xab: {  	_ =	task [dreg:s6], $0x5FFFF  }
0xac: {  	[dreg:$0x1] =	wrdreg $0xFFFFFFFF  }
0xad: {  	[dreg:$0x0] =	wrdreg $0x60  }
0xae: {  	[dreg:$0x2] =	wrdreg s24  }
0xaf: {  	[dreg:$0x3] =	wrdreg $0x9F000  }
0xb0: {  	[dreg:$0x4] =	wrdreg $0x9  }
0xb1: {  	_ =	task.clear_ibuf [dreg:s6], $0x5FFFF;
	_ =	strace $0x90000049  }
0xb2: {  	s29 =	simm.s32 $0x9;
	_ =	strace $0x8000004B  }
0xb3: {  	_ =	swait.ge [sflag:s29], $0x1  }
0xb4: {  	[sflag:s29] =	ssyncadd.s32 $0xFFFFFFFF  }
0xb5: {  	_ =	strace $0x9000004B  }
0xb6: {  	_ =	sfence  }
0xb7: {  	s30 =	sld [smem:$0x0];
	_ =	sdelay $0x2  }
0xb8: {  	s31 =	sshll.u32 s1, $0xD;
	s1 =	sshrl.u32 s1, $0x2  }
0xb9: {  	s3 =	sand.u32 $0x4000, s31;
	s1 =	sadd.s32 s1, s30  }
0xba: {  	s0 =	sor.u32 s3, s0;
	s1 =	sshll.u32 s1, $0x11  }
0xbb: {  	s0 =	sor.u32 s1, s0  }
0xbc: {  	s0 =	sadd.s32 $0x8F2B, s0  }
0xbd: {  	[sflag:s0] =	ssyncadd.remote.s32 $0x1  }
0xbe: {  	_ =	sfence.sel $0xFFFF  }
0xbf: {  	[dreg:$0x0] =	wrdreg $0xFFFFFFFF;
	(pc) =	sbr.abs _section_cstart, $3  }
0xc0: {  	[dreg:$0x1] =	wrdreg $0xFFFFFFFF  }
0xc1: {  	_ =	task.clear_ibuf [dreg:s6], $0x2FFFF;
	_ =	strace $0x9FFFFFFF  }
0xc2: {  	(tm) =	ssettm $0x7FFFFFFF  }
0xc3: {  	_ =	shalt  }
tec
execute0_lowered:
.L_overlay_start_1:
0x0: {  	(tag) =	ssettag $0x1  }
0x1: {  	s0 =	srdreg.scid  }
0x2: {  	s26 =	stileid.u32;
	s1 =	rddreg [dreg:$0x0]  }
0x3: {  	s2 =	rddreg [dreg:$0x1];
	s3 =	simm.s32 $0x0;
	s29 =	simm.s32 $0x4F00  }
0x4: {  	s30 =	simm.s32 $0x50;
	s31 =	simm.s32 $0x1;
	s28 =	simm.s32 $0x0  }
0x5: {  	s5 =	sand.u32 $0x1, s0;
	s19 =	smul.u32 $0xA000, s26;
	s13 =	sor.u32 $0x10, s26  }
0x6: {  	s4 =	sshll.u32 s26, $0x7;
	s14 =	sor.u32 $0x20, s26;
	s21 =	smul.u32 $0xA000, s13  }
0x7: {  	[smem:$0x7FF] =	sst s3;
	s16 =	sor.u32 $0x30, s26;
	s22 =	smul.u32 $0xA000, s14  }
0x8: {  	s17 =	sor.u32 $0x40, s26;
	s18 =	sor.u32 $0x50, s26;
	s10 =	smul.u32 $0xA000, s16  }
0x9: {  	p0 =	sgt.u32 s26, $0xC;
	s0 =	sshll.u32 s5, $0x4;
	s11 =	smul.u32 $0xA000, s17  }
0xa: {  	s4 =	sand.u32 $0x380, s4;
	s12 =	smul.u32 $0xA000, s18;
	s0 =	sor.u32 s26, s0  }
0xb: {  	s6 =	ssub.s32 $0x2, s5;
	s5 =	smul.u32 $0x138800, s5;
	s0 =	sshrl.u32 s0, $0x3  }
0xc: {  	_ =	strace $0x8000004A;
	s8 =	sshrl.u32 s6, $0x1;
	s0 =	smul.u32 $0x13C00, s0  }
0xd: {  	s23 =	sshrl.u32 s10, $0x2;
	s24 =	sshrl.u32 s11, $0x2;
	s12 =	sshrl.u32 s12, $0x2  }
0xe: {  	s10 =	sadd.s32 s23, s2;
	s23 =	smul.u32 $0x2800, s14;
	s0 =	sor.u32 s4, s0  }
0xf: {  	s11 =	sadd.s32 s24, s2;
	s12 =	sadd.s32 s12, s2;
	s0 =	sshrl.u32 s0, $0x3  }
0x10: {  	s4 =	sadd.s32 $0x2B200, s1;
	s24 =	sadd.s32 s5, s23;
	s7 =	sadd.s32 s0, s1  }
0x11: {  	s0 =	sadd.s32 $0x66000, s1;
	s1 =	ssub.s32 s6, s8;
	s6 =	sshrl.u32 s19, $0x2  }
0x12: {  	s8 =	sshrl.u32 s21, $0x2;
	s19 =	sor.u32 $0x60, s26;
	s20 =	sadd.s32 $0x52400, s7  }
0x13: {  	s21 =	smul.u32 $0x2800, s26;
	s7 =	sadd.s32 $0x5C200, s7;
	[dreg:$0x3] =	wrdreg s20  }
0x14: {  	s8 =	sadd.s32 s8, s2;
	s15 =	smul.u32 $0xA000, s19;
	[dreg:$0x4] =	wrdreg s7  }
0x15: {  	s7 =	sadd.s32 s6, s2;
	s6 =	sshrl.u32 s22, $0x2;
	s20 =	sor.u32 $0x70, s26  }
0x16: {  	s21 =	sadd.s32 s21, s5;
	s22 =	smul.u32 $0x2800, s13;
	s26 =	simm.s32 $0x3  }
0x17: {  	s9 =	sadd.s32 s6, s2;
	s25 =	smul.u32 $0xA000, s20;
	s15 =	sshrl.u32 s15, $0x2  }
0x18: {  	s21 =	sshrl.u32 s21, $0x3;
	s20 =	smul.u32 $0x2800, s20;
	s13 =	sadd.s32 s15, s2  }
0x19: {  	s21 =	sadd.s32 s0, s21;
	s22 =	sadd.s32 s5, s22;
	s15 =	smul.u32 $0x2800, s17  }
0x1a: {  	s6 =	sshrl.u32 s25, $0x2;
	[dreg:$0x5] =	wrdreg s21;
	s25 =	smul.u32 $0x2800, s16  }
0x1b: {  	s21 =	sshrl.u32 s24, $0x3;
	s14 =	sadd.s32 s6, s2;
	s6 =	sshrl.u32 s22, $0x3  }
0x1c: {  	s16 =	sadd.s32 s0, s6;
	s6 =	smul.u32 $0x2800, s18;
	s24 =	sadd.s32 s5, s25  }
0x1d: {  	s25 =	sadd.s32 s5, s15;
	s15 =	smul.u32 $0x2800, s19;
	s18 =	sshrl.u32 s24, $0x3  }
0x1e: {  	s17 =	sadd.s32 s0, s21;
	s23 =	sshrl.u32 s25, $0x3;
	s18 =	sadd.s32 s0, s18  }
0x1f: {  	s19 =	sadd.s32 s0, s23;
	s6 =	sadd.s32 s5, s6;
	s24 =	sadd.s32 s5, s15  }
0x20: {  	s5 =	sadd.s32 s5, s20;
	s23 =	smax.u32 s1, $0x1;
	s1 =	simm.s32 $0x7700  }
0x21: {  	s6 =	sshrl.u32 s6, $0x3;
	s25 =	sshrl.u32 s24, $0x3;
	s5 =	sshrl.u32 s5, $0x3  }
0x22: {  	s24 =	simm.s32 $0x80;
	s20 =	sadd.s32 s0, s6;
	s21 =	sadd.s32 s0, s25  }
0x23: {  	v0 =	vimm.f32 $0.0e+00;
	s22 =	sadd.s32 s0, s5;
	s25 =	simm.s32 $0x400;
	s0 =	simm.s32 $0x2  }
.LBB2_1:
0x24: {  	s5 =	rddreg [dreg:$0x3]  }
0x25: {  	[tilespmem:s3], [sflag:$0x3] =	stream.strided.gather [hbm4b:s5+s24], $0x2780, s25, s24, $0x38;
	[tilespmem:$0x1D780] =	vst v63  }
0x26: {  	_ =	swait.ge [sflag:s26], $0x2780  }
0x27: {  	[sflag:s26] =	ssyncset.done $0x0  }
0x28: {  	s6 =	simm.s32 $0x2780;
	s15 =	rddreg [dreg:$0x4];
	[sflag:s26] =	ssyncadd.s32 $0xFFFFD880  }
0x29: {  	[tilespmem:s6], [sflag:$0x3] =	stream.strided.gather [hbm4b:s15+s24], $0x2780, s25, s24, $0x38;
	[tilespmem:$0x1D780] =	vst v63  }
0x2a: {  	_ =	swait.ge [sflag:s26], $0x2780  }
0x2b: {  	[sflag:s26] =	ssyncset.done $0x0  }
0x2c: {  	s5 =	simm.s32 $0x0;
	s6 =	simm.s32 $0x200;
	[sflag:s26] =	ssyncadd.s32 $0xFFFFD880  }
.LBB2_2:
0x2d: {  	p1 =	sne.s32 s6, $0x9E00;
	[tilespmem:s5+$0x4F70] =	vst v0  }
0x2e: {  	[tilespmem:s5+$0x4F00] =	vst v0  }
0x2f: {  	[tilespmem:s5+$0x4F10] =	vst v0  }
.Ltmp0:
0x30: {  	[tilespmem:s5+$0x4F20] =	vst v0;
	(pc) =	sbr.rel @p1 .LBB2_2-.Ltmp0, $4  }
0x31: {  	[tilespmem:s5+$0x4F30] =	vst v0  }
0x32: {  	[tilespmem:s5+$0x4F40] =	vst v0  }
0x33: {  	[tilespmem:s5+$0x4F50] =	vst v0  }
0x34: {  	[tilespmem:s5+$0x4F60] =	vst v0;
	s5 =	sshra.s32 s6, $0x2;
	s6 =	sadd.s32 $0x200, s6  }
0x35: {  	[tilespmem:s5+$0x4F70] =	vst v0  }
0x36: {  	[tilespmem:s5+$0x4F00] =	vst v0  }
0x37: {  	[tilespmem:s5+$0x4F10] =	vst v0  }
0x38: {  	[tilespmem:s5+$0x4F20] =	vst v0  }
0x39: {  	[tilespmem:s5+$0x4F30] =	vst v0  }
0x3a: {  	[tilespmem:s5+$0x4F40] =	vst v0  }
0x3b: {  	[tilespmem:s5+$0x4F50] =	vst v0  }
0x3c: {  	[tilespmem:s5+$0x4F60] =	vst v0  }
0x3d: {  	[spmem:s7] =	stream.linear.scatter [tilespmem:s29], [sflag:$0x3], $0x2800, $0x38;
	[tilespmem:$0x1D780] =	vst v63  }
0x3e: {  	_ =	swait.ge [sflag:s26], $0x2800  }
0x3f: {  	[sflag:s26] =	ssyncset.done $0x0  }
0x40: {  	[sflag:s26] =	ssyncadd.s32 $0xFFFFD800  }
0x41: {  	[spmem:s8] =	stream.linear.scatter [tilespmem:s29], [sflag:$0x3], $0x2800, $0x38;
	[tilespmem:$0x1D780] =	vst v63  }
0x42: {  	_ =	swait.ge [sflag:s26], $0x2800  }
0x43: {  	[sflag:s26] =	ssyncset.done $0x0  }
0x44: {  	[sflag:s26] =	ssyncadd.s32 $0xFFFFD800  }
0x45: {  	[spmem:s9] =	stream.linear.scatter [tilespmem:s29], [sflag:$0x3], $0x2800, $0x38;
	[tilespmem:$0x1D780] =	vst v63  }
0x46: {  	_ =	swait.ge [sflag:s26], $0x2800  }
0x47: {  	[sflag:s26] =	ssyncset.done $0x0  }
0x48: {  	[sflag:s26] =	ssyncadd.s32 $0xFFFFD800  }
0x49: {  	[spmem:s10] =	stream.linear.scatter [tilespmem:s29], [sflag:$0x3], $0x2800, $0x38;
	[tilespmem:$0x1D780] =	vst v63  }
0x4a: {  	_ =	swait.ge [sflag:s26], $0x2800  }
0x4b: {  	[sflag:s26] =	ssyncset.done $0x0  }
0x4c: {  	[sflag:s26] =	ssyncadd.s32 $0xFFFFD800  }
0x4d: {  	[spmem:s11] =	stream.linear.scatter [tilespmem:s29], [sflag:$0x3], $0x2800, $0x38;
	[tilespmem:$0x1D780] =	vst v63  }
0x4e: {  	_ =	swait.ge [sflag:s26], $0x2800  }
0x4f: {  	[sflag:s26] =	ssyncset.done $0x0  }
0x50: {  	[sflag:s26] =	ssyncadd.s32 $0xFFFFD800  }
0x51: {  	[spmem:s12] =	stream.linear.scatter [tilespmem:s29], [sflag:$0x3], $0x2800, $0x38;
	[tilespmem:$0x1D780] =	vst v63  }
0x52: {  	_ =	swait.ge [sflag:s26], $0x2800  }
0x53: {  	[sflag:s26] =	ssyncset.done $0x0  }
0x54: {  	[sflag:s26] =	ssyncadd.s32 $0xFFFFD800  }
0x55: {  	[spmem:s13] =	stream.linear.scatter [tilespmem:s29], [sflag:$0x3], $0x2800, $0x38;
	[tilespmem:$0x1D780] =	vst v63  }
0x56: {  	_ =	swait.ge [sflag:s26], $0x2800  }
0x57: {  	[sflag:s26] =	ssyncset.done $0x0  }
0x58: {  	s5 =	simm.s32 @!p0 $0x4F00;
	[sflag:s26] =	ssyncadd.s32 $0xFFFFD800  }
0x59: {  	[spmem:s14] =	stream.linear.scatter @!p0 [tilespmem:s5], [sflag:$0x3], $0x2800, $0x38;
	[tilespmem:$0x1D780] =	vst v63  }
0x5a: {  	s5 =	simm.s32 @!p0 $0x3  }
0x5b: {  	_ =	swait.ge @!p0 [sflag:s5], $0x2800  }
0x5c: {  	[sflag:s5] =	ssyncset.done @!p0 $0x0  }
0x5d: {  	[sflag:s5] =	ssyncadd.s32 @!p0 $0xFFFFD800  }
0x5e: {  	s15 =	simm.s32 $0x0;
	[bflag:$0x0] =	sbarrier.arrive $0xFFFF  }
0x5f: {  	[tilespmem:s29], [sflag:$0x1] =	stream.indirect.gather [hbm4b:s4+s30], $0x80, s15, s30, $0xb8;
	[tilespmem:$0x1D780] =	vst v63  }
0x60: {  	_ =	swait.ge [sflag:s31], $0x2800  }
0x61: {  	[sflag:s31] =	ssyncset.done $0x0  }
0x62: {  	s6 =	simm.s32 $0x50;
	[sflag:s31] =	ssyncadd.s32 $0xFFFFD800  }
0x63: {  	[tilespmem:s1], [sflag:$0x2] =	stream.indirect.gather [hbm4b:s4+s30], $0x80, s6, s30, $0xb8;
	[tilespmem:$0x1D780] =	vst v63  }
0x64: {  	s15 =	simm.s32 $0x2780  }
0x65: {  	[spmem:s2] =	stream.indirect.scatter.add.f32 [tilespmem:s29], [sflag:$0x3], $0x80, s15, s30, $0xb8;
	[tilespmem:$0x1D780] =	vst v63  }
0x66: {  	_ =	swait.ge [sflag:s26], $0x2800  }
0x67: {  	[sflag:s26] =	ssyncset.done $0x0  }
0x68: {  	[sflag:s26] =	ssyncadd.s32 $0xFFFFD800  }
0x69: {  	_ =	swait.ge [sflag:s0], $0x2800  }
0x6a: {  	[sflag:s0] =	ssyncset.done $0x0  }
0x6b: {  	s6 =	simm.s32 $0xA0;
	[sflag:s0] =	ssyncadd.s32 $0xFFFFD800  }
0x6c: {  	[tilespmem:s29], [sflag:$0x1] =	stream.indirect.gather [hbm4b:s4+s30], $0x80, s6, s30, $0xb8;
	[tilespmem:$0x1D780] =	vst v63  }
0x6d: {  	s15 =	simm.s32 $0x27D0  }
0x6e: {  	[spmem:s2] =	stream.indirect.scatter.add.f32 [tilespmem:s1], [sflag:$0x3], $0x80, s15, s30, $0xb8;
	[tilespmem:$0x1D780] =	vst v63  }
0x6f: {  	_ =	swait.ge [sflag:s26], $0x2800  }
0x70: {  	s5 =	simm.s32 $0x280;
	[sflag:s26] =	ssyncset.done $0x0  }
.LBB2_4:
0x71: {  	p1 =	sne.s32 s5, $0x9880  }
0x72: {  	[sflag:s26] =	ssyncadd.s32 $0xFFFFD800;
	s6 =	smov.u32 s5;
	s5 =	sadd.s32 $0x280, s5  }
0x73: {  	_ = 	snop  }
0x74: {  	_ =	swait.ge [sflag:s31], $0x2800  }
0x75: {  	s6 =	sshra.s32 s6, $0x2;
	[sflag:s31] =	ssyncset.done $0x0  }
0x76: {  	s15 =	sadd.s32 $0x50, s6;
	[sflag:s31] =	ssyncadd.s32 $0xFFFFD800  }
0x77: {  	[tilespmem:s1], [sflag:$0x2] =	stream.indirect.gather [hbm4b:s4+s30], $0x80, s15, s30, $0xb8;
	[tilespmem:$0x1D780] =	vst v63  }
0x78: {  	s15 =	sadd.s32 $0x2780, s6  }
0x79: {  	[spmem:s2] =	stream.indirect.scatter.add.f32 [tilespmem:s29], [sflag:$0x3], $0x80, s15, s30, $0xb8;
	[tilespmem:$0x1D780] =	vst v63  }
0x7a: {  	_ =	swait.ge [sflag:s26], $0x2800  }
0x7b: {  	[sflag:s26] =	ssyncset.done $0x0  }
0x7c: {  	[sflag:s26] =	ssyncadd.s32 $0xFFFFD800  }
0x7d: {  	_ =	swait.ge [sflag:s0], $0x2800  }
0x7e: {  	[sflag:s0] =	ssyncset.done $0x0  }
0x7f: {  	s15 =	sadd.s32 $0xA0, s6;
	[sflag:s0] =	ssyncadd.s32 $0xFFFFD800  }
0x80: {  	[tilespmem:s29], [sflag:$0x1] =	stream.indirect.gather [hbm4b:s4+s30], $0x80, s15, s30, $0xb8;
	[tilespmem:$0x1D780] =	vst v63  }
.Ltmp1:
0x81: {  	_ = 	snop;
	(pc) =	sbr.rel @p1 .LBB2_4-.Ltmp1, $4  }
0x82: {  	s6 =	sadd.s32 $0x27D0, s6  }
0x83: {  	[spmem:s2] =	stream.indirect.scatter.add.f32 [tilespmem:s1], [sflag:$0x3], $0x80, s6, s30, $0xb8;
	[tilespmem:$0x1D780] =	vst v63  }
0x84: {  	_ =	swait.ge [sflag:s26], $0x2800  }
0x85: {  	[sflag:s26] =	ssyncset.done $0x0  }
0x86: {  	[sflag:s26] =	ssyncadd.s32 $0xFFFFD800  }
0x87: {  	_ =	swait.ge [sflag:s31], $0x2800  }
0x88: {  	[sflag:s31] =	ssyncset.done $0x0  }
0x89: {  	s5 =	simm.s32 $0x4E40;
	[sflag:s31] =	ssyncadd.s32 $0xFFFFD800  }
0x8a: {  	[spmem:s2] =	stream.indirect.scatter.add.f32 [tilespmem:s29], [sflag:$0x3], $0x80, s5, s30, $0xb8;
	[tilespmem:$0x1D780] =	vst v63  }
0x8b: {  	_ =	swait.ge [sflag:s26], $0x2800  }
0x8c: {  	[sflag:s26] =	ssyncset.done $0x0  }
0x8d: {  	[sflag:s26] =	ssyncadd.s32 $0xFFFFD800  }
0x8e: {  	[bflag:$0x0] =	sbarrier.arrive $0xFFFF  }
0x8f: {  	[tilespmem:s29], [sflag:$0x3] =	stream.linear.gather [spmem:s7], $0x2800, $0x38;
	[tilespmem:$0x1D780] =	vst v63  }
0x90: {  	_ =	swait.ge [sflag:s26], $0x2800  }
0x91: {  	[sflag:s26] =	ssyncset.done $0x0  }
0x92: {  	s15 =	rddreg [dreg:$0x5];
	[sflag:s26] =	ssyncadd.s32 $0xFFFFD800  }
0x93: {  	[hbm4b:s15+s3] =	stream.linear.scatter [tilespmem:s29], [sflag:$0x3], $0x2800, $0x38;
	[tilespmem:$0x1D780] =	vst v63  }
0x94: {  	_ =	swait.ge [sflag:s26], $0x2800  }
0x95: {  	[sflag:s26] =	ssyncset.done $0x0  }
0x96: {  	[sflag:s26] =	ssyncadd.s32 $0xFFFFD800  }
0x97: {  	[tilespmem:s29], [sflag:$0x3] =	stream.linear.gather [spmem:s8], $0x2800, $0x38;
	[tilespmem:$0x1D780] =	vst v63  }
0x98: {  	_ =	swait.ge [sflag:s26], $0x2800  }
0x99: {  	[sflag:s26] =	ssyncset.done $0x0  }
0x9a: {  	[sflag:s26] =	ssyncadd.s32 $0xFFFFD800  }
0x9b: {  	[hbm4b:s16+s3] =	stream.linear.scatter [tilespmem:s29], [sflag:$0x3], $0x2800, $0x38;
	[tilespmem:$0x1D780] =	vst v63  }
0x9c: {  	_ =	swait.ge [sflag:s26], $0x2800  }
0x9d: {  	[sflag:s26] =	ssyncset.done $0x0  }
0x9e: {  	[sflag:s26] =	ssyncadd.s32 $0xFFFFD800  }
0x9f: {  	[tilespmem:s29], [sflag:$0x3] =	stream.linear.gather [spmem:s9], $0x2800, $0x38;
	[tilespmem:$0x1D780] =	vst v63  }
0xa0: {  	_ =	swait.ge [sflag:s26], $0x2800  }
0xa1: {  	[sflag:s26] =	ssyncset.done $0x0  }
0xa2: {  	[sflag:s26] =	ssyncadd.s32 $0xFFFFD800  }
0xa3: {  	[hbm4b:s17+s3] =	stream.linear.scatter [tilespmem:s29], [sflag:$0x3], $0x2800, $0x38;
	[tilespmem:$0x1D780] =	vst v63  }
0xa4: {  	_ =	swait.ge [sflag:s26], $0x2800  }
0xa5: {  	[sflag:s26] =	ssyncset.done $0x0  }
0xa6: {  	[sflag:s26] =	ssyncadd.s32 $0xFFFFD800  }
0xa7: {  	[tilespmem:s29], [sflag:$0x3] =	stream.linear.gather [spmem:s10], $0x2800, $0x38;
	[tilespmem:$0x1D780] =	vst v63  }
0xa8: {  	_ =	swait.ge [sflag:s26], $0x2800  }
0xa9: {  	[sflag:s26] =	ssyncset.done $0x0  }
0xaa: {  	[sflag:s26] =	ssyncadd.s32 $0xFFFFD800  }
0xab: {  	[hbm4b:s18+s3] =	stream.linear.scatter [tilespmem:s29], [sflag:$0x3], $0x2800, $0x38;
	[tilespmem:$0x1D780] =	vst v63  }
0xac: {  	_ =	swait.ge [sflag:s26], $0x2800  }
0xad: {  	[sflag:s26] =	ssyncset.done $0x0  }
0xae: {  	[sflag:s26] =	ssyncadd.s32 $0xFFFFD800  }
0xaf: {  	[tilespmem:s29], [sflag:$0x3] =	stream.linear.gather [spmem:s11], $0x2800, $0x38;
	[tilespmem:$0x1D780] =	vst v63  }
0xb0: {  	_ =	swait.ge [sflag:s26], $0x2800  }
0xb1: {  	[sflag:s26] =	ssyncset.done $0x0  }
0xb2: {  	[sflag:s26] =	ssyncadd.s32 $0xFFFFD800  }
0xb3: {  	[hbm4b:s19+s3] =	stream.linear.scatter [tilespmem:s29], [sflag:$0x3], $0x2800, $0x38;
	[tilespmem:$0x1D780] =	vst v63  }
0xb4: {  	_ =	swait.ge [sflag:s26], $0x2800  }
0xb5: {  	[sflag:s26] =	ssyncset.done $0x0  }
0xb6: {  	[sflag:s26] =	ssyncadd.s32 $0xFFFFD800  }
0xb7: {  	[tilespmem:s29], [sflag:$0x3] =	stream.linear.gather [spmem:s12], $0x2800, $0x38;
	[tilespmem:$0x1D780] =	vst v63  }
0xb8: {  	_ =	swait.ge [sflag:s26], $0x2800  }
0xb9: {  	[sflag:s26] =	ssyncset.done $0x0  }
0xba: {  	[sflag:s26] =	ssyncadd.s32 $0xFFFFD800  }
0xbb: {  	[hbm4b:s20+s3] =	stream.linear.scatter [tilespmem:s29], [sflag:$0x3], $0x2800, $0x38;
	[tilespmem:$0x1D780] =	vst v63  }
0xbc: {  	_ =	swait.ge [sflag:s26], $0x2800  }
0xbd: {  	[sflag:s26] =	ssyncset.done $0x0  }
0xbe: {  	[sflag:s26] =	ssyncadd.s32 $0xFFFFD800  }
0xbf: {  	[tilespmem:s29], [sflag:$0x3] =	stream.linear.gather [spmem:s13], $0x2800, $0x38;
	[tilespmem:$0x1D780] =	vst v63  }
0xc0: {  	_ =	swait.ge [sflag:s26], $0x2800  }
0xc1: {  	[sflag:s26] =	ssyncset.done $0x0  }
0xc2: {  	[sflag:s26] =	ssyncadd.s32 $0xFFFFD800  }
0xc3: {  	[hbm4b:s21+s3] =	stream.linear.scatter [tilespmem:s29], [sflag:$0x3], $0x2800, $0x38;
	[tilespmem:$0x1D780] =	vst v63  }
0xc4: {  	_ =	swait.ge [sflag:s26], $0x2800  }
0xc5: {  	[sflag:s26] =	ssyncset.done $0x0  }
0xc6: {  	s6 =	simm.s32 @!p0 $0x3;
	s5 =	simm.s32 @!p0 $0x4F00;
	[sflag:s26] =	ssyncadd.s32 $0xFFFFD800  }
0xc7: {  	[tilespmem:s5], [sflag:$0x3] =	stream.linear.gather @!p0 [spmem:s14], $0x2800, $0x38;
	[tilespmem:$0x1D780] =	vst v63  }
0xc8: {  	s28 =	sadd.s32 $0x1, s28;
	_ =	swait.ge @!p0 [sflag:s6], $0x2800  }
0xc9: {  	p1 =	sne.s32 s28, s23;
	[sflag:s6] =	ssyncset.done @!p0 $0x0  }
.Ltmp2:
0xca: {  	s15 =	simm.s32 @!p0 $0x0;
	[sflag:s6] =	ssyncadd.s32 @!p0 $0xFFFFD800;
	(pc) =	sbr.rel @p1 .LBB2_1-.Ltmp2, $4  }
0xcb: {  	[hbm4b:s22+s15] =	stream.linear.scatter @!p0 [tilespmem:s5], [sflag:$0x3], $0x2800, $0x38;
	[tilespmem:$0x1D780] =	vst v63  }
0xcc: {  	_ =	swait.ge @!p0 [sflag:s6], $0x2800  }
0xcd: {  	[sflag:s6] =	ssyncset.done @!p0 $0x0  }
0xce: {  	[sflag:s6] =	ssyncadd.s32 @!p0 $0xFFFFD800  }
0xcf: {  	_ =	sfence.sel $0x180000  }
0xd0: {  	[bflag:$0x0] =	sbarrier.arrive $0xFFFF  }
0xd1: {  	_ =	strace $0x9000004A  }
0xd2: {  	s0 =	stileid.u32;
	[bflag:$0x2] =	sbarrier.arrive $0xFFFF  }
0xd3: {  	p0 =	sne.s32 s0, $0x0;
	s0 =	rddreg [dreg:$0x2]  }
0xd4: {  	s0 =	sadd.s32 @!p0 $0x100000, s0  }
0xd5: {  	[sflag:s0] =	ssyncadd.tile.s32 @!p0 $0x1;
	_ =	shalt  }
.Lfunc_end2:
_tile_overlayer_lowered:
.L_overlay_start_2:
0xd6: {  	(tag) =	ssettag $0x2  }
0xd7: {  	s0 =	rddreg [dreg:$0x0];
	s2 =	stileid.u32  }
0xd8: {  	s1 =	rddreg [dreg:$0x1];
	p0 =	sne.s32 s2, $0x0  }
0xd9: {  	s3 =	rddreg [dreg:$0x2];
	[bflag:$0x3] =	sbarrier.arrive $0xFFFF;
	s2 =	simm.s32 @!p0 $0x1C03  }
0xda: {  	[timem:s3], [sflag:s2] =	dma.local @!p0 [hbm:s0], s1  }
0xdb: {  	s0 =	simm.s32 @!p0 $0x3  }
0xdc: {  	_ =	swait.ge @!p0 [sflag:s0], s1  }
0xdd: {  	s1 =	ssub.s32 @!p0 $0x0, s1;
	[sflag:s0] =	ssyncset.done @!p0 $0x0  }
0xde: {  	[sflag:s0] =	ssyncadd.s32 @!p0 s1  }
0xdf: {  	[bflag:$0x3] =	sbarrier.arrive $0xFFFF  }
0xe0: {  	_ =	shalt  }

// kernel: kernel.5.cloned.1.call-start
scs
__scs_entry_jumppad:
0x0: {  	(pc) =	sbr.rel $0x88, $3  }
0x1: {  	(tag) =	ssettag $0x0;
	lr =	simm.s32 $0x1  }
0x2: {  	[smem:$0x3F9B] =	sst lr;
	_ =	strace $0xD0000000  }
0x3: {  	_ = 	snop  }
0x4: {  	_ = 	snop  }
0x5: {  	_ = 	snop  }
0x6: {  	_ = 	snop  }
0x7: {  	_ = 	snop  }
__scs_overlays_trampoline_lowered:
0x8: {  	[smem:$0x3FAA] =	sst s0  }
0x9: {  	[smem:$0x3FAB] =	sst s1  }
0xa: {  	[smem:$0x3FAC] =	sst s2  }
0xb: {  	[smem:$0x3FAD] =	sst s3  }
0xc: {  	[smem:$0x3FAE] =	sst s4  }
0xd: {  	[smem:$0x3FAF] =	sst s5  }
0xe: {  	[smem:$0x3FB0] =	sst s6  }
0xf: {  	[smem:$0x3FB1] =	sst s7  }
0x10: {  	[smem:$0x3FB2] =	sst s8  }
0x11: {  	[smem:$0x3FB3] =	sst s9;
	s0 =	simm.s32 @!p0 $0x0  }
0x12: {  	s1 =	sld [smem:$0x3F99];
	s0 =	simm.s32 @p0 $0x1  }
0x13: {  	[smem:$0x3FB4] =	sst s0;
	s0 =	simm.s32 @!p1 $0x0  }
0x14: {  	s2 =	sld [smem:$0x3F98];
	s0 =	simm.s32 @p1 $0x1  }
0x15: {  	[smem:$0x3FB5] =	sst s0;
	s0 =	simm.s32 @!p2 $0x0  }
0x16: {  	s3 =	sld [smem:$0x3FDB];
	s0 =	simm.s32 @p2 $0x1  }
0x17: {  	s4 =	simm.s32 $0x1BF5;
	[smem:$0x3FB7] =	sst s0  }
0x18: {  	s0 =	sld [smem:$0x3F9A];
	_ =	swait.ge [sflag:s4], $0x0  }
0x19: {  	s7 =	sld [smem:$0x3F9B]  }
0x1a: {  	s8 =	sadd.s32 $0xFFFFE003, lr  }
0x1b: {  	s9 =	sadd.s32 $0xFFFFFEF7, lr;
	s5 =	simm.s32 $0xFFFFFFFF;
	p2 =	slt.u32 s8, $0xFFFFF086  }
0x1c: {  	p1 =	slt.u32 s9, $0xF7A;
	s5 =	simm.s32 @!p2 $0x0  }
0x1d: {  	s5 =	simm.s32 @p1 $0x1;
	p0 =	seq.s32 s7, s2  }
0x1e: {  	s7 =	smul.u32 @!p0 $0xF7A, s2;
	p2 =	seq.s32 @!p0 s5, $0x0  }
0x1f: {  	s9 =	smul.u32 $0xF7A, s1;
	s8 =	simm.s32 @!p0 $0x1BF5;
	p2 =	por !p2, p0  }
0x20: {  	[sflag:s8] =	ssyncset.s32 @!p0 $0xFFFFF086;
	s6 =	sadd.s32 @!p0 s3, s7;
	s7 =	simm.s32 @!p0 $0x108  }
0x21: {  	s3 =	sadd.s32 s3, s9;
	s6 =	sadd.s32 @!p0 $0x88, s6;
	s7 =	simm.s32 @p2 $0x1082  }
0x22: {  	[simem:s7], [sflag:s8] =	dma.local @!p0 [hbm:s6], $0xF7A  }
0x23: {  	s9 =	sor.u32 $0xD0000000, s2;
	s6 =	simm.s32 $0x108;
	_ =	swait.ge @!p0 [sflag:s8], $0x0  }
0x24: {  	s3 =	sadd.s32 $0x88, s3;
	s6 =	simm.s32 @!p1 $0x1082;
	[sflag:s4] =	ssyncset.s32 $0xFFFFF086  }
0x25: {  	[simem:s6], [sflag:s4] =	dma.local [hbm:s3], $0xF7A  }
0x26: {  	[smem:$0x3F9B] =	sst s1;
	(tag) =	ssettag s2;
	_ =	strace s9  }
0x27: {  	s1 =	sld [smem:$0x3FAB]  }
0x28: {  	s2 =	sld [smem:$0x3FAC]  }
0x29: {  	s4 =	sld [smem:$0x3FAE]  }
0x2a: {  	p0 =	seq.s32 s5, $0x0;
	s5 =	sld [smem:$0x3FAF]  }
0x2b: {  	s6 =	sld [smem:$0x3FB0]  }
0x2c: {  	s7 =	sld [smem:$0x3FB1]  }
0x2d: {  	s3 =	simm.s32 $0x108;
	s8 =	sld [smem:$0x3FB2]  }
0x2e: {  	s3 =	simm.s32 @!p0 $0x1082;
	s9 =	sld [smem:$0x3FB3]  }
0x2f: {  	lr =	sadd.s32 s0, s3;
	s0 =	sld [smem:$0x3FAA]  }
0x30: {  	s3 =	sld [smem:$0x3FAD]  }
0x31: {  	[smem:$0x3FB6] =	sst s10  }
0x32: {  	s10 =	sld [smem:$0x3FB4];
	_ =	sdelay $0x3  }
0x33: {  	p0 =	seq.s32 s10, $0x1;
	s10 =	sld [smem:$0x3FB6];
	_ =	sdelay $0x3  }
0x34: {  	[smem:$0x3FB6] =	sst s10  }
0x35: {  	s10 =	sld [smem:$0x3FB5];
	_ =	sdelay $0x3  }
0x36: {  	p1 =	seq.s32 s10, $0x1;
	s10 =	sld [smem:$0x3FB6];
	_ =	sdelay $0x3  }
0x37: {  	[smem:$0x3FB6] =	sst s10  }
0x38: {  	s10 =	sld [smem:$0x3FB7]  }
0x39: {  	_ = 	snop;
	(pc) =	sbr.ind lr, $3  }
0x3a: {  	_ = 	snop  }
0x3b: {  	_ = 	snop  }
0x3c: {  	p2 =	seq.s32 s10, $0x1;
	s10 =	sld [smem:$0x3FB6]  }
0x3d: {  	_ =	shalt  }
0x3e: {  	_ =	shalt  }
0x3f: {  	_ =	shalt  }
0x40: {  	_ =	shalt  }
0x41: {  	_ =	shalt  }
0x42: {  	_ =	shalt  }
0x43: {  	_ =	shalt  }
0x44: {  	_ =	shalt  }
0x45: {  	_ =	shalt  }
0x46: {  	_ =	shalt  }
0x47: {  	_ =	shalt  }
0x48: {  	_ =	shalt  }
0x49: {  	_ =	shalt  }
0x4a: {  	_ =	shalt  }
0x4b: {  	_ =	shalt  }
0x4c: {  	_ =	shalt  }
0x4d: {  	_ =	shalt  }
0x4e: {  	_ =	shalt  }
0x4f: {  	_ =	shalt  }
0x50: {  	_ =	shalt  }
0x51: {  	_ =	shalt  }
0x52: {  	_ =	shalt  }
0x53: {  	_ =	shalt  }
0x54: {  	_ =	shalt  }
0x55: {  	_ =	shalt  }
0x56: {  	_ =	shalt  }
0x57: {  	_ =	shalt  }
0x58: {  	_ =	shalt  }
0x59: {  	_ =	shalt  }
0x5a: {  	_ =	shalt  }
0x5b: {  	_ =	shalt  }
0x5c: {  	_ =	shalt  }
0x5d: {  	_ =	shalt  }
0x5e: {  	_ =	shalt  }
0x5f: {  	_ =	shalt  }
0x60: {  	_ =	shalt  }
0x61: {  	_ =	shalt  }
0x62: {  	_ =	shalt  }
0x63: {  	_ =	shalt  }
0x64: {  	_ =	shalt  }
0x65: {  	_ =	shalt  }
0x66: {  	_ =	shalt  }
0x67: {  	_ =	shalt  }
0x68: {  	_ =	shalt  }
0x69: {  	_ =	shalt  }
0x6a: {  	_ =	shalt  }
0x6b: {  	_ =	shalt  }
0x6c: {  	_ =	shalt  }
0x6d: {  	_ =	shalt  }
0x6e: {  	_ =	shalt  }
0x6f: {  	_ =	shalt  }
0x70: {  	_ =	shalt  }
0x71: {  	_ =	shalt  }
0x72: {  	_ =	shalt  }
0x73: {  	_ =	shalt  }
0x74: {  	_ =	shalt  }
0x75: {  	_ =	shalt  }
0x76: {  	_ =	shalt  }
0x77: {  	_ =	shalt  }
0x78: {  	_ =	shalt  }
0x79: {  	_ =	shalt  }
0x7a: {  	_ =	shalt  }
0x7b: {  	_ =	shalt  }
0x7c: {  	_ =	shalt  }
0x7d: {  	_ =	shalt  }
0x7e: {  	_ =	shalt  }
0x7f: {  	_ =	shalt  }
0x80: {  	_ =	shalt  }
0x81: {  	_ =	shalt  }
0x82: {  	_ =	shalt  }
0x83: {  	_ =	shalt  }
0x84: {  	_ =	shalt  }
0x85: {  	_ =	shalt  }
0x86: {  	_ =	shalt  }
0x87: {  	_ =	shalt  }
.Lfunc_end0:
.L_simem_size_0:
called_computation.1_lowered:
.L_overlay_start_0:
0x88: {  	s2 =	sld [smem:$0x3FD9]  }
0x89: {  	s3 =	sld [smem:$0x3FFE];
	_ =	sdelay $0x1  }
0x8a: {  	s1 =	srdreg.scid  }
0x8b: {  	s0 =	sand.u32 $0x1, s1  }
0x8c: {  	s17 =	sshll.u32 s0, $0xA;
	s2 =	sadd.s32 s3, s2  }
0x8d: {  	s2 =	sadd.s32 s2, s17  }
0x8e: {  	[smem:$0x3FC2] =	sst s2  }
0x8f: {  	_ = 	snop  }
0x90: {  	s2 =	sld [smem:$0x3FD0];
	(tm) =	ssettm $0x1  }
0x91: {  	s18 =	sld [smem:$0x3FFB];
	_ =	sdelay $0x3  }
0x92: {  	_ =	strace s18  }
0x93: {  	s3 =	sld [smem:$0x3FFC];
	_ =	sdelay $0x3  }
0x94: {  	_ =	strace s3  }
0x95: {  	s3 =	sld [smem:$0x3FFD];
	_ =	sdelay $0x3  }
0x96: {  	_ =	strace s3  }
0x97: {  	_ =	strace $0x8FFFFFFF  }
0x98: {  	s19 =	sld [smem:$0x3FDB];
	_ =	sdelay $0x1  }
0x99: {  	s4 =	simm.s32 $_scs_section_size  }
0x9a: {  	s5 =	simm.s32 $_size__tile_overlayer_lowered;
	s6 =	simm.s32 $_tile_overlayer_lowered  }
0x9b: {  	s22 =	simm.s32 $0x1BFF;
	s21 =	sshll.u32 s6, $0x1;
	s3 =	sadd.s32 s4, s19  }
0x9c: {  	s7 =	simm.s32 $0x0;
	s20 =	sshll.u32 s5, $0x1;
	s5 =	sadd.s32 s21, s3  }
0x9d: {  	[timem:s7], [sflag:s22] =	dma.local [hbm:s5], s20  }
0x9e: {  	_ =	swait.ge [sflag:s22], s20  }
0x9f: {  	s4 =	ssub.s32 $0x0, s20;
	[sflag:s22] =	ssyncset.done $0x0  }
0xa0: {  	[sflag:s22] =	ssyncadd.s32 s4;
	_ =	sdelay $0x1  }
0xa1: {  	s23 =	simm.s32 $0x1B8B  }
0xa2: {  	_ =	swait.ge [sflag:s23], $0x1  }
0xa3: {  	[sflag:s23] =	ssyncset.done $0x0  }
0xa4: {  	s25 =	simm.s32 $0x1B8E;
	s24 =	sld [smem:$0x3FFE];
	[sflag:s23] =	ssyncadd.s32 $0xFFFFFFFF  }
0xa5: {  	s26 =	simm.s32 $execute0_lowered;
	[smem:$0x3FD2] =	sst s25  }
0xa6: {  	s5 =	sshll.u32 s26, $0x1;
	_ =	strace $0x80000046;
	[dreg:$0x1] =	wrdreg $0xFFFFFFFF  }
0xa7: {  	s28 =	simm.s32 $_size_execute0_lowered;
	s3 =	sadd.s32 s3, s5;
	[dreg:$0x0] =	wrdreg $0x0  }
0xa8: {  	s5 =	sshll.u32 s28, $0x1;
	[dreg:$0x2] =	wrdreg s3  }
0xa9: {  	[dreg:$0x3] =	wrdreg s5  }
0xaa: {  	[dreg:$0x4] =	wrdreg $0xC0  }
0xab: {  	_ =	task [dreg:s7], $0x5FFFF  }
0xac: {  	[dreg:$0x1] =	wrdreg $0xFFFFFFFF  }
0xad: {  	[dreg:$0x0] =	wrdreg $0x60  }
0xae: {  	[dreg:$0x2] =	wrdreg s2  }
0xaf: {  	[dreg:$0x3] =	wrdreg s24  }
0xb0: {  	[dreg:$0x4] =	wrdreg $0x7B800  }
0xb1: {  	[dreg:$0x5] =	wrdreg $0x9  }
0xb2: {  	_ =	task.clear_ibuf [dreg:s7], $0x6FFFF;
	_ =	strace $0x90000046  }
0xb3: {  	s29 =	simm.s32 $0x9;
	_ =	strace $0x80000048  }
0xb4: {  	_ =	swait.ge [sflag:s29], $0x1  }
0xb5: {  	[sflag:s29] =	ssyncadd.s32 $0xFFFFFFFF  }
0xb6: {  	_ =	strace $0x90000048  }
0xb7: {  	_ =	sfence  }
0xb8: {  	s30 =	sld [smem:$0x0];
	_ =	sdelay $0x2  }
0xb9: {  	s31 =	sshll.u32 s1, $0xD;
	s1 =	sshrl.u32 s1, $0x2  }
0xba: {  	s3 =	sand.u32 $0x4000, s31;
	s1 =	sadd.s32 s1, s30  }
0xbb: {  	s0 =	sor.u32 s3, s0;
	s1 =	sshll.u32 s1, $0x11  }
0xbc: {  	s0 =	sor.u32 s1, s0  }
0xbd: {  	s0 =	sadd.s32 $0x8F2B, s0  }
0xbe: {  	[sflag:s0] =	ssyncadd.remote.s32 $0x1  }
0xbf: {  	_ =	sfence.sel $0xFFFF  }
0xc0: {  	[dreg:$0x0] =	wrdreg $0xFFFFFFFF;
	(pc) =	sbr.abs _section_cstart, $3  }
0xc1: {  	[dreg:$0x1] =	wrdreg $0xFFFFFFFF  }
0xc2: {  	_ =	task.clear_ibuf [dreg:s7], $0x2FFFF;
	_ =	strace $0x9FFFFFFF  }
0xc3: {  	(tm) =	ssettm $0x7FFFFFFF  }
tec
execute0_lowered:
.L_overlay_start_1:
0x0: {  	(tag) =	ssettag $0x1  }
0x1: {  	s0 =	rddreg [dreg:$0x0]  }
0x2: {  	s1 =	rddreg [dreg:$0x1]  }
0x3: {  	s3 =	rddreg [dreg:$0x2];
	s2 =	srdreg.scid;
	s6 =	simm.s32 $0x0  }
0x4: {  	s20 =	stileid.u32;
	s28 =	simm.s32 $0x7680;
	s29 =	simm.s32 $0x7900  }
0x5: {  	s30 =	simm.s32 $0x100;
	s31 =	simm.s32 $0x0;
	s4 =	sand.u32 $0x1, s2  }
0x6: {  	[smem:$0x7FF] =	sst s6;
	s21 =	smul.u32 $0x500, s20;
	s22 =	sshrl.u32 s20, $0x3  }
0x7: {  	s9 =	sshll.u32 s20, $0x7;
	s10 =	smul.u32 $0x5000, s20;
	s5 =	sshll.u32 s4, $0x4  }
0x8: {  	_ =	strace $0x80000047;
	s7 =	sshll.u32 s4, $0x7;
	s4 =	ssub.s32 $0x2, s4  }
0x9: {  	s23 =	sand.u32 $0x380, s9;
	s5 =	sor.u32 s20, s5;
	s6 =	sor.u32 s7, s21  }
0xa: {  	s7 =	smul.u32 $0x50000, s22;
	s8 =	sshrl.u32 s4, $0x1;
	s5 =	sshrl.u32 s5, $0x3  }
0xb: {  	s26 =	sshrl.u32 s10, $0x2;
	s6 =	sshrl.u32 s6, $0x3;
	s5 =	smul.u32 $0x27400, s5  }
0xc: {  	s22 =	ssub.s32 s4, s8;
	s1 =	sadd.s32 s6, s1;
	s25 =	sshrl.u32 s7, $0x2  }
0xd: {  	s22 =	smax.u32 s22, $0x1;
	s21 =	sadd.s32 $0x2400, s1;
	s24 =	sor.u32 s23, s5  }
0xe: {  	s5 =	sadd.s32 s25, s3;
	s3 =	sadd.s32 s26, s3;
	s25 =	simm.s32 $0x1  }
0xf: {  	s26 =	simm.s32 $0x4E80;
	s4 =	sshrl.u32 s24, $0x3;
	s5 =	sadd.s32 s23, s5  }
0x10: {  	s6 =	sadd.s32 $0x80, s3;
	s7 =	sadd.s32 $0x100, s3;
	s8 =	sadd.s32 $0x180, s3  }
0x11: {  	s9 =	sadd.s32 $0x200, s3;
	s10 =	sadd.s32 $0x280, s3;
	s11 =	sadd.s32 $0x300, s3  }
0x12: {  	s12 =	sadd.s32 $0x380, s3;
	s13 =	sadd.s32 $0x14000, s3;
	s14 =	sadd.s32 $0x14080, s3  }
0x13: {  	s15 =	sadd.s32 $0x14100, s3;
	s16 =	sadd.s32 $0x14180, s3;
	s17 =	sadd.s32 $0x14200, s3  }
0x14: {  	s18 =	sadd.s32 $0x14280, s3;
	s19 =	sadd.s32 $0x14300, s3;
	s20 =	sadd.s32 $0x14380, s3  }
0x15: {  	v0 =	vimm.f32 $0.0e+00;
	v1 =	vimm.f32 $1.000000000e+00;
	s23 =	simm.s32 $0x80;
	s24 =	simm.s32 $0x400;
	s4 =	sadd.s32 s0, s4  }
.LBB2_1:
0x16: {  	s0 =	simm.s32 $0x0  }
0x17: {  	[tilespmem:s0], [sflag:$0x1] =	stream.strided.gather [hbm4b:s4+s23], $0x4E80, s24, s23, $0x38;
	[tilespmem:$0xA380] =	vst v63  }
0x18: {  	_ =	swait.ge [sflag:s25], $0x4E80  }
0x19: {  	[sflag:s25] =	ssyncset.done $0x0  }
0x1a: {  	s0 =	simm.s32 $0x0;
	[sflag:s25] =	ssyncadd.s32 $0xFFFFB180  }
.LBB2_2:
0x1b: {  	p0 =	sne.s32 s0, $0x9FC0  }
.Ltmp0:
0x1c: {  	_ = 	snop;
	(pc) =	sbr.rel @p0 .LBB2_2-.Ltmp0, $3  }
0x1d: {  	_ =	sdelay $0x1  }
0x1e: {  	s1 =	sshra.s32 s0, $0x2  }
0x1f: {  	s0 =	sadd.s32 $0x40, s0;
	[tilespmem:s1+$0x4E80] =	vst v0  }
0x20: {  	s1 =	simm.s32 $0x0;
	s0 =	simm.s32 $0x40  }
.LBB2_4:
0x21: {  	p0 =	sne.s32 s0, $0x13840;
	v2 =	vld [tilespmem:s1+$0x0];
	_ =	sdelay $0x3  }
.Ltmp1:
0x22: {  	(pc) =	sbr.rel @p0 .LBB2_4-.Ltmp1, $2  }
0x23: {  	_ =	sdelay $0x2  }
0x24: {  	s1 =	sshra.s32 s0, $0x2;
	s0 =	sadd.s32 $0x40, s0;
	[tilespmem:v2+s26+$0x0] =	vst.idx.add.f32.msk $0xffff, v1  }
0x25: {  	v2 =	vld [tilespmem:s1+$0x0];
	_ =	sdelay $0x7  }
0x26: {  	[tilespmem:v2+s26+$0x0] =	vst.idx.add.f32.msk $0xffff, v1  }
0x27: {  	[spmem:s5] =	stream.strided.scatter [tilespmem:s26], [sflag:$0x1], $0x2800, s24, s23, $0x38;
	[tilespmem:$0xA380] =	vst v63  }
0x28: {  	_ =	swait.ge [sflag:s25], $0x2800  }
0x29: {  	[sflag:s25] =	ssyncset.done $0x0  }
0x2a: {  	[sflag:s25] =	ssyncadd.s32 $0xFFFFD800  }
0x2b: {  	[bflag:$0x0] =	sbarrier.arrive $0xFFFF  }
0x2c: {  	[tilespmem:s28], [sflag:$0x1] =	stream.strided.gather [spmem:s3], $0x280, s24, s23, $0x38;
	[tilespmem:$0xA380] =	vst v63  }
0x2d: {  	_ =	swait.ge [sflag:s25], $0x280  }
0x2e: {  	[sflag:s25] =	ssyncset.done $0x0  }
0x2f: {  	[sflag:s25] =	ssyncadd.s32 $0xFFFFFD80  }
0x30: {  	[tilespmem:s29], [sflag:$0x1] =	stream.strided.gather [spmem:s6], $0x280, s24, s23, $0x38;
	[tilespmem:$0xA380] =	vst v63  }
0x31: {  	_ =	swait.ge [sflag:s25], $0x280  }
0x32: {  	[sflag:s25] =	ssyncset.done $0x0  }
0x33: {  	s0 =	simm.s32 $0x0;
	[sflag:s25] =	ssyncadd.s32 $0xFFFFFD80  }
0x34: {  	s1 =	simm.s32 $0x40;
	v2 =	vld [tilespmem:s0+$0x7900]  }
.LBB2_6:
0x35: {  	p0 =	sne.s32 s1, $0x9C0;
	v3 =	vld [tilespmem:s0+$0x7680];
	_ =	sdelay $0x2  }
.Ltmp2:
0x36: {  	(pc) =	sbr.rel @p0 .LBB2_6-.Ltmp2, $4  }
0x37: {  	_ = 	snop  }
0x38: {  	v3 =	vadd.f32 v2, v3  }
0x39: {  	s2 =	sshra.s32 s1, $0x2  }
0x3a: {  	s1 =	sadd.s32 $0x40, s1;
	v2 =	vld [tilespmem:s2+$0x7900];
	[tilespmem:s0+$0x7680] =	vst v3;
	s0 =	smov.u32 s2  }
0x3b: {  	v3 =	vld [tilespmem:s0+$0x7680];
	_ =	sdelay $0x4  }
0x3c: {  	v2 =	vadd.f32 v2, v3;
	_ =	sdelay $0x1  }
0x3d: {  	[tilespmem:s0+$0x7680] =	vst v2  }
0x3e: {  	[tilespmem:s29], [sflag:$0x1] =	stream.strided.gather [spmem:s7], $0x280, s24, s23, $0x38;
	[tilespmem:$0xA380] =	vst v63  }
0x3f: {  	_ =	swait.ge [sflag:s25], $0x280  }
0x40: {  	[sflag:s25] =	ssyncset.done $0x0  }
0x41: {  	s0 =	simm.s32 $0x0;
	[sflag:s25] =	ssyncadd.s32 $0xFFFFFD80  }
0x42: {  	s1 =	simm.s32 $0x40;
	v2 =	vld [tilespmem:s0+$0x7900]  }
.LBB2_8:
0x43: {  	p0 =	sne.s32 s1, $0x9C0;
	v3 =	vld [tilespmem:s0+$0x7680];
	_ =	sdelay $0x2  }
.Ltmp3:
0x44: {  	(pc) =	sbr.rel @p0 .LBB2_8-.Ltmp3, $4  }
0x45: {  	_ = 	snop  }
0x46: {  	v3 =	vadd.f32 v2, v3  }
0x47: {  	s2 =	sshra.s32 s1, $0x2  }
0x48: {  	s1 =	sadd.s32 $0x40, s1;
	v2 =	vld [tilespmem:s2+$0x7900];
	[tilespmem:s0+$0x7680] =	vst v3;
	s0 =	smov.u32 s2  }
0x49: {  	v3 =	vld [tilespmem:s0+$0x7680];
	_ =	sdelay $0x4  }
0x4a: {  	v2 =	vadd.f32 v2, v3;
	_ =	sdelay $0x1  }
0x4b: {  	[tilespmem:s0+$0x7680] =	vst v2  }
0x4c: {  	[tilespmem:s29], [sflag:$0x1] =	stream.strided.gather [spmem:s8], $0x280, s24, s23, $0x38;
	[tilespmem:$0xA380] =	vst v63  }
0x4d: {  	_ =	swait.ge [sflag:s25], $0x280  }
0x4e: {  	[sflag:s25] =	ssyncset.done $0x0  }
0x4f: {  	s0 =	simm.s32 $0x0;
	[sflag:s25] =	ssyncadd.s32 $0xFFFFFD80  }
0x50: {  	s1 =	simm.s32 $0x40;
	v2 =	vld [tilespmem:s0+$0x7900]  }
.LBB2_10:
0x51: {  	p0 =	sne.s32 s1, $0x9C0;
	v3 =	vld [tilespmem:s0+$0x7680];
	_ =	sdelay $0x2  }
.Ltmp4:
0x52: {  	(pc) =	sbr.rel @p0 .LBB2_10-.Ltmp4, $4  }
0x53: {  	_ = 	snop  }
0x54: {  	v3 =	vadd.f32 v2, v3  }
0x55: {  	s2 =	sshra.s32 s1, $0x2  }
0x56: {  	s1 =	sadd.s32 $0x40, s1;
	v2 =	vld [tilespmem:s2+$0x7900];
	[tilespmem:s0+$0x7680] =	vst v3;
	s0 =	smov.u32 s2  }
0x57: {  	v3 =	vld [tilespmem:s0+$0x7680];
	_ =	sdelay $0x4  }
0x58: {  	v2 =	vadd.f32 v2, v3;
	_ =	sdelay $0x1  }
0x59: {  	[tilespmem:s0+$0x7680] =	vst v2  }
0x5a: {  	[tilespmem:s29], [sflag:$0x1] =	stream.strided.gather [spmem:s9], $0x280, s24, s23, $0x38;
	[tilespmem:$0xA380] =	vst v63  }
0x5b: {  	_ =	swait.ge [sflag:s25], $0x280  }
0x5c: {  	[sflag:s25] =	ssyncset.done $0x0  }
0x5d: {  	s0 =	simm.s32 $0x0;
	[sflag:s25] =	ssyncadd.s32 $0xFFFFFD80  }
0x5e: {  	s1 =	simm.s32 $0x40;
	v2 =	vld [tilespmem:s0+$0x7900]  }
.LBB2_12:
0x5f: {  	p0 =	sne.s32 s1, $0x9C0;
	v3 =	vld [tilespmem:s0+$0x7680];
	_ =	sdelay $0x2  }
.Ltmp5:
0x60: {  	(pc) =	sbr.rel @p0 .LBB2_12-.Ltmp5, $4  }
0x61: {  	_ = 	snop  }
0x62: {  	v3 =	vadd.f32 v2, v3  }
0x63: {  	s2 =	sshra.s32 s1, $0x2  }
0x64: {  	s1 =	sadd.s32 $0x40, s1;
	v2 =	vld [tilespmem:s2+$0x7900];
	[tilespmem:s0+$0x7680] =	vst v3;
	s0 =	smov.u32 s2  }
0x65: {  	v3 =	vld [tilespmem:s0+$0x7680];
	_ =	sdelay $0x4  }
0x66: {  	v2 =	vadd.f32 v2, v3;
	_ =	sdelay $0x1  }
0x67: {  	[tilespmem:s0+$0x7680] =	vst v2  }
0x68: {  	[tilespmem:s29], [sflag:$0x1] =	stream.strided.gather [spmem:s10], $0x280, s24, s23, $0x38;
	[tilespmem:$0xA380] =	vst v63  }
0x69: {  	_ =	swait.ge [sflag:s25], $0x280  }
0x6a: {  	[sflag:s25] =	ssyncset.done $0x0  }
0x6b: {  	s0 =	simm.s32 $0x0;
	[sflag:s25] =	ssyncadd.s32 $0xFFFFFD80  }
0x6c: {  	s1 =	simm.s32 $0x40;
	v2 =	vld [tilespmem:s0+$0x7900]  }
.LBB2_14:
0x6d: {  	p0 =	sne.s32 s1, $0x9C0;
	v3 =	vld [tilespmem:s0+$0x7680];
	_ =	sdelay $0x2  }
.Ltmp6:
0x6e: {  	(pc) =	sbr.rel @p0 .LBB2_14-.Ltmp6, $4  }
0x6f: {  	_ = 	snop  }
0x70: {  	v3 =	vadd.f32 v2, v3  }
0x71: {  	s2 =	sshra.s32 s1, $0x2  }
0x72: {  	s1 =	sadd.s32 $0x40, s1;
	v2 =	vld [tilespmem:s2+$0x7900];
	[tilespmem:s0+$0x7680] =	vst v3;
	s0 =	smov.u32 s2  }
0x73: {  	v3 =	vld [tilespmem:s0+$0x7680];
	_ =	sdelay $0x4  }
0x74: {  	v2 =	vadd.f32 v2, v3;
	_ =	sdelay $0x1  }
0x75: {  	[tilespmem:s0+$0x7680] =	vst v2  }
0x76: {  	[tilespmem:s29], [sflag:$0x1] =	stream.strided.gather [spmem:s11], $0x280, s24, s23, $0x38;
	[tilespmem:$0xA380] =	vst v63  }
0x77: {  	_ =	swait.ge [sflag:s25], $0x280  }
0x78: {  	[sflag:s25] =	ssyncset.done $0x0  }
0x79: {  	s0 =	simm.s32 $0x0;
	[sflag:s25] =	ssyncadd.s32 $0xFFFFFD80  }
0x7a: {  	s1 =	simm.s32 $0x40;
	v2 =	vld [tilespmem:s0+$0x7900]  }
.LBB2_16:
0x7b: {  	p0 =	sne.s32 s1, $0x9C0;
	v3 =	vld [tilespmem:s0+$0x7680];
	_ =	sdelay $0x2  }
.Ltmp7:
0x7c: {  	(pc) =	sbr.rel @p0 .LBB2_16-.Ltmp7, $4  }
0x7d: {  	_ = 	snop  }
0x7e: {  	v3 =	vadd.f32 v2, v3  }
0x7f: {  	s2 =	sshra.s32 s1, $0x2  }
0x80: {  	s1 =	sadd.s32 $0x40, s1;
	v2 =	vld [tilespmem:s2+$0x7900];
	[tilespmem:s0+$0x7680] =	vst v3;
	s0 =	smov.u32 s2  }
0x81: {  	v3 =	vld [tilespmem:s0+$0x7680];
	_ =	sdelay $0x4  }
0x82: {  	v2 =	vadd.f32 v2, v3;
	_ =	sdelay $0x1  }
0x83: {  	[tilespmem:s0+$0x7680] =	vst v2  }
0x84: {  	[tilespmem:s29], [sflag:$0x1] =	stream.strided.gather [spmem:s12], $0x280, s24, s23, $0x38;
	[tilespmem:$0xA380] =	vst v63  }
0x85: {  	_ =	swait.ge [sflag:s25], $0x280  }
0x86: {  	[sflag:s25] =	ssyncset.done $0x0  }
0x87: {  	s0 =	simm.s32 $0x0;
	[sflag:s25] =	ssyncadd.s32 $0xFFFFFD80  }
0x88: {  	s1 =	simm.s32 $0x40;
	v2 =	vld [tilespmem:s0+$0x7900]  }
.LBB2_18:
0x89: {  	p0 =	sne.s32 s1, $0x9C0;
	v3 =	vld [tilespmem:s0+$0x7680];
	_ =	sdelay $0x2  }
.Ltmp8:
0x8a: {  	(pc) =	sbr.rel @p0 .LBB2_18-.Ltmp8, $4  }
0x8b: {  	_ = 	snop  }
0x8c: {  	v3 =	vadd.f32 v2, v3  }
0x8d: {  	s2 =	sshra.s32 s1, $0x2  }
0x8e: {  	s1 =	sadd.s32 $0x40, s1;
	v2 =	vld [tilespmem:s2+$0x7900];
	[tilespmem:s0+$0x7680] =	vst v3;
	s0 =	smov.u32 s2  }
0x8f: {  	v3 =	vld [tilespmem:s0+$0x7680];
	_ =	sdelay $0x4  }
0x90: {  	v2 =	vadd.f32 v2, v3;
	_ =	sdelay $0x1  }
0x91: {  	[tilespmem:s0+$0x7680] =	vst v2  }
0x92: {  	[tilespmem:s29], [sflag:$0x1] =	stream.strided.gather [spmem:s13], $0x280, s24, s23, $0x38;
	[tilespmem:$0xA380] =	vst v63  }
0x93: {  	_ =	swait.ge [sflag:s25], $0x280  }
0x94: {  	[sflag:s25] =	ssyncset.done $0x0  }
0x95: {  	s0 =	simm.s32 $0x0;
	[sflag:s25] =	ssyncadd.s32 $0xFFFFFD80  }
0x96: {  	s1 =	simm.s32 $0x40;
	v2 =	vld [tilespmem:s0+$0x7900]  }
.LBB2_20:
0x97: {  	p0 =	sne.s32 s1, $0x9C0;
	v3 =	vld [tilespmem:s0+$0x7680];
	_ =	sdelay $0x2  }
.Ltmp9:
0x98: {  	(pc) =	sbr.rel @p0 .LBB2_20-.Ltmp9, $4  }
0x99: {  	_ = 	snop  }
0x9a: {  	v3 =	vadd.f32 v2, v3  }
0x9b: {  	s2 =	sshra.s32 s1, $0x2  }
0x9c: {  	s1 =	sadd.s32 $0x40, s1;
	v2 =	vld [tilespmem:s2+$0x7900];
	[tilespmem:s0+$0x7680] =	vst v3;
	s0 =	smov.u32 s2  }
0x9d: {  	v3 =	vld [tilespmem:s0+$0x7680];
	_ =	sdelay $0x4  }
0x9e: {  	v2 =	vadd.f32 v2, v3;
	_ =	sdelay $0x1  }
0x9f: {  	[tilespmem:s0+$0x7680] =	vst v2  }
0xa0: {  	[tilespmem:s29], [sflag:$0x1] =	stream.strided.gather [spmem:s14], $0x280, s24, s23, $0x38;
	[tilespmem:$0xA380] =	vst v63  }
0xa1: {  	_ =	swait.ge [sflag:s25], $0x280  }
0xa2: {  	[sflag:s25] =	ssyncset.done $0x0  }
0xa3: {  	s0 =	simm.s32 $0x0;
	[sflag:s25] =	ssyncadd.s32 $0xFFFFFD80  }
0xa4: {  	s1 =	simm.s32 $0x40;
	v2 =	vld [tilespmem:s0+$0x7900]  }
.LBB2_22:
0xa5: {  	p0 =	sne.s32 s1, $0x9C0;
	v3 =	vld [tilespmem:s0+$0x7680];
	_ =	sdelay $0x2  }
.Ltmp10:
0xa6: {  	(pc) =	sbr.rel @p0 .LBB2_22-.Ltmp10, $4  }
0xa7: {  	_ = 	snop  }
0xa8: {  	v3 =	vadd.f32 v2, v3  }
0xa9: {  	s2 =	sshra.s32 s1, $0x2  }
0xaa: {  	s1 =	sadd.s32 $0x40, s1;
	v2 =	vld [tilespmem:s2+$0x7900];
	[tilespmem:s0+$0x7680] =	vst v3;
	s0 =	smov.u32 s2  }
0xab: {  	v3 =	vld [tilespmem:s0+$0x7680];
	_ =	sdelay $0x4  }
0xac: {  	v2 =	vadd.f32 v2, v3;
	_ =	sdelay $0x1  }
0xad: {  	[tilespmem:s0+$0x7680] =	vst v2  }
0xae: {  	[tilespmem:s29], [sflag:$0x1] =	stream.strided.gather [spmem:s15], $0x280, s24, s23, $0x38;
	[tilespmem:$0xA380] =	vst v63  }
0xaf: {  	_ =	swait.ge [sflag:s25], $0x280  }
0xb0: {  	[sflag:s25] =	ssyncset.done $0x0  }
0xb1: {  	s0 =	simm.s32 $0x0;
	[sflag:s25] =	ssyncadd.s32 $0xFFFFFD80  }
0xb2: {  	s1 =	simm.s32 $0x40;
	v2 =	vld [tilespmem:s0+$0x7900]  }
.LBB2_24:
0xb3: {  	p0 =	sne.s32 s1, $0x9C0;
	v3 =	vld [tilespmem:s0+$0x7680];
	_ =	sdelay $0x2  }
.Ltmp11:
0xb4: {  	(pc) =	sbr.rel @p0 .LBB2_24-.Ltmp11, $4  }
0xb5: {  	_ = 	snop  }
0xb6: {  	v3 =	vadd.f32 v2, v3  }
0xb7: {  	s2 =	sshra.s32 s1, $0x2  }
0xb8: {  	s1 =	sadd.s32 $0x40, s1;
	v2 =	vld [tilespmem:s2+$0x7900];
	[tilespmem:s0+$0x7680] =	vst v3;
	s0 =	smov.u32 s2  }
0xb9: {  	v3 =	vld [tilespmem:s0+$0x7680];
	_ =	sdelay $0x4  }
0xba: {  	v2 =	vadd.f32 v2, v3;
	_ =	sdelay $0x1  }
0xbb: {  	[tilespmem:s0+$0x7680] =	vst v2  }
0xbc: {  	[tilespmem:s29], [sflag:$0x1] =	stream.strided.gather [spmem:s16], $0x280, s24, s23, $0x38;
	[tilespmem:$0xA380] =	vst v63  }
0xbd: {  	_ =	swait.ge [sflag:s25], $0x280  }
0xbe: {  	[sflag:s25] =	ssyncset.done $0x0  }
0xbf: {  	s0 =	simm.s32 $0x0;
	[sflag:s25] =	ssyncadd.s32 $0xFFFFFD80  }
0xc0: {  	s1 =	simm.s32 $0x40;
	v2 =	vld [tilespmem:s0+$0x7900]  }
.LBB2_26:
0xc1: {  	p0 =	sne.s32 s1, $0x9C0;
	v3 =	vld [tilespmem:s0+$0x7680];
	_ =	sdelay $0x2  }
.Ltmp12:
0xc2: {  	(pc) =	sbr.rel @p0 .LBB2_26-.Ltmp12, $4  }
0xc3: {  	_ = 	snop  }
0xc4: {  	v3 =	vadd.f32 v2, v3  }
0xc5: {  	s2 =	sshra.s32 s1, $0x2  }
0xc6: {  	s1 =	sadd.s32 $0x40, s1;
	v2 =	vld [tilespmem:s2+$0x7900];
	[tilespmem:s0+$0x7680] =	vst v3;
	s0 =	smov.u32 s2  }
0xc7: {  	v3 =	vld [tilespmem:s0+$0x7680];
	_ =	sdelay $0x4  }
0xc8: {  	v2 =	vadd.f32 v2, v3;
	_ =	sdelay $0x1  }
0xc9: {  	[tilespmem:s0+$0x7680] =	vst v2  }
0xca: {  	[tilespmem:s29], [sflag:$0x1] =	stream.strided.gather [spmem:s17], $0x280, s24, s23, $0x38;
	[tilespmem:$0xA380] =	vst v63  }
0xcb: {  	_ =	swait.ge [sflag:s25], $0x280  }
0xcc: {  	[sflag:s25] =	ssyncset.done $0x0  }
0xcd: {  	s0 =	simm.s32 $0x0;
	[sflag:s25] =	ssyncadd.s32 $0xFFFFFD80  }
0xce: {  	s1 =	simm.s32 $0x40;
	v2 =	vld [tilespmem:s0+$0x7900]  }
.LBB2_28:
0xcf: {  	p0 =	sne.s32 s1, $0x9C0;
	v3 =	vld [tilespmem:s0+$0x7680];
	_ =	sdelay $0x2  }
.Ltmp13:
0xd0: {  	(pc) =	sbr.rel @p0 .LBB2_28-.Ltmp13, $4  }
0xd1: {  	_ = 	snop  }
0xd2: {  	v3 =	vadd.f32 v2, v3  }
0xd3: {  	s2 =	sshra.s32 s1, $0x2  }
0xd4: {  	s1 =	sadd.s32 $0x40, s1;
	v2 =	vld [tilespmem:s2+$0x7900];
	[tilespmem:s0+$0x7680] =	vst v3;
	s0 =	smov.u32 s2  }
0xd5: {  	v3 =	vld [tilespmem:s0+$0x7680];
	_ =	sdelay $0x4  }
0xd6: {  	v2 =	vadd.f32 v2, v3;
	_ =	sdelay $0x1  }
0xd7: {  	[tilespmem:s0+$0x7680] =	vst v2  }
0xd8: {  	[tilespmem:s29], [sflag:$0x1] =	stream.strided.gather [spmem:s18], $0x280, s24, s23, $0x38;
	[tilespmem:$0xA380] =	vst v63  }
0xd9: {  	_ =	swait.ge [sflag:s25], $0x280  }
0xda: {  	[sflag:s25] =	ssyncset.done $0x0  }
0xdb: {  	s0 =	simm.s32 $0x0;
	[sflag:s25] =	ssyncadd.s32 $0xFFFFFD80  }
0xdc: {  	s1 =	simm.s32 $0x40;
	v2 =	vld [tilespmem:s0+$0x7900]  }
.LBB2_30:
0xdd: {  	p0 =	sne.s32 s1, $0x9C0;
	v3 =	vld [tilespmem:s0+$0x7680];
	_ =	sdelay $0x2  }
.Ltmp14:
0xde: {  	(pc) =	sbr.rel @p0 .LBB2_30-.Ltmp14, $4  }
0xdf: {  	_ = 	snop  }
0xe0: {  	v3 =	vadd.f32 v2, v3  }
0xe1: {  	s2 =	sshra.s32 s1, $0x2  }
0xe2: {  	s1 =	sadd.s32 $0x40, s1;
	v2 =	vld [tilespmem:s2+$0x7900];
	[tilespmem:s0+$0x7680] =	vst v3;
	s0 =	smov.u32 s2  }
0xe3: {  	v3 =	vld [tilespmem:s0+$0x7680];
	_ =	sdelay $0x4  }
0xe4: {  	v2 =	vadd.f32 v2, v3;
	_ =	sdelay $0x1  }
0xe5: {  	[tilespmem:s0+$0x7680] =	vst v2  }
0xe6: {  	[tilespmem:s29], [sflag:$0x1] =	stream.strided.gather [spmem:s19], $0x280, s24, s23, $0x38;
	[tilespmem:$0xA380] =	vst v63  }
0xe7: {  	_ =	swait.ge [sflag:s25], $0x280  }
0xe8: {  	[sflag:s25] =	ssyncset.done $0x0  }
0xe9: {  	s0 =	simm.s32 $0x0;
	[sflag:s25] =	ssyncadd.s32 $0xFFFFFD80  }
0xea: {  	s1 =	simm.s32 $0x40;
	v2 =	vld [tilespmem:s0+$0x7900]  }
.LBB2_32:
0xeb: {  	p0 =	sne.s32 s1, $0x9C0;
	v3 =	vld [tilespmem:s0+$0x7680];
	_ =	sdelay $0x2  }
.Ltmp15:
0xec: {  	(pc) =	sbr.rel @p0 .LBB2_32-.Ltmp15, $4  }
0xed: {  	_ = 	snop  }
0xee: {  	v3 =	vadd.f32 v2, v3  }
0xef: {  	s2 =	sshra.s32 s1, $0x2  }
0xf0: {  	s1 =	sadd.s32 $0x40, s1;
	v2 =	vld [tilespmem:s2+$0x7900];
	[tilespmem:s0+$0x7680] =	vst v3;
	s0 =	smov.u32 s2  }
0xf1: {  	v3 =	vld [tilespmem:s0+$0x7680];
	_ =	sdelay $0x4  }
0xf2: {  	v2 =	vadd.f32 v2, v3;
	_ =	sdelay $0x1  }
0xf3: {  	[tilespmem:s0+$0x7680] =	vst v2  }
0xf4: {  	[tilespmem:s29], [sflag:$0x1] =	stream.strided.gather [spmem:s20], $0x280, s24, s23, $0x38;
	[tilespmem:$0xA380] =	vst v63  }
0xf5: {  	_ =	swait.ge [sflag:s25], $0x280  }
0xf6: {  	[sflag:s25] =	ssyncset.done $0x0  }
0xf7: {  	s0 =	simm.s32 $0x0;
	[sflag:s25] =	ssyncadd.s32 $0xFFFFFD80  }
0xf8: {  	s1 =	simm.s32 $0x40;
	v2 =	vld [tilespmem:s0+$0x7900]  }
.LBB2_34:
0xf9: {  	p0 =	sne.s32 s1, $0x9C0;
	v3 =	vld [tilespmem:s0+$0x7680];
	_ =	sdelay $0x2  }
.Ltmp16:
0xfa: {  	(pc) =	sbr.rel @p0 .LBB2_34-.Ltmp16, $4  }
0xfb: {  	_ = 	snop  }
0xfc: {  	v3 =	vadd.f32 v2, v3  }
0xfd: {  	s2 =	sshra.s32 s1, $0x2  }
0xfe: {  	s1 =	sadd.s32 $0x40, s1;
	v2 =	vld [tilespmem:s2+$0x7900];
	[tilespmem:s0+$0x7680] =	vst v3;
	s0 =	smov.u32 s2  }
0xff: {  	v3 =	vld [tilespmem:s0+$0x7680];
	_ =	sdelay $0x4  }
0x100: {  	s31 =	sadd.s32 $0x1, s31;
	v2 =	vadd.f32 v2, v3  }
0x101: {  	p0 =	sne.s32 s31, s22  }
.Ltmp17:
0x102: {  	[tilespmem:s0+$0x7680] =	vst v2;
	(pc) =	sbr.rel @p0 .LBB2_1-.Ltmp17, $4  }
0x103: {  	[hbm4b:s21+s23] =	stream.strided.scatter [tilespmem:s28], [sflag:$0x1], $0x280, s30, s23, $0x38;
	[tilespmem:$0xA380] =	vst v63  }
0x104: {  	_ =	swait.ge [sflag:s25], $0x280  }
0x105: {  	[sflag:s25] =	ssyncset.done $0x0  }
0x106: {  	[sflag:s25] =	ssyncadd.s32 $0xFFFFFD80  }
0x107: {  	_ =	sfence.sel $0x180000  }
0x108: {  	[bflag:$0x0] =	sbarrier.arrive $0xFFFF  }
0x109: {  	_ =	strace $0x90000047  }
0x10a: {  	s0 =	stileid.u32;
	[bflag:$0x2] =	sbarrier.arrive $0xFFFF  }
0x10b: {  	p0 =	sne.s32 s0, $0x0;
	s0 =	rddreg [dreg:$0x3]  }
0x10c: {  	s0 =	sadd.s32 @!p0 $0x100000, s0  }
0x10d: {  	[sflag:s0] =	ssyncadd.tile.s32 @!p0 $0x1;
	_ =	shalt  }
.Lfunc_end2:
_tile_overlayer_lowered:
.L_overlay_start_2:
0x10e: {  	(tag) =	ssettag $0x2  }
0x10f: {  	s0 =	rddreg [dreg:$0x0];
	s2 =	stileid.u32  }
0x110: {  	s1 =	rddreg [dreg:$0x1];
	p0 =	sne.s32 s2, $0x0  }
0x111: {  	s3 =	rddreg [dreg:$0x2];
	[bflag:$0x3] =	sbarrier.arrive $0xFFFF;
	s2 =	simm.s32 @!p0 $0x1C01  }
0x112: {  	[timem:s3], [sflag:s2] =	dma.local @!p0 [hbm:s0], s1  }
0x113: {  	s0 =	simm.s32 @!p0 $0x1  }
0x114: {  	_ =	swait.ge @!p0 [sflag:s0], s1  }
0x115: {  	s1 =	ssub.s32 @!p0 $0x0, s1;
	[sflag:s0] =	ssyncset.done @!p0 $0x0  }
0x116: {  	[sflag:s0] =	ssyncadd.s32 @!p0 s1  }
0x117: {  	[bflag:$0x3] =	sbarrier.arrive $0xFFFF  }
0x118: {  	_ =	shalt  }

</sc_bundles>
